<compile_context>
chip_gen: v7x
topology: tpu7x:2x2x1
jax: 0.10.2.dev20260603
libtpu: 0.0.44.dev20260713+nightly
codegen_flags: <defaults>
</compile_context>

<pallas_src>
import functools

import jax
import jax.numpy as jnp
from jax import lax
from jax.experimental import pallas as pl
from jax.experimental.pallas import tpu as pltpu
from jax.experimental.pallas import tpu_sc as plsc

NN = 10000
NPAD = 10240
EE = 320000
HID = 256
HALF = 128
MROW = 384
NW = 32
EPW = EE // NW
CHUNK = 40
NCHUNKS = EPW // CHUNK
EB = 512
NSL = 2000

_PREC = jax.lax.Precision.HIGHEST
_F32 = jnp.float32


def _proj_body(x_ref, w_ref, was_ref, wad_ref, h_ref, as_ref, ad_ref):
    h_ref[...] = jnp.dot(x_ref[...], w_ref[...],
                         preferred_element_type=_F32, precision=_PREC)
    as_ref[...] = jnp.dot(x_ref[...], was_ref[...],
                          preferred_element_type=_F32, precision=_PREC)
    ad_ref[...] = jnp.dot(x_ref[...], wad_ref[...],
                          preferred_element_type=_F32, precision=_PREC)


def _proj(x, w, was16, wad16, rows_blk):
    d_in = x.shape[-1]
    ni = NN // rows_blk
    return pl.pallas_call(
        _proj_body,
        grid=(ni,),
        in_specs=[
            pl.BlockSpec((rows_blk, d_in), lambda i: (i, 0)),
            pl.BlockSpec((d_in, HID), lambda i: (0, 0)),
            pl.BlockSpec((d_in, HALF), lambda i: (0, 0)),
            pl.BlockSpec((d_in, HALF), lambda i: (0, 0)),
        ],
        out_specs=[
            pl.BlockSpec((rows_blk, HID), lambda i: (i, 0)),
            pl.BlockSpec((rows_blk, HALF), lambda i: (i, 0)),
            pl.BlockSpec((rows_blk, HALF), lambda i: (i, 0)),
        ],
        out_shape=[
            jax.ShapeDtypeStruct((NN, HID), _F32),
            jax.ShapeDtypeStruct((NPAD, HALF), _F32),
            jax.ShapeDtypeStruct((NPAD, HALF), _F32),
        ],
    )(x, w, was16, wad16)


def _edges_body(src_h, dst_h, as_h, ad_h, h_h, msg_h,
                src_v, dst_v, as_v, ad_v, h_v, m_v, sem):
    c = lax.axis_index("c")
    t = lax.axis_index("s")
    wbase = (c * 16 + t) * EPW
    head_idx = [jnp.full((16,), v // 2, jnp.int32) for v in range(HID // 16)]

    def _zpad(j, carry):
        for v in range((MROW - (HID + 16)) // 16):
            m_v[j, pl.ds(HID + 16 + v * 16, 16)] = jnp.zeros((16,), _F32)
        return carry

    lax.fori_loop(0, CHUNK, _zpad, 0)

    def _chunk_body(i, carry):
        base = wbase + i * CHUNK
        pltpu.sync_copy(src_h.at[pl.ds(base, CHUNK)], src_v)
        pltpu.sync_copy(dst_h.at[pl.ds(base, CHUNK)], dst_v)
        pltpu.async_copy(as_h.at[src_v], as_v, sem).wait()
        pltpu.async_copy(ad_h.at[dst_v], ad_v, sem).wait()
        pltpu.async_copy(h_h.at[src_v], h_v, sem).wait()

        def _edge_body(j, carry2):
            e = as_v[j, pl.ds(0, 16)] + ad_v[j, pl.ds(0, 16)]
            e = jnp.where(e >= 0.0, e, 0.2 * e)
            srow = jnp.exp(e)
            for v in range(HID // 16):
                m = srow.at[head_idx[v]].get(mode="promise_in_bounds")
                m_v[j, pl.ds(v * 16, 16)] = h_v[j, pl.ds(v * 16, 16)] * m
            m_v[j, pl.ds(HID, 16)] = srow
            return carry2

        lax.fori_loop(0, CHUNK, _edge_body, 0)
        pltpu.sync_copy(m_v, msg_h.at[pl.ds(base, CHUNK)])
        return carry

    lax.fori_loop(0, NCHUNKS, _chunk_body, 0)


_edges = pl.kernel(
    _edges_body,
    mesh=plsc.VectorSubcoreMesh(core_axis_name="c", subcore_axis_name="s"),
    out_type=[
        jax.ShapeDtypeStruct((EE, MROW), _F32),
    ],
    scratch_types=[
        pltpu.VMEM((CHUNK,), jnp.int32),
        pltpu.VMEM((CHUNK,), jnp.int32),
        pltpu.VMEM((CHUNK, HALF), _F32),
        pltpu.VMEM((CHUNK, HALF), _F32),
        pltpu.VMEM((CHUNK, HID), _F32),
        pltpu.VMEM((CHUNK, MROW), _F32),
        pltpu.SemaphoreType.DMA,
    ],
)


def _reduce_body(dst_ref, msg_ref, out_ref):
    k = pl.program_id(0)

    @pl.when(k == 0)
    def _():
        out_ref[...] = jnp.zeros_like(out_ref)

    dstv = dst_ref[0, :]
    msgb = msg_ref[...].astype(jnp.bfloat16)
    for ns in range(NN // NSL):
        ids = lax.broadcasted_iota(jnp.int32, (NSL, EB), 0) + ns * NSL
        p = (ids == dstv[None, :]).astype(jnp.bfloat16)
        mm = jnp.dot(p, msgb, preferred_element_type=_F32)
        out_ref[pl.ds(ns * NSL, NSL), :] += mm


def _reduce(dst2d, msg):
    return pl.pallas_call(
        _reduce_body,
        grid=(EE // EB,),
        in_specs=[
            pl.BlockSpec((1, EB), lambda k: (0, k)),
            pl.BlockSpec((EB, MROW), lambda k: (k, 0)),
        ],
        out_specs=pl.BlockSpec((NN, MROW), lambda k: (0, 0)),
        out_shape=jax.ShapeDtypeStruct((NN, MROW), _F32),
    )(dst2d, msg)


def _make_ffn_body(has_res):
    def body(*refs):
        if has_res:
            (oe, e8, bgat, n1s, n1b, w1, b1, w2, b2, n2s, n2b,
             xin, o_ref) = refs
        else:
            (oe, e8, bgat, n1s, n1b, w1, b1, w2, b2, n2s, n2b,
             o_ref) = refs
        g = oe[:, 0:HID]
        r8 = 1.0 / (oe[:, HID:HID + 8] + 1e-16)
        rexp = jnp.dot(r8, e8[...], preferred_element_type=_F32,
                       precision=_PREC)
        g = g * rexp + bgat[...]
        if has_res:
            g = g + xin[...]
        mu = jnp.mean(g, axis=-1, keepdims=True)
        dgl = g - mu
        var = jnp.mean(dgl * dgl, axis=-1, keepdims=True)
        x1 = dgl * lax.rsqrt(var + 1e-5) * n1s[...] + n1b[...]
        f = jnp.dot(x1, w1[...], preferred_element_type=_F32,
                    precision=_PREC) + b1[...]
        f = jnp.maximum(f, 0.0)
        f = jnp.dot(f, w2[...], preferred_element_type=_F32,
                    precision=_PREC) + b2[...]
        x2 = x1 + f
        mu2 = jnp.mean(x2, axis=-1, keepdims=True)
        d2 = x2 - mu2
        var2 = jnp.mean(d2 * d2, axis=-1, keepdims=True)
        o_ref[...] = d2 * lax.rsqrt(var2 + 1e-5) * n2s[...] + n2b[...]

    return body


def _ffn(oe, e8, bgat, n1s, n1b, w1, b1, w2, b2, n2s, n2b, xin, rows_blk):
    ni = NN // rows_blk
    has_res = xin is not None
    in_specs = [
        pl.BlockSpec((rows_blk, MROW), lambda i: (i, 0)),
        pl.BlockSpec((8, HID), lambda i: (0, 0)),
        pl.BlockSpec((1, HID), lambda i: (0, 0)),
        pl.BlockSpec((1, HID), lambda i: (0, 0)),
        pl.BlockSpec((1, HID), lambda i: (0, 0)),
        pl.BlockSpec((HID, 2 * HID), lambda i: (0, 0)),
        pl.BlockSpec((1, 2 * HID), lambda i: (0, 0)),
        pl.BlockSpec((2 * HID, HID), lambda i: (0, 0)),
        pl.BlockSpec((1, HID), lambda i: (0, 0)),
        pl.BlockSpec((1, HID), lambda i: (0, 0)),
        pl.BlockSpec((1, HID), lambda i: (0, 0)),
    ]
    args = [oe, e8, bgat, n1s, n1b, w1, b1, w2, b2, n2s, n2b]
    if has_res:
        in_specs.append(pl.BlockSpec((rows_blk, HID), lambda i: (i, 0)))
        args.append(xin)
    return pl.pallas_call(
        _make_ffn_body(has_res),
        grid=(ni,),
        in_specs=in_specs,
        out_specs=pl.BlockSpec((rows_blk, HID), lambda i: (i, 0)),
        out_shape=jax.ShapeDtypeStruct((NN, HID), _F32),
    )(*args)


def kernel(x, edge_index, params):
    src = edge_index[0]
    dst = edge_index[1]
    dst2d = dst.reshape(1, EE)
    eye8 = jnp.eye(8, dtype=_F32)
    e8 = jnp.kron(eye8, jnp.ones((1, 32), _F32))

    for li, p in enumerate(params):
        a_s = (p["a_src"][:, :, None] * eye8[:, None, :]).reshape(HID, 8)
        a_d = (p["a_dst"][:, :, None] * eye8[:, None, :]).reshape(HID, 8)
        was16 = jnp.pad(jnp.tile(p["W_gat"] @ a_s, (1, 2)),
                        ((0, 0), (0, HALF - 16)))
        wad16 = jnp.pad(jnp.tile(p["W_gat"] @ a_d, (1, 2)),
                        ((0, 0), (0, HALF - 16)))
        h, asP, adP = _proj(x, p["W_gat"], was16, wad16, 1000)
        msg = _edges(src, dst, asP, adP, h)
        if isinstance(msg, (list, tuple)):
            msg = msg[0]
        oe = _reduce(dst2d, msg)
        xin = x if x.shape[-1] == HID else None
        x = _ffn(oe, e8,
                 p["b_gat"].reshape(1, HID),
                 p["n1_s"].reshape(1, HID), p["n1_b"].reshape(1, HID),
                 p["W1"], p["b1"].reshape(1, 2 * HID),
                 p["W2"], p["b2"].reshape(1, HID),
                 p["n2_s"].reshape(1, HID), p["n2_b"].reshape(1, HID),
                 xin, 1000)
    return x

# --- scband reference (transcript-rebuilt; emitter-appended) ---
"""Pipeline reference for scband-gnnstack-3229815406833 (READ-ONLY COPY).

The authoritative reference and input builder live on the scoring server;
editing this copy changes nothing except your own understanding.
"""

import jax, jax.numpy as jnp
import numpy as np

N = 10000
E = 320000
D_IN = 128
HIDDEN = 256
HEADS = 8
D_HEAD = HIDDEN // HEADS
NUM_LAYERS = 3
INTER = 2


def init_params(key):
    params = []
    for i in range(NUM_LAYERS):
        d_in = D_IN if i == 0 else HIDDEN
        keys = jax.random.split(jax.random.fold_in(key, i), 8)
        def s(k, shape, fan):
            return jax.random.normal(k, shape, jnp.float32) * (1.0 / np.sqrt(fan))
        p = {
            "W_gat": s(keys[0], (d_in, HEADS * D_HEAD), d_in),
            "a_src": s(keys[1], (HEADS, D_HEAD), D_HEAD),
            "a_dst": s(keys[2], (HEADS, D_HEAD), D_HEAD),
            "b_gat": jnp.zeros((HEADS * D_HEAD,), jnp.float32),
            "W1": s(keys[3], (HIDDEN, HIDDEN * INTER), HIDDEN),
            "b1": jnp.zeros((HIDDEN * INTER,), jnp.float32),
            "W2": s(keys[4], (HIDDEN * INTER, HIDDEN), HIDDEN * INTER),
            "b2": jnp.zeros((HIDDEN,), jnp.float32),
            "n1_s": jnp.ones((HIDDEN,), jnp.float32),
            "n1_b": jnp.zeros((HIDDEN,), jnp.float32),
            "n2_s": jnp.ones((HIDDEN,), jnp.float32),
            "n2_b": jnp.zeros((HIDDEN,), jnp.float32),
        }
        params.append(p)
    return params


def layer_norm(x, scale, bias, eps=1e-5):
    mu = jnp.mean(x, axis=-1, keepdims=True)
    var = jnp.mean((x - mu) ** 2, axis=-1, keepdims=True)
    return (x - mu) / jnp.sqrt(var + eps) * scale + bias


def gat_conv(p, x, src, dst):
    # GATConv(in_channels, HIDDEN // heads, heads=heads): concat output -> HIDDEN
    h = (x @ p["W_gat"]).reshape(-1, HEADS, D_HEAD)  # [N, H, Dh]
    alpha_src = jnp.sum(h * p["a_src"], axis=-1)  # [N, H]
    alpha_dst = jnp.sum(h * p["a_dst"], axis=-1)  # [N, H]
    e = alpha_src[src] + alpha_dst[dst]  # [E, H]  (gather)
    e = jax.nn.leaky_relu(e, 0.2)
    # softmax over incoming edges per dst node (numerically stabilized)
    e_max = jax.ops.segment_max(e, dst, num_segments=N)
    e_max = jnp.where(jnp.isfinite(e_max), e_max, 0.0)
    e_max = jax.lax.stop_gradient(e_max)
    ex = jnp.exp(e - e_max[dst])
    denom = jax.ops.segment_sum(ex, dst, num_segments=N)
    alpha = ex / (denom[dst] + 1e-16)  # [E, H]
    msg = h[src] * alpha[:, :, None]  # [E, H, Dh]  (gather + weight)
    out = jax.ops.segment_sum(msg, dst, num_segments=N)  # scatter-add
    return out.reshape(-1, HEADS * D_HEAD) + p["b_gat"]


def gnn_layer(p, x, src, dst):
    # dropout = 0.0 -> identity
    x2 = gat_conv(p, x, src, dst)
    if x.shape[-1] == x2.shape[-1]:
        x = layer_norm(x + x2, p["n1_s"], p["n1_b"])
    else:
        x = layer_norm(x2, p["n1_s"], p["n1_b"])
    x2 = jax.nn.relu(x @ p["W1"] + p["b1"]) @ p["W2"] + p["b2"]
    x = layer_norm(x + x2, p["n2_s"], p["n2_b"])
    return x


def setup_inputs(seed: int = 0) -> dict:
    key = jax.random.key(seed)
    k1, k2, k3 = jax.random.split(key, 3)
    x = jax.random.normal(k1, (N, D_IN), jnp.float32)
    edge_index = jax.random.randint(k2, (2, E), 0, N, jnp.int32)
    params = init_params(k3)
    return {"x": x, "edge_index": edge_index, "params": params}


def reference(x, edge_index, params):
    src, dst = edge_index[0], edge_index[1]
    for p in params:
        x = gnn_layer(p, x, src, dst)
    return x

if __name__ == "__main__":
    import jax
    _d = setup_inputs()
    print(jax.jit(kernel)(*tuple(_d.values())))

</pallas_src>

<mosaic_0001>
#map = affine_map<(d0, d1) -> (0)>
#map1 = affine_map<(d0, d1) -> (0, 0)>
module attributes {stable_mosaic.version = 14 : i64} {
  func.func @_edges_body(%arg0: i32, %arg1: i32, %arg2: memref<320000xi32, #tpu.memory_space<hbm>>, %arg3: memref<320000xi32, #tpu.memory_space<hbm>>, %arg4: memref<10240x128xf32, #tpu.memory_space<hbm>>, %arg5: memref<10240x128xf32, #tpu.memory_space<hbm>>, %arg6: memref<10000x256xf32, #tpu.memory_space<hbm>>, %arg7: memref<320000x384xf32, #tpu.memory_space<hbm>>, %arg8: memref<40xi32, #tpu.memory_space<vmem>>, %arg9: memref<40xi32, #tpu.memory_space<vmem>>, %arg10: memref<40x128xf32, #tpu.memory_space<vmem>>, %arg11: memref<40x128xf32, #tpu.memory_space<vmem>>, %arg12: memref<40x256xf32, #tpu.memory_space<vmem>>, %arg13: memref<40x384xf32, #tpu.memory_space<vmem>>, %arg14: memref<!tpu.dma_semaphore, #tpu.memory_space<semaphore_mem>>) attributes {dimension_semantics = [#tpu.dimension_semantics<core_parallel>, #tpu.dimension_semantics<subcore_parallel>], iteration_bounds = array<i64: 2, 16>, scalar_prefetch = 0 : i64, scratch_operands = 7 : i64, tpu.core_type = #tpu.core_type<sc_vector_subcore>, window_params = [{transform_indices = #map}, {transform_indices = #map}, {transform_indices = #map1}, {transform_indices = #map1}, {transform_indices = #map1}, {transform_indices = #map1}]} {
    %mul3A = arith.constant 16 : i32
    %mul3A_0 = arith.muli %arg0, %mul3A : i32
    %add3A = arith.addi %mul3A_0, %arg1 : i32
    %mul3A_1 = arith.constant 10000 : i32
    %mul3A_2 = arith.muli %add3A, %mul3A_1 : i32
    %broadcast_in_dim3A = arith.constant 0 : i32
    %broadcast_in_dim3A_3 = vector.broadcast %broadcast_in_dim3A : i32 to vector<16xi32>
    %broadcast_in_dim3A_4 = arith.constant 0 : i32
    %broadcast_in_dim3A_5 = vector.broadcast %broadcast_in_dim3A_4 : i32 to vector<16xi32>
    %broadcast_in_dim3A_6 = arith.constant 1 : i32
    %broadcast_in_dim3A_7 = vector.broadcast %broadcast_in_dim3A_6 : i32 to vector<16xi32>
    %broadcast_in_dim3A_8 = arith.constant 1 : i32
    %broadcast_in_dim3A_9 = vector.broadcast %broadcast_in_dim3A_8 : i32 to vector<16xi32>
    %broadcast_in_dim3A_10 = arith.constant 2 : i32
    %broadcast_in_dim3A_11 = vector.broadcast %broadcast_in_dim3A_10 : i32 to vector<16xi32>
    %broadcast_in_dim3A_12 = arith.constant 2 : i32
    %broadcast_in_dim3A_13 = vector.broadcast %broadcast_in_dim3A_12 : i32 to vector<16xi32>
    %broadcast_in_dim3A_14 = arith.constant 3 : i32
    %broadcast_in_dim3A_15 = vector.broadcast %broadcast_in_dim3A_14 : i32 to vector<16xi32>
    %broadcast_in_dim3A_16 = arith.constant 3 : i32
    %broadcast_in_dim3A_17 = vector.broadcast %broadcast_in_dim3A_16 : i32 to vector<16xi32>
    %broadcast_in_dim3A_18 = arith.constant 4 : i32
    %broadcast_in_dim3A_19 = vector.broadcast %broadcast_in_dim3A_18 : i32 to vector<16xi32>
    %broadcast_in_dim3A_20 = arith.constant 4 : i32
    %broadcast_in_dim3A_21 = vector.broadcast %broadcast_in_dim3A_20 : i32 to vector<16xi32>
    %broadcast_in_dim3A_22 = arith.constant 5 : i32
    %broadcast_in_dim3A_23 = vector.broadcast %broadcast_in_dim3A_22 : i32 to vector<16xi32>
    %broadcast_in_dim3A_24 = arith.constant 5 : i32
    %broadcast_in_dim3A_25 = vector.broadcast %broadcast_in_dim3A_24 : i32 to vector<16xi32>
    %broadcast_in_dim3A_26 = arith.constant 6 : i32
    %broadcast_in_dim3A_27 = vector.broadcast %broadcast_in_dim3A_26 : i32 to vector<16xi32>
    %broadcast_in_dim3A_28 = arith.constant 6 : i32
    %broadcast_in_dim3A_29 = vector.broadcast %broadcast_in_dim3A_28 : i32 to vector<16xi32>
    %broadcast_in_dim3A_30 = arith.constant 7 : i32
    %broadcast_in_dim3A_31 = vector.broadcast %broadcast_in_dim3A_30 : i32 to vector<16xi32>
    %broadcast_in_dim3A_32 = arith.constant 7 : i32
    %broadcast_in_dim3A_33 = vector.broadcast %broadcast_in_dim3A_32 : i32 to vector<16xi32>
    %scan3A = arith.constant 0 : i32
    %scan3A_34 = arith.constant 0 : i32
    %scan3A_35 = arith.constant 40 : i32
    %scan3A_36 = arith.addi %scan3A_34, %scan3A_35 : i32
    %scan3A_37 = arith.constant 1 : i32
    scf.for %scan3A_45 = %scan3A_34 to %scan3A_36 step %scan3A_37  : i32 {
      %broadcast_in_dim3A_46 = arith.constant 0.000000e+00 : f32
      %broadcast_in_dim3A_47 = vector.broadcast %broadcast_in_dim3A_46 : f32 to vector<16xf32>
      %swap3A = arith.index_cast %scan3A_45 : i32 to index
      %swap3A_48 = arith.constant 272 : index
      %swap3A_49 = tpu.vector_load %arg13[%swap3A, %swap3A_48] {strides = array<i32>} : memref<40x384xf32, #tpu.memory_space<vmem>>, vector<1x16xf32>,
      %swap3A_50 = vector.shape_cast %swap3A_49 : vector<1x16xf32> to vector<16xf32>
      %swap3A_51 = vector.shape_cast %broadcast_in_dim3A_47 : vector<16xf32> to vector<1x16xf32>
      tpu.vector_store %arg13[%swap3A, %swap3A_48], %swap3A_51 {strides = array<i32>} : memref<40x384xf32, #tpu.memory_space<vmem>>, vector<1x16xf32>,
      %broadcast_in_dim3A_52 = arith.constant 0.000000e+00 : f32
      %broadcast_in_dim3A_53 = vector.broadcast %broadcast_in_dim3A_52 : f32 to vector<16xf32>
      %swap3A_54 = arith.index_cast %scan3A_45 : i32 to index
      %swap3A_55 = arith.constant 288 : index
      %swap3A_56 = tpu.vector_load %arg13[%swap3A_54, %swap3A_55] {strides = array<i32>} : memref<40x384xf32, #tpu.memory_space<vmem>>, vector<1x16xf32>,
      %swap3A_57 = vector.shape_cast %swap3A_56 : vector<1x16xf32> to vector<16xf32>
      %swap3A_58 = vector.shape_cast %broadcast_in_dim3A_53 : vector<16xf32> to vector<1x16xf32>
      tpu.vector_store %arg13[%swap3A_54, %swap3A_55], %swap3A_58 {strides = array<i32>} : memref<40x384xf32, #tpu.memory_space<vmem>>, vector<1x16xf32>,
      %broadcast_in_dim3A_59 = arith.constant 0.000000e+00 : f32
      %broadcast_in_dim3A_60 = vector.broadcast %broadcast_in_dim3A_59 : f32 to vector<16xf32>
      %swap3A_61 = arith.index_cast %scan3A_45 : i32 to index
      %swap3A_62 = arith.constant 304 : index
      %swap3A_63 = tpu.vector_load %arg13[%swap3A_61, %swap3A_62] {strides = array<i32>} : memref<40x384xf32, #tpu.memory_space<vmem>>, vector<1x16xf32>,
      %swap3A_64 = vector.shape_cast %swap3A_63 : vector<1x16xf32> to vector<16xf32>
      %swap3A_65 = vector.shape_cast %broadcast_in_dim3A_60 : vector<16xf32> to vector<1x16xf32>
      tpu.vector_store %arg13[%swap3A_61, %swap3A_62], %swap3A_65 {strides = array<i32>} : memref<40x384xf32, #tpu.memory_space<vmem>>, vector<1x16xf32>,
      %broadcast_in_dim3A_66 = arith.constant 0.000000e+00 : f32
      %broadcast_in_dim3A_67 = vector.broadcast %broadcast_in_dim3A_66 : f32 to vector<16xf32>
      %swap3A_68 = arith.index_cast %scan3A_45 : i32 to index
      %swap3A_69 = arith.constant 320 : index
      %swap3A_70 = tpu.vector_load %arg13[%swap3A_68, %swap3A_69] {strides = array<i32>} : memref<40x384xf32, #tpu.memory_space<vmem>>, vector<1x16xf32>,
      %swap3A_71 = vector.shape_cast %swap3A_70 : vector<1x16xf32> to vector<16xf32>
      %swap3A_72 = vector.shape_cast %broadcast_in_dim3A_67 : vector<16xf32> to vector<1x16xf32>
      tpu.vector_store %arg13[%swap3A_68, %swap3A_69], %swap3A_72 {strides = array<i32>} : memref<40x384xf32, #tpu.memory_space<vmem>>, vector<1x16xf32>,
      %broadcast_in_dim3A_73 = arith.constant 0.000000e+00 : f32
      %broadcast_in_dim3A_74 = vector.broadcast %broadcast_in_dim3A_73 : f32 to vector<16xf32>
      %swap3A_75 = arith.index_cast %scan3A_45 : i32 to index
      %swap3A_76 = arith.constant 336 : index
      %swap3A_77 = tpu.vector_load %arg13[%swap3A_75, %swap3A_76] {strides = array<i32>} : memref<40x384xf32, #tpu.memory_space<vmem>>, vector<1x16xf32>,
      %swap3A_78 = vector.shape_cast %swap3A_77 : vector<1x16xf32> to vector<16xf32>
      %swap3A_79 = vector.shape_cast %broadcast_in_dim3A_74 : vector<16xf32> to vector<1x16xf32>
      tpu.vector_store %arg13[%swap3A_75, %swap3A_76], %swap3A_79 {strides = array<i32>} : memref<40x384xf32, #tpu.memory_space<vmem>>, vector<1x16xf32>,
      %broadcast_in_dim3A_80 = arith.constant 0.000000e+00 : f32
      %broadcast_in_dim3A_81 = vector.broadcast %broadcast_in_dim3A_80 : f32 to vector<16xf32>
      %swap3A_82 = arith.index_cast %scan3A_45 : i32 to index
      %swap3A_83 = arith.constant 352 : index
      %swap3A_84 = tpu.vector_load %arg13[%swap3A_82, %swap3A_83] {strides = array<i32>} : memref<40x384xf32, #tpu.memory_space<vmem>>, vector<1x16xf32>,
      %swap3A_85 = vector.shape_cast %swap3A_84 : vector<1x16xf32> to vector<16xf32>
      %swap3A_86 = vector.shape_cast %broadcast_in_dim3A_81 : vector<16xf32> to vector<1x16xf32>
      tpu.vector_store %arg13[%swap3A_82, %swap3A_83], %swap3A_86 {strides = array<i32>} : memref<40x384xf32, #tpu.memory_space<vmem>>, vector<1x16xf32>,
      %broadcast_in_dim3A_87 = arith.constant 0.000000e+00 : f32
      %broadcast_in_dim3A_88 = vector.broadcast %broadcast_in_dim3A_87 : f32 to vector<16xf32>
      %swap3A_89 = arith.index_cast %scan3A_45 : i32 to index
      %swap3A_90 = arith.constant 368 : index
      %swap3A_91 = tpu.vector_load %arg13[%swap3A_89, %swap3A_90] {strides = array<i32>} : memref<40x384xf32, #tpu.memory_space<vmem>>, vector<1x16xf32>,
      %swap3A_92 = vector.shape_cast %swap3A_91 : vector<1x16xf32> to vector<16xf32>
      %swap3A_93 = vector.shape_cast %broadcast_in_dim3A_88 : vector<16xf32> to vector<1x16xf32>
      tpu.vector_store %arg13[%swap3A_89, %swap3A_90], %swap3A_93 {strides = array<i32>} : memref<40x384xf32, #tpu.memory_space<vmem>>, vector<1x16xf32>,
    }
    %scan3A_38 = arith.constant 40 : i32
    %scan3A_39 = arith.constant 0 : i32
    %scan3A_40 = arith.constant 0 : i32
    %scan3A_41 = arith.constant 250 : i32
    %scan3A_42 = arith.addi %scan3A_40, %scan3A_41 : i32
    %scan3A_43 = arith.constant 1 : i32
    scf.for %scan3A_45 = %scan3A_40 to %scan3A_42 step %scan3A_43  : i32 {
      %mul3A_46 = arith.constant 40 : i32
      %mul3A_47 = arith.muli %scan3A_45, %mul3A_46 : i32
      %add3A_48 = arith.addi %mul3A_2, %mul3A_47 : i32
      "tpu.region"() ({
        %run_scoped3A = tpu.sem_alloc : memref<!tpu.dma_semaphore, #tpu.memory_space<semaphore_mem>>
        %dma_start3A_71 = tpu.memref_slice %arg2[%add3A_48] : memref<320000xi32, #tpu.memory_space<hbm>> -> memref<40xi32, #tpu.memory_space<hbm>>
        %dma_start3A_72 = tpu.memref_slice %arg2[%add3A_48] : memref<320000xi32, #tpu.memory_space<hbm>> -> memref<40xi32, #tpu.memory_space<hbm>>
        tpu.enqueue_dma source(%dma_start3A_72 : memref<40xi32, #tpu.memory_space<hbm>>) target(%arg8 : memref<40xi32, #tpu.memory_space<vmem>>) target_semaphore(%run_scoped3A : memref<!tpu.dma_semaphore, #tpu.memory_space<semaphore_mem>>)
        %dma_wait3A_73 = tpu.memref_slice %arg2[%add3A_48] : memref<320000xi32, #tpu.memory_space<hbm>> -> memref<40xi32, #tpu.memory_space<hbm>>
        %dma_wait3A_74 = tpu.memref_slice %arg2[%add3A_48] : memref<320000xi32, #tpu.memory_space<hbm>> -> memref<40xi32, #tpu.memory_space<hbm>>
        tpu.wait_dma2 semaphore(%run_scoped3A : memref<!tpu.dma_semaphore, #tpu.memory_space<semaphore_mem>>) src(%dma_wait3A_74 : memref<40xi32, #tpu.memory_space<hbm>>) dst(%arg8 : memref<40xi32, #tpu.memory_space<vmem>>)
        tpu.yield
      }) : () -> ()
      "tpu.region"() ({
        %run_scoped3A = tpu.sem_alloc : memref<!tpu.dma_semaphore, #tpu.memory_space<semaphore_mem>>
        %dma_start3A_71 = tpu.memref_slice %arg3[%add3A_48] : memref<320000xi32, #tpu.memory_space<hbm>> -> memref<40xi32, #tpu.memory_space<hbm>>
        %dma_start3A_72 = tpu.memref_slice %arg3[%add3A_48] : memref<320000xi32, #tpu.memory_space<hbm>> -> memref<40xi32, #tpu.memory_space<hbm>>
        tpu.enqueue_dma source(%dma_start3A_72 : memref<40xi32, #tpu.memory_space<hbm>>) target(%arg9 : memref<40xi32, #tpu.memory_space<vmem>>) target_semaphore(%run_scoped3A : memref<!tpu.dma_semaphore, #tpu.memory_space<semaphore_mem>>)
        %dma_wait3A_73 = tpu.memref_slice %arg3[%add3A_48] : memref<320000xi32, #tpu.memory_space<hbm>> -> memref<40xi32, #tpu.memory_space<hbm>>
        %dma_wait3A_74 = tpu.memref_slice %arg3[%add3A_48] : memref<320000xi32, #tpu.memory_space<hbm>> -> memref<40xi32, #tpu.memory_space<hbm>>
        tpu.wait_dma2 semaphore(%run_scoped3A : memref<!tpu.dma_semaphore, #tpu.memory_space<semaphore_mem>>) src(%dma_wait3A_74 : memref<40xi32, #tpu.memory_space<hbm>>) dst(%arg9 : memref<40xi32, #tpu.memory_space<vmem>>)
        tpu.yield
      }) : () -> ()
      %dma_start3A = arith.constant 0 : i32
      %dma_start3A_49 = arith.constant 0 : i32
      %dma_start3A_50 = tpu.memref_slice %arg4[%dma_start3A, %dma_start3A_49] : memref<10240x128xf32, #tpu.memory_space<hbm>> -> memref<10240x128xf32, #tpu.memory_space<hbm>>
      tpu.enqueue_indirect_dma source(%dma_start3A_50 : memref<10240x128xf32, #tpu.memory_space<hbm>>) target(%arg10 : memref<40x128xf32, #tpu.memory_space<vmem>>) offsets(%arg8 : memref<40xi32, #tpu.memory_space<vmem>>) semaphore(%arg14 : memref<!tpu.dma_semaphore, #tpu.memory_space<semaphore_mem>>)
      %dma_wait3A = arith.constant 0 : i32
      %dma_wait3A_51 = arith.constant 0 : i32
      %dma_wait3A_52 = tpu.memref_slice %arg4[%dma_wait3A, %dma_wait3A_51] : memref<10240x128xf32, #tpu.memory_space<hbm>> -> memref<10240x128xf32, #tpu.memory_space<hbm>>
      tpu.wait_indirect_dma semaphore(%arg14 : memref<!tpu.dma_semaphore, #tpu.memory_space<semaphore_mem>>) src(%dma_wait3A_52 : memref<10240x128xf32, #tpu.memory_space<hbm>>) dst(%arg10 : memref<40x128xf32, #tpu.memory_space<vmem>>)
      %dma_start3A_53 = arith.constant 0 : i32
      %dma_start3A_54 = arith.constant 0 : i32
      %dma_start3A_55 = tpu.memref_slice %arg5[%dma_start3A_53, %dma_start3A_54] : memref<10240x128xf32, #tpu.memory_space<hbm>> -> memref<10240x128xf32, #tpu.memory_space<hbm>>
      tpu.enqueue_indirect_dma source(%dma_start3A_55 : memref<10240x128xf32, #tpu.memory_space<hbm>>) target(%arg11 : memref<40x128xf32, #tpu.memory_space<vmem>>) offsets(%arg9 : memref<40xi32, #tpu.memory_space<vmem>>) semaphore(%arg14 : memref<!tpu.dma_semaphore, #tpu.memory_space<semaphore_mem>>)
      %dma_wait3A_56 = arith.constant 0 : i32
      %dma_wait3A_57 = arith.constant 0 : i32
      %dma_wait3A_58 = tpu.memref_slice %arg5[%dma_wait3A_56, %dma_wait3A_57] : memref<10240x128xf32, #tpu.memory_space<hbm>> -> memref<10240x128xf32, #tpu.memory_space<hbm>>
      tpu.wait_indirect_dma semaphore(%arg14 : memref<!tpu.dma_semaphore, #tpu.memory_space<semaphore_mem>>) src(%dma_wait3A_58 : memref<10240x128xf32, #tpu.memory_space<hbm>>) dst(%arg11 : memref<40x128xf32, #tpu.memory_space<vmem>>)
      %dma_start3A_59 = arith.constant 0 : i32
      %dma_start3A_60 = arith.constant 0 : i32
      %dma_start3A_61 = tpu.memref_slice %arg6[%dma_start3A_59, %dma_start3A_60] : memref<10000x256xf32, #tpu.memory_space<hbm>> -> memref<10000x256xf32, #tpu.memory_space<hbm>>
      tpu.enqueue_indirect_dma source(%dma_start3A_61 : memref<10000x256xf32, #tpu.memory_space<hbm>>) target(%arg12 : memref<40x256xf32, #tpu.memory_space<vmem>>) offsets(%arg8 : memref<40xi32, #tpu.memory_space<vmem>>) semaphore(%arg14 : memref<!tpu.dma_semaphore, #tpu.memory_space<semaphore_mem>>)
      %dma_wait3A_62 = arith.constant 0 : i32
      %dma_wait3A_63 = arith.constant 0 : i32
      %dma_wait3A_64 = tpu.memref_slice %arg6[%dma_wait3A_62, %dma_wait3A_63] : memref<10000x256xf32, #tpu.memory_space<hbm>> -> memref<10000x256xf32, #tpu.memory_space<hbm>>
      tpu.wait_indirect_dma semaphore(%arg14 : memref<!tpu.dma_semaphore, #tpu.memory_space<semaphore_mem>>) src(%dma_wait3A_64 : memref<10000x256xf32, #tpu.memory_space<hbm>>) dst(%arg12 : memref<40x256xf32, #tpu.memory_space<vmem>>)
      %scan3A_65 = arith.constant 0 : i32
      %scan3A_66 = arith.constant 0 : i32
      %scan3A_67 = arith.constant 40 : i32
      %scan3A_68 = arith.addi %scan3A_66, %scan3A_67 : i32
      %scan3A_69 = arith.constant 1 : i32
      scf.for %scan3A_71 = %scan3A_66 to %scan3A_68 step %scan3A_69  : i32 {
        %get3A = arith.index_cast %scan3A_71 : i32 to index
        %get3A_72 = arith.constant 0 : index
        %get3A_73 = tpu.vector_load %arg10[%get3A, %get3A_72] {strides = array<i32>} : memref<40x128xf32, #tpu.memory_space<vmem>>, vector<1x16xf32>,
        %get3A_74 = vector.shape_cast %get3A_73 : vector<1x16xf32> to vector<16xf32>
        %get3A_75 = arith.index_cast %scan3A_71 : i32 to index
        %get3A_76 = arith.constant 0 : index
        %get3A_77 = tpu.vector_load %arg11[%get3A_75, %get3A_76] {strides = array<i32>} : memref<40x128xf32, #tpu.memory_space<vmem>>, vector<1x16xf32>,
        %get3A_78 = vector.shape_cast %get3A_77 : vector<1x16xf32> to vector<16xf32>
        %add3A_79 = arith.addf %get3A_74, %get3A_78 : vector<16xf32>
        %ge3A = arith.constant 0.000000e+00 : f32
        %ge3A_80 = vector.broadcast %ge3A : f32 to vector<16xf32>
        %ge3A_81 = arith.cmpf oge, %add3A_79, %ge3A_80 : vector<16xf32>
        %mul3A_82 = arith.constant 2.000000e-01 : f32
        %mul3A_83 = vector.broadcast %mul3A_82 : f32 to vector<16xf32>
        %mul3A_84 = arith.mulf %mul3A_83, %add3A_79 : vector<16xf32>
        %select_n3A = arith.select %ge3A_81, %add3A_79, %mul3A_84 : vector<16xi1>, vector<16xf32>
        %exp3A = math.exp %select_n3A : vector<16xf32>
        %lt3A = arith.constant 0 : i32
        %lt3A_85 = vector.broadcast %lt3A : i32 to vector<16xi32>
        %lt3A_86 = arith.cmpi slt, %broadcast_in_dim3A_3, %lt3A_85 : vector<16xi32>
        %add3A_87 = arith.constant 16 : i32
        %add3A_88 = vector.broadcast %add3A_87 : i32 to vector<16xi32>
        %add3A_89 = arith.addi %broadcast_in_dim3A_3, %add3A_88 : vector<16xi32>
        %select_n3A_90 = arith.select %lt3A_86, %add3A_89, %broadcast_in_dim3A_3 : vector<16xi1>, vector<16xi32>
        %broadcast_in_dim3A_91 = vector.shape_cast %select_n3A_90 : vector<16xi32> to vector<16x1xi32>
        %gather3A = vector.shape_cast %broadcast_in_dim3A_91 : vector<16x1xi32> to vector<16xi32>
        %gather3A_92 = tpu.dynamic_gather %exp3A[%gather3A] in [0] : vector<16xf32>, vector<16xi32> -> vector<16xf32>
        %get3A_93 = arith.index_cast %scan3A_71 : i32 to index
        %get3A_94 = arith.constant 0 : index
        %get3A_95 = tpu.vector_load %arg12[%get3A_93, %get3A_94] {strides = array<i32>} : memref<40x256xf32, #tpu.memory_space<vmem>>, vector<1x16xf32>,
        %get3A_96 = vector.shape_cast %get3A_95 : vector<1x16xf32> to vector<16xf32>
        %mul3A_97 = arith.mulf %get3A_96, %gather3A_92 : vector<16xf32>
        %swap3A = arith.index_cast %scan3A_71 : i32 to index
        %swap3A_98 = arith.constant 0 : index
        %swap3A_99 = tpu.vector_load %arg13[%swap3A, %swap3A_98] {strides = array<i32>} : memref<40x384xf32, #tpu.memory_space<vmem>>, vector<1x16xf32>,
        %swap3A_100 = vector.shape_cast %swap3A_99 : vector<1x16xf32> to vector<16xf32>
        %swap3A_101 = vector.shape_cast %mul3A_97 : vector<16xf32> to vector<1x16xf32>
        tpu.vector_store %arg13[%swap3A, %swap3A_98], %swap3A_101 {strides = array<i32>} : memref<40x384xf32, #tpu.memory_space<vmem>>, vector<1x16xf32>,
        %lt3A_102 = arith.constant 0 : i32
        %lt3A_103 = vector.broadcast %lt3A_102 : i32 to vector<16xi32>
        %lt3A_104 = arith.cmpi slt, %broadcast_in_dim3A_5, %lt3A_103 : vector<16xi32>
        %add3A_105 = arith.constant 16 : i32
        %add3A_106 = vector.broadcast %add3A_105 : i32 to vector<16xi32>
        %add3A_107 = arith.addi %broadcast_in_dim3A_5, %add3A_106 : vector<16xi32>
        %select_n3A_108 = arith.select %lt3A_104, %add3A_107, %broadcast_in_dim3A_5 : vector<16xi1>, vector<16xi32>
        %broadcast_in_dim3A_109 = vector.shape_cast %select_n3A_108 : vector<16xi32> to vector<16x1xi32>
        %gather3A_110 = vector.shape_cast %broadcast_in_dim3A_109 : vector<16x1xi32> to vector<16xi32>
        %gather3A_111 = tpu.dynamic_gather %exp3A[%gather3A_110] in [0] : vector<16xf32>, vector<16xi32> -> vector<16xf32>
        %get3A_112 = arith.index_cast %scan3A_71 : i32 to index
        %get3A_113 = arith.constant 16 : index
        %get3A_114 = tpu.vector_load %arg12[%get3A_112, %get3A_113] {strides = array<i32>} : memref<40x256xf32, #tpu.memory_space<vmem>>, vector<1x16xf32>,
        %get3A_115 = vector.shape_cast %get3A_114 : vector<1x16xf32> to vector<16xf32>
        %mul3A_116 = arith.mulf %get3A_115, %gather3A_111 : vector<16xf32>
        %swap3A_117 = arith.index_cast %scan3A_71 : i32 to index
        %swap3A_118 = arith.constant 16 : index
        %swap3A_119 = tpu.vector_load %arg13[%swap3A_117, %swap3A_118] {strides = array<i32>} : memref<40x384xf32, #tpu.memory_space<vmem>>, vector<1x16xf32>,
        %swap3A_120 = vector.shape_cast %swap3A_119 : vector<1x16xf32> to vector<16xf32>
        %swap3A_121 = vector.shape_cast %mul3A_116 : vector<16xf32> to vector<1x16xf32>
        tpu.vector_store %arg13[%swap3A_117, %swap3A_118], %swap3A_121 {strides = array<i32>} : memref<40x384xf32, #tpu.memory_space<vmem>>, vector<1x16xf32>,
        %lt3A_122 = arith.constant 0 : i32
        %lt3A_123 = vector.broadcast %lt3A_122 : i32 to vector<16xi32>
        %lt3A_124 = arith.cmpi slt, %broadcast_in_dim3A_7, %lt3A_123 : vector<16xi32>
        %add3A_125 = arith.constant 16 : i32
        %add3A_126 = vector.broadcast %add3A_125 : i32 to vector<16xi32>
        %add3A_127 = arith.addi %broadcast_in_dim3A_7, %add3A_126 : vector<16xi32>
        %select_n3A_128 = arith.select %lt3A_124, %add3A_127, %broadcast_in_dim3A_7 : vector<16xi1>, vector<16xi32>
        %broadcast_in_dim3A_129 = vector.shape_cast %select_n3A_128 : vector<16xi32> to vector<16x1xi32>
        %gather3A_130 = vector.shape_cast %broadcast_in_dim3A_129 : vector<16x1xi32> to vector<16xi32>
        %gather3A_131 = tpu.dynamic_gather %exp3A[%gather3A_130] in [0] : vector<16xf32>, vector<16xi32> -> vector<16xf32>
        %get3A_132 = arith.index_cast %scan3A_71 : i32 to index
        %get3A_133 = arith.constant 32 : index
        %get3A_134 = tpu.vector_load %arg12[%get3A_132, %get3A_133] {strides = array<i32>} : memref<40x256xf32, #tpu.memory_space<vmem>>, vector<1x16xf32>,
        %get3A_135 = vector.shape_cast %get3A_134 : vector<1x16xf32> to vector<16xf32>
        %mul3A_136 = arith.mulf %get3A_135, %gather3A_131 : vector<16xf32>
        %swap3A_137 = arith.index_cast %scan3A_71 : i32 to index
        %swap3A_138 = arith.constant 32 : index
        %swap3A_139 = tpu.vector_load %arg13[%swap3A_137, %swap3A_138] {strides = array<i32>} : memref<40x384xf32, #tpu.memory_space<vmem>>, vector<1x16xf32>,
        %swap3A_140 = vector.shape_cast %swap3A_139 : vector<1x16xf32> to vector<16xf32>
        %swap3A_141 = vector.shape_cast %mul3A_136 : vector<16xf32> to vector<1x16xf32>
        tpu.vector_store %arg13[%swap3A_137, %swap3A_138], %swap3A_141 {strides = array<i32>} : memref<40x384xf32, #tpu.memory_space<vmem>>, vector<1x16xf32>,
        %lt3A_142 = arith.constant 0 : i32
        %lt3A_143 = vector.broadcast %lt3A_142 : i32 to vector<16xi32>
        %lt3A_144 = arith.cmpi slt, %broadcast_in_dim3A_9, %lt3A_143 : vector<16xi32>
        %add3A_145 = arith.constant 16 : i32
        %add3A_146 = vector.broadcast %add3A_145 : i32 to vector<16xi32>
        %add3A_147 = arith.addi %broadcast_in_dim3A_9, %add3A_146 : vector<16xi32>
        %select_n3A_148 = arith.select %lt3A_144, %add3A_147, %broadcast_in_dim3A_9 : vector<16xi1>, vector<16xi32>
        %broadcast_in_dim3A_149 = vector.shape_cast %select_n3A_148 : vector<16xi32> to vector<16x1xi32>
        %gather3A_150 = vector.shape_cast %broadcast_in_dim3A_149 : vector<16x1xi32> to vector<16xi32>
        %gather3A_151 = tpu.dynamic_gather %exp3A[%gather3A_150] in [0] : vector<16xf32>, vector<16xi32> -> vector<16xf32>
        %get3A_152 = arith.index_cast %scan3A_71 : i32 to index
        %get3A_153 = arith.constant 48 : index
        %get3A_154 = tpu.vector_load %arg12[%get3A_152, %get3A_153] {strides = array<i32>} : memref<40x256xf32, #tpu.memory_space<vmem>>, vector<1x16xf32>,
        %get3A_155 = vector.shape_cast %get3A_154 : vector<1x16xf32> to vector<16xf32>
        %mul3A_156 = arith.mulf %get3A_155, %gather3A_151 : vector<16xf32>
        %swap3A_157 = arith.index_cast %scan3A_71 : i32 to index
        %swap3A_158 = arith.constant 48 : index
        %swap3A_159 = tpu.vector_load %arg13[%swap3A_157, %swap3A_158] {strides = array<i32>} : memref<40x384xf32, #tpu.memory_space<vmem>>, vector<1x16xf32>,
        %swap3A_160 = vector.shape_cast %swap3A_159 : vector<1x16xf32> to vector<16xf32>
        %swap3A_161 = vector.shape_cast %mul3A_156 : vector<16xf32> to vector<1x16xf32>
        tpu.vector_store %arg13[%swap3A_157, %swap3A_158], %swap3A_161 {strides = array<i32>} : memref<40x384xf32, #tpu.memory_space<vmem>>, vector<1x16xf32>,
        %lt3A_162 = arith.constant 0 : i32
        %lt3A_163 = vector.broadcast %lt3A_162 : i32 to vector<16xi32>
        %lt3A_164 = arith.cmpi slt, %broadcast_in_dim3A_11, %lt3A_163 : vector<16xi32>
        %add3A_165 = arith.constant 16 : i32
        %add3A_166 = vector.broadcast %add3A_165 : i32 to vector<16xi32>
        %add3A_167 = arith.addi %broadcast_in_dim3A_11, %add3A_166 : vector<16xi32>
        %select_n3A_168 = arith.select %lt3A_164, %add3A_167, %broadcast_in_dim3A_11 : vector<16xi1>, vector<16xi32>
        %broadcast_in_dim3A_169 = vector.shape_cast %select_n3A_168 : vector<16xi32> to vector<16x1xi32>
        %gather3A_170 = vector.shape_cast %broadcast_in_dim3A_169 : vector<16x1xi32> to vector<16xi32>
        %gather3A_171 = tpu.dynamic_gather %exp3A[%gather3A_170] in [0] : vector<16xf32>, vector<16xi32> -> vector<16xf32>
        %get3A_172 = arith.index_cast %scan3A_71 : i32 to index
        %get3A_173 = arith.constant 64 : index
        %get3A_174 = tpu.vector_load %arg12[%get3A_172, %get3A_173] {strides = array<i32>} : memref<40x256xf32, #tpu.memory_space<vmem>>, vector<1x16xf32>,
        %get3A_175 = vector.shape_cast %get3A_174 : vector<1x16xf32> to vector<16xf32>
        %mul3A_176 = arith.mulf %get3A_175, %gather3A_171 : vector<16xf32>
        %swap3A_177 = arith.index_cast %scan3A_71 : i32 to index
        %swap3A_178 = arith.constant 64 : index
        %swap3A_179 = tpu.vector_load %arg13[%swap3A_177, %swap3A_178] {strides = array<i32>} : memref<40x384xf32, #tpu.memory_space<vmem>>, vector<1x16xf32>,
        %swap3A_180 = vector.shape_cast %swap3A_179 : vector<1x16xf32> to vector<16xf32>
        %swap3A_181 = vector.shape_cast %mul3A_176 : vector<16xf32> to vector<1x16xf32>
        tpu.vector_store %arg13[%swap3A_177, %swap3A_178], %swap3A_181 {strides = array<i32>} : memref<40x384xf32, #tpu.memory_space<vmem>>, vector<1x16xf32>,
        %lt3A_182 = arith.constant 0 : i32
        %lt3A_183 = vector.broadcast %lt3A_182 : i32 to vector<16xi32>
        %lt3A_184 = arith.cmpi slt, %broadcast_in_dim3A_13, %lt3A_183 : vector<16xi32>
        %add3A_185 = arith.constant 16 : i32
        %add3A_186 = vector.broadcast %add3A_185 : i32 to vector<16xi32>
        %add3A_187 = arith.addi %broadcast_in_dim3A_13, %add3A_186 : vector<16xi32>
        %select_n3A_188 = arith.select %lt3A_184, %add3A_187, %broadcast_in_dim3A_13 : vector<16xi1>, vector<16xi32>
        %broadcast_in_dim3A_189 = vector.shape_cast %select_n3A_188 : vector<16xi32> to vector<16x1xi32>
        %gather3A_190 = vector.shape_cast %broadcast_in_dim3A_189 : vector<16x1xi32> to vector<16xi32>
        %gather3A_191 = tpu.dynamic_gather %exp3A[%gather3A_190] in [0] : vector<16xf32>, vector<16xi32> -> vector<16xf32>
        %get3A_192 = arith.index_cast %scan3A_71 : i32 to index
        %get3A_193 = arith.constant 80 : index
        %get3A_194 = tpu.vector_load %arg12[%get3A_192, %get3A_193] {strides = array<i32>} : memref<40x256xf32, #tpu.memory_space<vmem>>, vector<1x16xf32>,
        %get3A_195 = vector.shape_cast %get3A_194 : vector<1x16xf32> to vector<16xf32>
        %mul3A_196 = arith.mulf %get3A_195, %gather3A_191 : vector<16xf32>
        %swap3A_197 = arith.index_cast %scan3A_71 : i32 to index
        %swap3A_198 = arith.constant 80 : index
        %swap3A_199 = tpu.vector_load %arg13[%swap3A_197, %swap3A_198] {strides = array<i32>} : memref<40x384xf32, #tpu.memory_space<vmem>>, vector<1x16xf32>,
        %swap3A_200 = vector.shape_cast %swap3A_199 : vector<1x16xf32> to vector<16xf32>
        %swap3A_201 = vector.shape_cast %mul3A_196 : vector<16xf32> to vector<1x16xf32>
        tpu.vector_store %arg13[%swap3A_197, %swap3A_198], %swap3A_201 {strides = array<i32>} : memref<40x384xf32, #tpu.memory_space<vmem>>, vector<1x16xf32>,
        %lt3A_202 = arith.constant 0 : i32
        %lt3A_203 = vector.broadcast %lt3A_202 : i32 to vector<16xi32>
        %lt3A_204 = arith.cmpi slt, %broadcast_in_dim3A_15, %lt3A_203 : vector<16xi32>
        %add3A_205 = arith.constant 16 : i32
        %add3A_206 = vector.broadcast %add3A_205 : i32 to vector<16xi32>
        %add3A_207 = arith.addi %broadcast_in_dim3A_15, %add3A_206 : vector<16xi32>
        %select_n3A_208 = arith.select %lt3A_204, %add3A_207, %broadcast_in_dim3A_15 : vector<16xi1>, vector<16xi32>
        %broadcast_in_dim3A_209 = vector.shape_cast %select_n3A_208 : vector<16xi32> to vector<16x1xi32>
        %gather3A_210 = vector.shape_cast %broadcast_in_dim3A_209 : vector<16x1xi32> to vector<16xi32>
        %gather3A_211 = tpu.dynamic_gather %exp3A[%gather3A_210] in [0] : vector<16xf32>, vector<16xi32> -> vector<16xf32>
        %get3A_212 = arith.index_cast %scan3A_71 : i32 to index
        %get3A_213 = arith.constant 96 : index
        %get3A_214 = tpu.vector_load %arg12[%get3A_212, %get3A_213] {strides = array<i32>} : memref<40x256xf32, #tpu.memory_space<vmem>>, vector<1x16xf32>,
        %get3A_215 = vector.shape_cast %get3A_214 : vector<1x16xf32> to vector<16xf32>
        %mul3A_216 = arith.mulf %get3A_215, %gather3A_211 : vector<16xf32>
        %swap3A_217 = arith.index_cast %scan3A_71 : i32 to index
        %swap3A_218 = arith.constant 96 : index
        %swap3A_219 = tpu.vector_load %arg13[%swap3A_217, %swap3A_218] {strides = array<i32>} : memref<40x384xf32, #tpu.memory_space<vmem>>, vector<1x16xf32>,
        %swap3A_220 = vector.shape_cast %swap3A_219 : vector<1x16xf32> to vector<16xf32>
        %swap3A_221 = vector.shape_cast %mul3A_216 : vector<16xf32> to vector<1x16xf32>
        tpu.vector_store %arg13[%swap3A_217, %swap3A_218], %swap3A_221 {strides = array<i32>} : memref<40x384xf32, #tpu.memory_space<vmem>>, vector<1x16xf32>,
        %lt3A_222 = arith.constant 0 : i32
        %lt3A_223 = vector.broadcast %lt3A_222 : i32 to vector<16xi32>
        %lt3A_224 = arith.cmpi slt, %broadcast_in_dim3A_17, %lt3A_223 : vector<16xi32>
        %add3A_225 = arith.constant 16 : i32
        %add3A_226 = vector.broadcast %add3A_225 : i32 to vector<16xi32>
        %add3A_227 = arith.addi %broadcast_in_dim3A_17, %add3A_226 : vector<16xi32>
        %select_n3A_228 = arith.select %lt3A_224, %add3A_227, %broadcast_in_dim3A_17 : vector<16xi1>, vector<16xi32>
        %broadcast_in_dim3A_229 = vector.shape_cast %select_n3A_228 : vector<16xi32> to vector<16x1xi32>
        %gather3A_230 = vector.shape_cast %broadcast_in_dim3A_229 : vector<16x1xi32> to vector<16xi32>
        %gather3A_231 = tpu.dynamic_gather %exp3A[%gather3A_230] in [0] : vector<16xf32>, vector<16xi32> -> vector<16xf32>
        %get3A_232 = arith.index_cast %scan3A_71 : i32 to index
        %get3A_233 = arith.constant 112 : index
        %get3A_234 = tpu.vector_load %arg12[%get3A_232, %get3A_233] {strides = array<i32>} : memref<40x256xf32, #tpu.memory_space<vmem>>, vector<1x16xf32>,
        %get3A_235 = vector.shape_cast %get3A_234 : vector<1x16xf32> to vector<16xf32>
        %mul3A_236 = arith.mulf %get3A_235, %gather3A_231 : vector<16xf32>
        %swap3A_237 = arith.index_cast %scan3A_71 : i32 to index
        %swap3A_238 = arith.constant 112 : index
        %swap3A_239 = tpu.vector_load %arg13[%swap3A_237, %swap3A_238] {strides = array<i32>} : memref<40x384xf32, #tpu.memory_space<vmem>>, vector<1x16xf32>,
        %swap3A_240 = vector.shape_cast %swap3A_239 : vector<1x16xf32> to vector<16xf32>
        %swap3A_241 = vector.shape_cast %mul3A_236 : vector<16xf32> to vector<1x16xf32>
        tpu.vector_store %arg13[%swap3A_237, %swap3A_238], %swap3A_241 {strides = array<i32>} : memref<40x384xf32, #tpu.memory_space<vmem>>, vector<1x16xf32>,
        %lt3A_242 = arith.constant 0 : i32
        %lt3A_243 = vector.broadcast %lt3A_242 : i32 to vector<16xi32>
        %lt3A_244 = arith.cmpi slt, %broadcast_in_dim3A_19, %lt3A_243 : vector<16xi32>
        %add3A_245 = arith.constant 16 : i32
        %add3A_246 = vector.broadcast %add3A_245 : i32 to vector<16xi32>
        %add3A_247 = arith.addi %broadcast_in_dim3A_19, %add3A_246 : vector<16xi32>
        %select_n3A_248 = arith.select %lt3A_244, %add3A_247, %broadcast_in_dim3A_19 : vector<16xi1>, vector<16xi32>
        %broadcast_in_dim3A_249 = vector.shape_cast %select_n3A_248 : vector<16xi32> to vector<16x1xi32>
        %gather3A_250 = vector.shape_cast %broadcast_in_dim3A_249 : vector<16x1xi32> to vector<16xi32>
        %gather3A_251 = tpu.dynamic_gather %exp3A[%gather3A_250] in [0] : vector<16xf32>, vector<16xi32> -> vector<16xf32>
        %get3A_252 = arith.index_cast %scan3A_71 : i32 to index
        %get3A_253 = arith.constant 128 : index
        %get3A_254 = tpu.vector_load %arg12[%get3A_252, %get3A_253] {strides = array<i32>} : memref<40x256xf32, #tpu.memory_space<vmem>>, vector<1x16xf32>,
        %get3A_255 = vector.shape_cast %get3A_254 : vector<1x16xf32> to vector<16xf32>
        %mul3A_256 = arith.mulf %get3A_255, %gather3A_251 : vector<16xf32>
        %swap3A_257 = arith.index_cast %scan3A_71 : i32 to index
        %swap3A_258 = arith.constant 128 : index
        %swap3A_259 = tpu.vector_load %arg13[%swap3A_257, %swap3A_258] {strides = array<i32>} : memref<40x384xf32, #tpu.memory_space<vmem>>, vector<1x16xf32>,
        %swap3A_260 = vector.shape_cast %swap3A_259 : vector<1x16xf32> to vector<16xf32>
        %swap3A_261 = vector.shape_cast %mul3A_256 : vector<16xf32> to vector<1x16xf32>
        tpu.vector_store %arg13[%swap3A_257, %swap3A_258], %swap3A_261 {strides = array<i32>} : memref<40x384xf32, #tpu.memory_space<vmem>>, vector<1x16xf32>,
        %lt3A_262 = arith.constant 0 : i32
        %lt3A_263 = vector.broadcast %lt3A_262 : i32 to vector<16xi32>
        %lt3A_264 = arith.cmpi slt, %broadcast_in_dim3A_21, %lt3A_263 : vector<16xi32>
        %add3A_265 = arith.constant 16 : i32
        %add3A_266 = vector.broadcast %add3A_265 : i32 to vector<16xi32>
        %add3A_267 = arith.addi %broadcast_in_dim3A_21, %add3A_266 : vector<16xi32>
        %select_n3A_268 = arith.select %lt3A_264, %add3A_267, %broadcast_in_dim3A_21 : vector<16xi1>, vector<16xi32>
        %broadcast_in_dim3A_269 = vector.shape_cast %select_n3A_268 : vector<16xi32> to vector<16x1xi32>
        %gather3A_270 = vector.shape_cast %broadcast_in_dim3A_269 : vector<16x1xi32> to vector<16xi32>
        %gather3A_271 = tpu.dynamic_gather %exp3A[%gather3A_270] in [0] : vector<16xf32>, vector<16xi32> -> vector<16xf32>
        %get3A_272 = arith.index_cast %scan3A_71 : i32 to index
        %get3A_273 = arith.constant 144 : index
        %get3A_274 = tpu.vector_load %arg12[%get3A_272, %get3A_273] {strides = array<i32>} : memref<40x256xf32, #tpu.memory_space<vmem>>, vector<1x16xf32>,
        %get3A_275 = vector.shape_cast %get3A_274 : vector<1x16xf32> to vector<16xf32>
        %mul3A_276 = arith.mulf %get3A_275, %gather3A_271 : vector<16xf32>
        %swap3A_277 = arith.index_cast %scan3A_71 : i32 to index
        %swap3A_278 = arith.constant 144 : index
        %swap3A_279 = tpu.vector_load %arg13[%swap3A_277, %swap3A_278] {strides = array<i32>} : memref<40x384xf32, #tpu.memory_space<vmem>>, vector<1x16xf32>,
        %swap3A_280 = vector.shape_cast %swap3A_279 : vector<1x16xf32> to vector<16xf32>
        %swap3A_281 = vector.shape_cast %mul3A_276 : vector<16xf32> to vector<1x16xf32>
        tpu.vector_store %arg13[%swap3A_277, %swap3A_278], %swap3A_281 {strides = array<i32>} : memref<40x384xf32, #tpu.memory_space<vmem>>, vector<1x16xf32>,
        %lt3A_282 = arith.constant 0 : i32
        %lt3A_283 = vector.broadcast %lt3A_282 : i32 to vector<16xi32>
        %lt3A_284 = arith.cmpi slt, %broadcast_in_dim3A_23, %lt3A_283 : vector<16xi32>
        %add3A_285 = arith.constant 16 : i32
        %add3A_286 = vector.broadcast %add3A_285 : i32 to vector<16xi32>
        %add3A_287 = arith.addi %broadcast_in_dim3A_23, %add3A_286 : vector<16xi32>
        %select_n3A_288 = arith.select %lt3A_284, %add3A_287, %broadcast_in_dim3A_23 : vector<16xi1>, vector<16xi32>
        %broadcast_in_dim3A_289 = vector.shape_cast %select_n3A_288 : vector<16xi32> to vector<16x1xi32>
        %gather3A_290 = vector.shape_cast %broadcast_in_dim3A_289 : vector<16x1xi32> to vector<16xi32>
        %gather3A_291 = tpu.dynamic_gather %exp3A[%gather3A_290] in [0] : vector<16xf32>, vector<16xi32> -> vector<16xf32>
        %get3A_292 = arith.index_cast %scan3A_71 : i32 to index
        %get3A_293 = arith.constant 160 : index
        %get3A_294 = tpu.vector_load %arg12[%get3A_292, %get3A_293] {strides = array<i32>} : memref<40x256xf32, #tpu.memory_space<vmem>>, vector<1x16xf32>,
        %get3A_295 = vector.shape_cast %get3A_294 : vector<1x16xf32> to vector<16xf32>
        %mul3A_296 = arith.mulf %get3A_295, %gather3A_291 : vector<16xf32>
        %swap3A_297 = arith.index_cast %scan3A_71 : i32 to index
        %swap3A_298 = arith.constant 160 : index
        %swap3A_299 = tpu.vector_load %arg13[%swap3A_297, %swap3A_298] {strides = array<i32>} : memref<40x384xf32, #tpu.memory_space<vmem>>, vector<1x16xf32>,
        %swap3A_300 = vector.shape_cast %swap3A_299 : vector<1x16xf32> to vector<16xf32>
        %swap3A_301 = vector.shape_cast %mul3A_296 : vector<16xf32> to vector<1x16xf32>
        tpu.vector_store %arg13[%swap3A_297, %swap3A_298], %swap3A_301 {strides = array<i32>} : memref<40x384xf32, #tpu.memory_space<vmem>>, vector<1x16xf32>,
        %lt3A_302 = arith.constant 0 : i32
        %lt3A_303 = vector.broadcast %lt3A_302 : i32 to vector<16xi32>
        %lt3A_304 = arith.cmpi slt, %broadcast_in_dim3A_25, %lt3A_303 : vector<16xi32>
        %add3A_305 = arith.constant 16 : i32
        %add3A_306 = vector.broadcast %add3A_305 : i32 to vector<16xi32>
        %add3A_307 = arith.addi %broadcast_in_dim3A_25, %add3A_306 : vector<16xi32>
        %select_n3A_308 = arith.select %lt3A_304, %add3A_307, %broadcast_in_dim3A_25 : vector<16xi1>, vector<16xi32>
        %broadcast_in_dim3A_309 = vector.shape_cast %select_n3A_308 : vector<16xi32> to vector<16x1xi32>
        %gather3A_310 = vector.shape_cast %broadcast_in_dim3A_309 : vector<16x1xi32> to vector<16xi32>
        %gather3A_311 = tpu.dynamic_gather %exp3A[%gather3A_310] in [0] : vector<16xf32>, vector<16xi32> -> vector<16xf32>
        %get3A_312 = arith.index_cast %scan3A_71 : i32 to index
        %get3A_313 = arith.constant 176 : index
        %get3A_314 = tpu.vector_load %arg12[%get3A_312, %get3A_313] {strides = array<i32>} : memref<40x256xf32, #tpu.memory_space<vmem>>, vector<1x16xf32>,
        %get3A_315 = vector.shape_cast %get3A_314 : vector<1x16xf32> to vector<16xf32>
        %mul3A_316 = arith.mulf %get3A_315, %gather3A_311 : vector<16xf32>
        %swap3A_317 = arith.index_cast %scan3A_71 : i32 to index
        %swap3A_318 = arith.constant 176 : index
        %swap3A_319 = tpu.vector_load %arg13[%swap3A_317, %swap3A_318] {strides = array<i32>} : memref<40x384xf32, #tpu.memory_space<vmem>>, vector<1x16xf32>,
        %swap3A_320 = vector.shape_cast %swap3A_319 : vector<1x16xf32> to vector<16xf32>
        %swap3A_321 = vector.shape_cast %mul3A_316 : vector<16xf32> to vector<1x16xf32>
        tpu.vector_store %arg13[%swap3A_317, %swap3A_318], %swap3A_321 {strides = array<i32>} : memref<40x384xf32, #tpu.memory_space<vmem>>, vector<1x16xf32>,
        %lt3A_322 = arith.constant 0 : i32
        %lt3A_323 = vector.broadcast %lt3A_322 : i32 to vector<16xi32>
        %lt3A_324 = arith.cmpi slt, %broadcast_in_dim3A_27, %lt3A_323 : vector<16xi32>
        %add3A_325 = arith.constant 16 : i32
        %add3A_326 = vector.broadcast %add3A_325 : i32 to vector<16xi32>
        %add3A_327 = arith.addi %broadcast_in_dim3A_27, %add3A_326 : vector<16xi32>
        %select_n3A_328 = arith.select %lt3A_324, %add3A_327, %broadcast_in_dim3A_27 : vector<16xi1>, vector<16xi32>
        %broadcast_in_dim3A_329 = vector.shape_cast %select_n3A_328 : vector<16xi32> to vector<16x1xi32>
        %gather3A_330 = vector.shape_cast %broadcast_in_dim3A_329 : vector<16x1xi32> to vector<16xi32>
        %gather3A_331 = tpu.dynamic_gather %exp3A[%gather3A_330] in [0] : vector<16xf32>, vector<16xi32> -> vector<16xf32>
        %get3A_332 = arith.index_cast %scan3A_71 : i32 to index
        %get3A_333 = arith.constant 192 : index
        %get3A_334 = tpu.vector_load %arg12[%get3A_332, %get3A_333] {strides = array<i32>} : memref<40x256xf32, #tpu.memory_space<vmem>>, vector<1x16xf32>,
        %get3A_335 = vector.shape_cast %get3A_334 : vector<1x16xf32> to vector<16xf32>
        %mul3A_336 = arith.mulf %get3A_335, %gather3A_331 : vector<16xf32>
        %swap3A_337 = arith.index_cast %scan3A_71 : i32 to index
        %swap3A_338 = arith.constant 192 : index
        %swap3A_339 = tpu.vector_load %arg13[%swap3A_337, %swap3A_338] {strides = array<i32>} : memref<40x384xf32, #tpu.memory_space<vmem>>, vector<1x16xf32>,
        %swap3A_340 = vector.shape_cast %swap3A_339 : vector<1x16xf32> to vector<16xf32>
        %swap3A_341 = vector.shape_cast %mul3A_336 : vector<16xf32> to vector<1x16xf32>
        tpu.vector_store %arg13[%swap3A_337, %swap3A_338], %swap3A_341 {strides = array<i32>} : memref<40x384xf32, #tpu.memory_space<vmem>>, vector<1x16xf32>,
        %lt3A_342 = arith.constant 0 : i32
        %lt3A_343 = vector.broadcast %lt3A_342 : i32 to vector<16xi32>
        %lt3A_344 = arith.cmpi slt, %broadcast_in_dim3A_29, %lt3A_343 : vector<16xi32>
        %add3A_345 = arith.constant 16 : i32
        %add3A_346 = vector.broadcast %add3A_345 : i32 to vector<16xi32>
        %add3A_347 = arith.addi %broadcast_in_dim3A_29, %add3A_346 : vector<16xi32>
        %select_n3A_348 = arith.select %lt3A_344, %add3A_347, %broadcast_in_dim3A_29 : vector<16xi1>, vector<16xi32>
        %broadcast_in_dim3A_349 = vector.shape_cast %select_n3A_348 : vector<16xi32> to vector<16x1xi32>
        %gather3A_350 = vector.shape_cast %broadcast_in_dim3A_349 : vector<16x1xi32> to vector<16xi32>
        %gather3A_351 = tpu.dynamic_gather %exp3A[%gather3A_350] in [0] : vector<16xf32>, vector<16xi32> -> vector<16xf32>
        %get3A_352 = arith.index_cast %scan3A_71 : i32 to index
        %get3A_353 = arith.constant 208 : index
        %get3A_354 = tpu.vector_load %arg12[%get3A_352, %get3A_353] {strides = array<i32>} : memref<40x256xf32, #tpu.memory_space<vmem>>, vector<1x16xf32>,
        %get3A_355 = vector.shape_cast %get3A_354 : vector<1x16xf32> to vector<16xf32>
        %mul3A_356 = arith.mulf %get3A_355, %gather3A_351 : vector<16xf32>
        %swap3A_357 = arith.index_cast %scan3A_71 : i32 to index
        %swap3A_358 = arith.constant 208 : index
        %swap3A_359 = tpu.vector_load %arg13[%swap3A_357, %swap3A_358] {strides = array<i32>} : memref<40x384xf32, #tpu.memory_space<vmem>>, vector<1x16xf32>,
        %swap3A_360 = vector.shape_cast %swap3A_359 : vector<1x16xf32> to vector<16xf32>
        %swap3A_361 = vector.shape_cast %mul3A_356 : vector<16xf32> to vector<1x16xf32>
        tpu.vector_store %arg13[%swap3A_357, %swap3A_358], %swap3A_361 {strides = array<i32>} : memref<40x384xf32, #tpu.memory_space<vmem>>, vector<1x16xf32>,
        %lt3A_362 = arith.constant 0 : i32
        %lt3A_363 = vector.broadcast %lt3A_362 : i32 to vector<16xi32>
        %lt3A_364 = arith.cmpi slt, %broadcast_in_dim3A_31, %lt3A_363 : vector<16xi32>
        %add3A_365 = arith.constant 16 : i32
        %add3A_366 = vector.broadcast %add3A_365 : i32 to vector<16xi32>
        %add3A_367 = arith.addi %broadcast_in_dim3A_31, %add3A_366 : vector<16xi32>
        %select_n3A_368 = arith.select %lt3A_364, %add3A_367, %broadcast_in_dim3A_31 : vector<16xi1>, vector<16xi32>
        %broadcast_in_dim3A_369 = vector.shape_cast %select_n3A_368 : vector<16xi32> to vector<16x1xi32>
        %gather3A_370 = vector.shape_cast %broadcast_in_dim3A_369 : vector<16x1xi32> to vector<16xi32>
        %gather3A_371 = tpu.dynamic_gather %exp3A[%gather3A_370] in [0] : vector<16xf32>, vector<16xi32> -> vector<16xf32>
        %get3A_372 = arith.index_cast %scan3A_71 : i32 to index
        %get3A_373 = arith.constant 224 : index
        %get3A_374 = tpu.vector_load %arg12[%get3A_372, %get3A_373] {strides = array<i32>} : memref<40x256xf32, #tpu.memory_space<vmem>>, vector<1x16xf32>,
        %get3A_375 = vector.shape_cast %get3A_374 : vector<1x16xf32> to vector<16xf32>
        %mul3A_376 = arith.mulf %get3A_375, %gather3A_371 : vector<16xf32>
        %swap3A_377 = arith.index_cast %scan3A_71 : i32 to index
        %swap3A_378 = arith.constant 224 : index
        %swap3A_379 = tpu.vector_load %arg13[%swap3A_377, %swap3A_378] {strides = array<i32>} : memref<40x384xf32, #tpu.memory_space<vmem>>, vector<1x16xf32>,
        %swap3A_380 = vector.shape_cast %swap3A_379 : vector<1x16xf32> to vector<16xf32>
        %swap3A_381 = vector.shape_cast %mul3A_376 : vector<16xf32> to vector<1x16xf32>
        tpu.vector_store %arg13[%swap3A_377, %swap3A_378], %swap3A_381 {strides = array<i32>} : memref<40x384xf32, #tpu.memory_space<vmem>>, vector<1x16xf32>,
        %lt3A_382 = arith.constant 0 : i32
        %lt3A_383 = vector.broadcast %lt3A_382 : i32 to vector<16xi32>
        %lt3A_384 = arith.cmpi slt, %broadcast_in_dim3A_33, %lt3A_383 : vector<16xi32>
        %add3A_385 = arith.constant 16 : i32
        %add3A_386 = vector.broadcast %add3A_385 : i32 to vector<16xi32>
        %add3A_387 = arith.addi %broadcast_in_dim3A_33, %add3A_386 : vector<16xi32>
        %select_n3A_388 = arith.select %lt3A_384, %add3A_387, %broadcast_in_dim3A_33 : vector<16xi1>, vector<16xi32>
        %broadcast_in_dim3A_389 = vector.shape_cast %select_n3A_388 : vector<16xi32> to vector<16x1xi32>
        %gather3A_390 = vector.shape_cast %broadcast_in_dim3A_389 : vector<16x1xi32> to vector<16xi32>
        %gather3A_391 = tpu.dynamic_gather %exp3A[%gather3A_390] in [0] : vector<16xf32>, vector<16xi32> -> vector<16xf32>
        %get3A_392 = arith.index_cast %scan3A_71 : i32 to index
        %get3A_393 = arith.constant 240 : index
        %get3A_394 = tpu.vector_load %arg12[%get3A_392, %get3A_393] {strides = array<i32>} : memref<40x256xf32, #tpu.memory_space<vmem>>, vector<1x16xf32>,
        %get3A_395 = vector.shape_cast %get3A_394 : vector<1x16xf32> to vector<16xf32>
        %mul3A_396 = arith.mulf %get3A_395, %gather3A_391 : vector<16xf32>
        %swap3A_397 = arith.index_cast %scan3A_71 : i32 to index
        %swap3A_398 = arith.constant 240 : index
        %swap3A_399 = tpu.vector_load %arg13[%swap3A_397, %swap3A_398] {strides = array<i32>} : memref<40x384xf32, #tpu.memory_space<vmem>>, vector<1x16xf32>,
        %swap3A_400 = vector.shape_cast %swap3A_399 : vector<1x16xf32> to vector<16xf32>
        %swap3A_401 = vector.shape_cast %mul3A_396 : vector<16xf32> to vector<1x16xf32>
        tpu.vector_store %arg13[%swap3A_397, %swap3A_398], %swap3A_401 {strides = array<i32>} : memref<40x384xf32, #tpu.memory_space<vmem>>, vector<1x16xf32>,
        %swap3A_402 = arith.index_cast %scan3A_71 : i32 to index
        %swap3A_403 = arith.constant 256 : index
        %swap3A_404 = tpu.vector_load %arg13[%swap3A_402, %swap3A_403] {strides = array<i32>} : memref<40x384xf32, #tpu.memory_space<vmem>>, vector<1x16xf32>,
        %swap3A_405 = vector.shape_cast %swap3A_404 : vector<1x16xf32> to vector<16xf32>
        %swap3A_406 = vector.shape_cast %exp3A : vector<16xf32> to vector<1x16xf32>
        tpu.vector_store %arg13[%swap3A_402, %swap3A_403], %swap3A_406 {strides = array<i32>} : memref<40x384xf32, #tpu.memory_space<vmem>>, vector<1x16xf32>,
      }
      %scan3A_70 = arith.constant 40 : i32
      "tpu.region"() ({
        %run_scoped3A = tpu.sem_alloc : memref<!tpu.dma_semaphore, #tpu.memory_space<semaphore_mem>>
        %dma_start3A_71 = arith.constant 0 : i32
        %dma_start3A_72 = tpu.memref_slice %arg7[%add3A_48, %dma_start3A_71] : memref<320000x384xf32, #tpu.memory_space<hbm>> -> memref<40x384xf32, #tpu.memory_space<hbm>>
        %dma_start3A_73 = arith.constant 0 : i32
        %dma_start3A_74 = tpu.memref_slice %arg7[%add3A_48, %dma_start3A_73] : memref<320000x384xf32, #tpu.memory_space<hbm>> -> memref<40x384xf32, #tpu.memory_space<hbm>>
        tpu.enqueue_dma source(%arg13 : memref<40x384xf32, #tpu.memory_space<vmem>>) target(%dma_start3A_74 : memref<40x384xf32, #tpu.memory_space<hbm>>) target_semaphore(%run_scoped3A : memref<!tpu.dma_semaphore, #tpu.memory_space<semaphore_mem>>)
        %dma_wait3A_75 = arith.constant 0 : i32
        %dma_wait3A_76 = tpu.memref_slice %arg7[%add3A_48, %dma_wait3A_75] : memref<320000x384xf32, #tpu.memory_space<hbm>> -> memref<40x384xf32, #tpu.memory_space<hbm>>
        %dma_wait3A_77 = arith.constant 0 : i32
        %dma_wait3A_78 = tpu.memref_slice %arg7[%add3A_48, %dma_wait3A_77] : memref<320000x384xf32, #tpu.memory_space<hbm>> -> memref<40x384xf32, #tpu.memory_space<hbm>>
        tpu.wait_dma2 semaphore(%run_scoped3A : memref<!tpu.dma_semaphore, #tpu.memory_space<semaphore_mem>>) src(%arg13 : memref<40x384xf32, #tpu.memory_space<vmem>>) dst(%dma_wait3A_78 : memref<40x384xf32, #tpu.memory_space<hbm>>)
        tpu.yield
      }) : () -> ()
    }
    %scan3A_44 = arith.constant 250 : i32
    return
  }
}

#map = affine_map<(d0, d1) -> (0)>
#map1 = affine_map<(d0, d1) -> (0, 0)>
module attributes {stable_mosaic.version = 14 : i64} {
  func.func @_edges_body(%arg0: i32, %arg1: i32, %arg2: memref<320000xi32, #tpu.memory_space<hbm>>, %arg3: memref<320000xi32, #tpu.memory_space<hbm>>, %arg4: memref<10240x128xf32, #tpu.memory_space<hbm>>, %arg5: memref<10240x128xf32, #tpu.memory_space<hbm>>, %arg6: memref<10000x256xf32, #tpu.memory_space<hbm>>, %arg7: memref<320000x384xf32, #tpu.memory_space<hbm>>, %arg8: memref<40xi32, #tpu.memory_space<vmem>>, %arg9: memref<40xi32, #tpu.memory_space<vmem>>, %arg10: memref<40x128xf32, #tpu.memory_space<vmem>>, %arg11: memref<40x128xf32, #tpu.memory_space<vmem>>, %arg12: memref<40x256xf32, #tpu.memory_space<vmem>>, %arg13: memref<40x384xf32, #tpu.memory_space<vmem>>, %arg14: memref<!tpu.dma_semaphore, #tpu.memory_space<semaphore_mem>>) attributes {dimension_semantics = [#tpu.dimension_semantics<core_parallel>, #tpu.dimension_semantics<subcore_parallel>], iteration_bounds = array<i64: 2, 16>, scalar_prefetch = 0 : i64, scratch_operands = 7 : i64, tpu.core_type = #tpu.core_type<sc_vector_subcore>, window_params = [{transform_indices = #map}, {transform_indices = #map}, {transform_indices = #map1}, {transform_indices = #map1}, {transform_indices = #map1}, {transform_indices = #map1}]} {
    %mul3A = arith.constant 16 : i32
    %mul3A_0 = arith.muli %arg0, %mul3A : i32
    %add3A = arith.addi %mul3A_0, %arg1 : i32
    %mul3A_1 = arith.constant 10000 : i32
    %mul3A_2 = arith.muli %add3A, %mul3A_1 : i32
    %broadcast_in_dim3A = arith.constant 0 : i32
    %broadcast_in_dim3A_3 = vector.broadcast %broadcast_in_dim3A : i32 to vector<16xi32>
    %broadcast_in_dim3A_4 = arith.constant 0 : i32
    %broadcast_in_dim3A_5 = vector.broadcast %broadcast_in_dim3A_4 : i32 to vector<16xi32>
    %broadcast_in_dim3A_6 = arith.constant 1 : i32
    %broadcast_in_dim3A_7 = vector.broadcast %broadcast_in_dim3A_6 : i32 to vector<16xi32>
    %broadcast_in_dim3A_8 = arith.constant 1 : i32
    %broadcast_in_dim3A_9 = vector.broadcast %broadcast_in_dim3A_8 : i32 to vector<16xi32>
    %broadcast_in_dim3A_10 = arith.constant 2 : i32
    %broadcast_in_dim3A_11 = vector.broadcast %broadcast_in_dim3A_10 : i32 to vector<16xi32>
    %broadcast_in_dim3A_12 = arith.constant 2 : i32
    %broadcast_in_dim3A_13 = vector.broadcast %broadcast_in_dim3A_12 : i32 to vector<16xi32>
    %broadcast_in_dim3A_14 = arith.constant 3 : i32
    %broadcast_in_dim3A_15 = vector.broadcast %broadcast_in_dim3A_14 : i32 to vector<16xi32>
    %broadcast_in_dim3A_16 = arith.constant 3 : i32
    %broadcast_in_dim3A_17 = vector.broadcast %broadcast_in_dim3A_16 : i32 to vector<16xi32>
    %broadcast_in_dim3A_18 = arith.constant 4 : i32
    %broadcast_in_dim3A_19 = vector.broadcast %broadcast_in_dim3A_18 : i32 to vector<16xi32>
    %broadcast_in_dim3A_20 = arith.constant 4 : i32
    %broadcast_in_dim3A_21 = vector.broadcast %broadcast_in_dim3A_20 : i32 to vector<16xi32>
    %broadcast_in_dim3A_22 = arith.constant 5 : i32
    %broadcast_in_dim3A_23 = vector.broadcast %broadcast_in_dim3A_22 : i32 to vector<16xi32>
    %broadcast_in_dim3A_24 = arith.constant 5 : i32
    %broadcast_in_dim3A_25 = vector.broadcast %broadcast_in_dim3A_24 : i32 to vector<16xi32>
    %broadcast_in_dim3A_26 = arith.constant 6 : i32
    %broadcast_in_dim3A_27 = vector.broadcast %broadcast_in_dim3A_26 : i32 to vector<16xi32>
    %broadcast_in_dim3A_28 = arith.constant 6 : i32
    %broadcast_in_dim3A_29 = vector.broadcast %broadcast_in_dim3A_28 : i32 to vector<16xi32>
    %broadcast_in_dim3A_30 = arith.constant 7 : i32
    %broadcast_in_dim3A_31 = vector.broadcast %broadcast_in_dim3A_30 : i32 to vector<16xi32>
    %broadcast_in_dim3A_32 = arith.constant 7 : i32
    %broadcast_in_dim3A_33 = vector.broadcast %broadcast_in_dim3A_32 : i32 to vector<16xi32>
    %scan3A = arith.constant 0 : i32
    %scan3A_34 = arith.constant 0 : i32
    %scan3A_35 = arith.constant 40 : i32
    %scan3A_36 = arith.addi %scan3A_34, %scan3A_35 : i32
    %scan3A_37 = arith.constant 1 : i32
    scf.for %scan3A_45 = %scan3A_34 to %scan3A_36 step %scan3A_37  : i32 {
      %broadcast_in_dim3A_46 = arith.constant 0.000000e+00 : f32
      %broadcast_in_dim3A_47 = vector.broadcast %broadcast_in_dim3A_46 : f32 to vector<16xf32>
      %swap3A = arith.index_cast %scan3A_45 : i32 to index
      %swap3A_48 = arith.constant 272 : index
      %swap3A_49 = tpu.vector_load %arg13[%swap3A, %swap3A_48] {strides = array<i32>} : memref<40x384xf32, #tpu.memory_space<vmem>>, vector<1x16xf32>,
      %swap3A_50 = vector.shape_cast %swap3A_49 : vector<1x16xf32> to vector<16xf32>
      %swap3A_51 = vector.shape_cast %broadcast_in_dim3A_47 : vector<16xf32> to vector<1x16xf32>
      tpu.vector_store %arg13[%swap3A, %swap3A_48], %swap3A_51 {strides = array<i32>} : memref<40x384xf32, #tpu.memory_space<vmem>>, vector<1x16xf32>,
      %broadcast_in_dim3A_52 = arith.constant 0.000000e+00 : f32
      %broadcast_in_dim3A_53 = vector.broadcast %broadcast_in_dim3A_52 : f32 to vector<16xf32>
      %swap3A_54 = arith.index_cast %scan3A_45 : i32 to index
      %swap3A_55 = arith.constant 288 : index
      %swap3A_56 = tpu.vector_load %arg13[%swap3A_54, %swap3A_55] {strides = array<i32>} : memref<40x384xf32, #tpu.memory_space<vmem>>, vector<1x16xf32>,
      %swap3A_57 = vector.shape_cast %swap3A_56 : vector<1x16xf32> to vector<16xf32>
      %swap3A_58 = vector.shape_cast %broadcast_in_dim3A_53 : vector<16xf32> to vector<1x16xf32>
      tpu.vector_store %arg13[%swap3A_54, %swap3A_55], %swap3A_58 {strides = array<i32>} : memref<40x384xf32, #tpu.memory_space<vmem>>, vector<1x16xf32>,
      %broadcast_in_dim3A_59 = arith.constant 0.000000e+00 : f32
      %broadcast_in_dim3A_60 = vector.broadcast %broadcast_in_dim3A_59 : f32 to vector<16xf32>
      %swap3A_61 = arith.index_cast %scan3A_45 : i32 to index
      %swap3A_62 = arith.constant 304 : index
      %swap3A_63 = tpu.vector_load %arg13[%swap3A_61, %swap3A_62] {strides = array<i32>} : memref<40x384xf32, #tpu.memory_space<vmem>>, vector<1x16xf32>,
      %swap3A_64 = vector.shape_cast %swap3A_63 : vector<1x16xf32> to vector<16xf32>
      %swap3A_65 = vector.shape_cast %broadcast_in_dim3A_60 : vector<16xf32> to vector<1x16xf32>
      tpu.vector_store %arg13[%swap3A_61, %swap3A_62], %swap3A_65 {strides = array<i32>} : memref<40x384xf32, #tpu.memory_space<vmem>>, vector<1x16xf32>,
      %broadcast_in_dim3A_66 = arith.constant 0.000000e+00 : f32
      %broadcast_in_dim3A_67 = vector.broadcast %broadcast_in_dim3A_66 : f32 to vector<16xf32>
      %swap3A_68 = arith.index_cast %scan3A_45 : i32 to index
      %swap3A_69 = arith.constant 320 : index
      %swap3A_70 = tpu.vector_load %arg13[%swap3A_68, %swap3A_69] {strides = array<i32>} : memref<40x384xf32, #tpu.memory_space<vmem>>, vector<1x16xf32>,
      %swap3A_71 = vector.shape_cast %swap3A_70 : vector<1x16xf32> to vector<16xf32>
      %swap3A_72 = vector.shape_cast %broadcast_in_dim3A_67 : vector<16xf32> to vector<1x16xf32>
      tpu.vector_store %arg13[%swap3A_68, %swap3A_69], %swap3A_72 {strides = array<i32>} : memref<40x384xf32, #tpu.memory_space<vmem>>, vector<1x16xf32>,
      %broadcast_in_dim3A_73 = arith.constant 0.000000e+00 : f32
      %broadcast_in_dim3A_74 = vector.broadcast %broadcast_in_dim3A_73 : f32 to vector<16xf32>
      %swap3A_75 = arith.index_cast %scan3A_45 : i32 to index
      %swap3A_76 = arith.constant 336 : index
      %swap3A_77 = tpu.vector_load %arg13[%swap3A_75, %swap3A_76] {strides = array<i32>} : memref<40x384xf32, #tpu.memory_space<vmem>>, vector<1x16xf32>,
      %swap3A_78 = vector.shape_cast %swap3A_77 : vector<1x16xf32> to vector<16xf32>
      %swap3A_79 = vector.shape_cast %broadcast_in_dim3A_74 : vector<16xf32> to vector<1x16xf32>
      tpu.vector_store %arg13[%swap3A_75, %swap3A_76], %swap3A_79 {strides = array<i32>} : memref<40x384xf32, #tpu.memory_space<vmem>>, vector<1x16xf32>,
      %broadcast_in_dim3A_80 = arith.constant 0.000000e+00 : f32
      %broadcast_in_dim3A_81 = vector.broadcast %broadcast_in_dim3A_80 : f32 to vector<16xf32>
      %swap3A_82 = arith.index_cast %scan3A_45 : i32 to index
      %swap3A_83 = arith.constant 352 : index
      %swap3A_84 = tpu.vector_load %arg13[%swap3A_82, %swap3A_83] {strides = array<i32>} : memref<40x384xf32, #tpu.memory_space<vmem>>, vector<1x16xf32>,
      %swap3A_85 = vector.shape_cast %swap3A_84 : vector<1x16xf32> to vector<16xf32>
      %swap3A_86 = vector.shape_cast %broadcast_in_dim3A_81 : vector<16xf32> to vector<1x16xf32>
      tpu.vector_store %arg13[%swap3A_82, %swap3A_83], %swap3A_86 {strides = array<i32>} : memref<40x384xf32, #tpu.memory_space<vmem>>, vector<1x16xf32>,
      %broadcast_in_dim3A_87 = arith.constant 0.000000e+00 : f32
      %broadcast_in_dim3A_88 = vector.broadcast %broadcast_in_dim3A_87 : f32 to vector<16xf32>
      %swap3A_89 = arith.index_cast %scan3A_45 : i32 to index
      %swap3A_90 = arith.constant 368 : index
      %swap3A_91 = tpu.vector_load %arg13[%swap3A_89, %swap3A_90] {strides = array<i32>} : memref<40x384xf32, #tpu.memory_space<vmem>>, vector<1x16xf32>,
      %swap3A_92 = vector.shape_cast %swap3A_91 : vector<1x16xf32> to vector<16xf32>
      %swap3A_93 = vector.shape_cast %broadcast_in_dim3A_88 : vector<16xf32> to vector<1x16xf32>
      tpu.vector_store %arg13[%swap3A_89, %swap3A_90], %swap3A_93 {strides = array<i32>} : memref<40x384xf32, #tpu.memory_space<vmem>>, vector<1x16xf32>,
    }
    %scan3A_38 = arith.constant 40 : i32
    %scan3A_39 = arith.constant 0 : i32
    %scan3A_40 = arith.constant 0 : i32
    %scan3A_41 = arith.constant 250 : i32
    %scan3A_42 = arith.addi %scan3A_40, %scan3A_41 : i32
    %scan3A_43 = arith.constant 1 : i32
    scf.for %scan3A_45 = %scan3A_40 to %scan3A_42 step %scan3A_43  : i32 {
      %mul3A_46 = arith.constant 40 : i32
      %mul3A_47 = arith.muli %scan3A_45, %mul3A_46 : i32
      %add3A_48 = arith.addi %mul3A_2, %mul3A_47 : i32
      "tpu.region"() ({
        %run_scoped3A = tpu.sem_alloc : memref<!tpu.dma_semaphore, #tpu.memory_space<semaphore_mem>>
        %dma_start3A_71 = tpu.memref_slice %arg2[%add3A_48] : memref<320000xi32, #tpu.memory_space<hbm>> -> memref<40xi32, #tpu.memory_space<hbm>>
        %dma_start3A_72 = tpu.memref_slice %arg2[%add3A_48] : memref<320000xi32, #tpu.memory_space<hbm>> -> memref<40xi32, #tpu.memory_space<hbm>>
        tpu.enqueue_dma source(%dma_start3A_72 : memref<40xi32, #tpu.memory_space<hbm>>) target(%arg8 : memref<40xi32, #tpu.memory_space<vmem>>) target_semaphore(%run_scoped3A : memref<!tpu.dma_semaphore, #tpu.memory_space<semaphore_mem>>)
        %dma_wait3A_73 = tpu.memref_slice %arg2[%add3A_48] : memref<320000xi32, #tpu.memory_space<hbm>> -> memref<40xi32, #tpu.memory_space<hbm>>
        %dma_wait3A_74 = tpu.memref_slice %arg2[%add3A_48] : memref<320000xi32, #tpu.memory_space<hbm>> -> memref<40xi32, #tpu.memory_space<hbm>>
        tpu.wait_dma2 semaphore(%run_scoped3A : memref<!tpu.dma_semaphore, #tpu.memory_space<semaphore_mem>>) src(%dma_wait3A_74 : memref<40xi32, #tpu.memory_space<hbm>>) dst(%arg8 : memref<40xi32, #tpu.memory_space<vmem>>)
        tpu.yield
      }) : () -> ()
      "tpu.region"() ({
        %run_scoped3A = tpu.sem_alloc : memref<!tpu.dma_semaphore, #tpu.memory_space<semaphore_mem>>
        %dma_start3A_71 = tpu.memref_slice %arg3[%add3A_48] : memref<320000xi32, #tpu.memory_space<hbm>> -> memref<40xi32, #tpu.memory_space<hbm>>
        %dma_start3A_72 = tpu.memref_slice %arg3[%add3A_48] : memref<320000xi32, #tpu.memory_space<hbm>> -> memref<40xi32, #tpu.memory_space<hbm>>
        tpu.enqueue_dma source(%dma_start3A_72 : memref<40xi32, #tpu.memory_space<hbm>>) target(%arg9 : memref<40xi32, #tpu.memory_space<vmem>>) target_semaphore(%run_scoped3A : memref<!tpu.dma_semaphore, #tpu.memory_space<semaphore_mem>>)
        %dma_wait3A_73 = tpu.memref_slice %arg3[%add3A_48] : memref<320000xi32, #tpu.memory_space<hbm>> -> memref<40xi32, #tpu.memory_space<hbm>>
        %dma_wait3A_74 = tpu.memref_slice %arg3[%add3A_48] : memref<320000xi32, #tpu.memory_space<hbm>> -> memref<40xi32, #tpu.memory_space<hbm>>
        tpu.wait_dma2 semaphore(%run_scoped3A : memref<!tpu.dma_semaphore, #tpu.memory_space<semaphore_mem>>) src(%dma_wait3A_74 : memref<40xi32, #tpu.memory_space<hbm>>) dst(%arg9 : memref<40xi32, #tpu.memory_space<vmem>>)
        tpu.yield
      }) : () -> ()
      %dma_start3A = arith.constant 0 : i32
      %dma_start3A_49 = arith.constant 0 : i32
      %dma_start3A_50 = tpu.memref_slice %arg4[%dma_start3A, %dma_start3A_49] : memref<10240x128xf32, #tpu.memory_space<hbm>> -> memref<10240x128xf32, #tpu.memory_space<hbm>>
      tpu.enqueue_indirect_dma source(%dma_start3A_50 : memref<10240x128xf32, #tpu.memory_space<hbm>>) target(%arg10 : memref<40x128xf32, #tpu.memory_space<vmem>>) offsets(%arg8 : memref<40xi32, #tpu.memory_space<vmem>>) semaphore(%arg14 : memref<!tpu.dma_semaphore, #tpu.memory_space<semaphore_mem>>)
      %dma_wait3A = arith.constant 0 : i32
      %dma_wait3A_51 = arith.constant 0 : i32
      %dma_wait3A_52 = tpu.memref_slice %arg4[%dma_wait3A, %dma_wait3A_51] : memref<10240x128xf32, #tpu.memory_space<hbm>> -> memref<10240x128xf32, #tpu.memory_space<hbm>>
      tpu.wait_indirect_dma semaphore(%arg14 : memref<!tpu.dma_semaphore, #tpu.memory_space<semaphore_mem>>) src(%dma_wait3A_52 : memref<10240x128xf32, #tpu.memory_space<hbm>>) dst(%arg10 : memref<40x128xf32, #tpu.memory_space<vmem>>)
      %dma_start3A_53 = arith.constant 0 : i32
      %dma_start3A_54 = arith.constant 0 : i32
      %dma_start3A_55 = tpu.memref_slice %arg5[%dma_start3A_53, %dma_start3A_54] : memref<10240x128xf32, #tpu.memory_space<hbm>> -> memref<10240x128xf32, #tpu.memory_space<hbm>>
      tpu.enqueue_indirect_dma source(%dma_start3A_55 : memref<10240x128xf32, #tpu.memory_space<hbm>>) target(%arg11 : memref<40x128xf32, #tpu.memory_space<vmem>>) offsets(%arg9 : memref<40xi32, #tpu.memory_space<vmem>>) semaphore(%arg14 : memref<!tpu.dma_semaphore, #tpu.memory_space<semaphore_mem>>)
      %dma_wait3A_56 = arith.constant 0 : i32
      %dma_wait3A_57 = arith.constant 0 : i32
      %dma_wait3A_58 = tpu.memref_slice %arg5[%dma_wait3A_56, %dma_wait3A_57] : memref<10240x128xf32, #tpu.memory_space<hbm>> -> memref<10240x128xf32, #tpu.memory_space<hbm>>
      tpu.wait_indirect_dma semaphore(%arg14 : memref<!tpu.dma_semaphore, #tpu.memory_space<semaphore_mem>>) src(%dma_wait3A_58 : memref<10240x128xf32, #tpu.memory_space<hbm>>) dst(%arg11 : memref<40x128xf32, #tpu.memory_space<vmem>>)
      %dma_start3A_59 = arith.constant 0 : i32
      %dma_start3A_60 = arith.constant 0 : i32
      %dma_start3A_61 = tpu.memref_slice %arg6[%dma_start3A_59, %dma_start3A_60] : memref<10000x256xf32, #tpu.memory_space<hbm>> -> memref<10000x256xf32, #tpu.memory_space<hbm>>
      tpu.enqueue_indirect_dma source(%dma_start3A_61 : memref<10000x256xf32, #tpu.memory_space<hbm>>) target(%arg12 : memref<40x256xf32, #tpu.memory_space<vmem>>) offsets(%arg8 : memref<40xi32, #tpu.memory_space<vmem>>) semaphore(%arg14 : memref<!tpu.dma_semaphore, #tpu.memory_space<semaphore_mem>>)
      %dma_wait3A_62 = arith.constant 0 : i32
      %dma_wait3A_63 = arith.constant 0 : i32
      %dma_wait3A_64 = tpu.memref_slice %arg6[%dma_wait3A_62, %dma_wait3A_63] : memref<10000x256xf32, #tpu.memory_space<hbm>> -> memref<10000x256xf32, #tpu.memory_space<hbm>>
      tpu.wait_indirect_dma semaphore(%arg14 : memref<!tpu.dma_semaphore, #tpu.memory_space<semaphore_mem>>) src(%dma_wait3A_64 : memref<10000x256xf32, #tpu.memory_space<hbm>>) dst(%arg12 : memref<40x256xf32, #tpu.memory_space<vmem>>)
      %scan3A_65 = arith.constant 0 : i32
      %scan3A_66 = arith.constant 0 : i32
      %scan3A_67 = arith.constant 40 : i32
      %scan3A_68 = arith.addi %scan3A_66, %scan3A_67 : i32
      %scan3A_69 = arith.constant 1 : i32
      scf.for %scan3A_71 = %scan3A_66 to %scan3A_68 step %scan3A_69  : i32 {
        %get3A = arith.index_cast %scan3A_71 : i32 to index
        %get3A_72 = arith.constant 0 : index
        %get3A_73 = tpu.vector_load %arg10[%get3A, %get3A_72] {strides = array<i32>} : memref<40x128xf32, #tpu.memory_space<vmem>>, vector<1x16xf32>,
        %get3A_74 = vector.shape_cast %get3A_73 : vector<1x16xf32> to vector<16xf32>
        %get3A_75 = arith.index_cast %scan3A_71 : i32 to index
        %get3A_76 = arith.constant 0 : index
        %get3A_77 = tpu.vector_load %arg11[%get3A_75, %get3A_76] {strides = array<i32>} : memref<40x128xf32, #tpu.memory_space<vmem>>, vector<1x16xf32>,
        %get3A_78 = vector.shape_cast %get3A_77 : vector<1x16xf32> to vector<16xf32>
        %add3A_79 = arith.addf %get3A_74, %get3A_78 : vector<16xf32>
        %ge3A = arith.constant 0.000000e+00 : f32
        %ge3A_80 = vector.broadcast %ge3A : f32 to vector<16xf32>
        %ge3A_81 = arith.cmpf oge, %add3A_79, %ge3A_80 : vector<16xf32>
        %mul3A_82 = arith.constant 2.000000e-01 : f32
        %mul3A_83 = vector.broadcast %mul3A_82 : f32 to vector<16xf32>
        %mul3A_84 = arith.mulf %mul3A_83, %add3A_79 : vector<16xf32>
        %select_n3A = arith.select %ge3A_81, %add3A_79, %mul3A_84 : vector<16xi1>, vector<16xf32>
        %exp3A = math.exp %select_n3A : vector<16xf32>
        %lt3A = arith.constant 0 : i32
        %lt3A_85 = vector.broadcast %lt3A : i32 to vector<16xi32>
        %lt3A_86 = arith.cmpi slt, %broadcast_in_dim3A_3, %lt3A_85 : vector<16xi32>
        %add3A_87 = arith.constant 16 : i32
        %add3A_88 = vector.broadcast %add3A_87 : i32 to vector<16xi32>
        %add3A_89 = arith.addi %broadcast_in_dim3A_3, %add3A_88 : vector<16xi32>
        %select_n3A_90 = arith.select %lt3A_86, %add3A_89, %broadcast_in_dim3A_3 : vector<16xi1>, vector<16xi32>
        %broadcast_in_dim3A_91 = vector.shape_cast %select_n3A_90 : vector<16xi32> to vector<16x1xi32>
        %gather3A = vector.shape_cast %broadcast_in_dim3A_91 : vector<16x1xi32> to vector<16xi32>
        %gather3A_92 = tpu.dynamic_gather %exp3A[%gather3A] in [0] : vector<16xf32>, vector<16xi32> -> vector<16xf32>
        %get3A_93 = arith.index_cast %scan3A_71 : i32 to index
        %get3A_94 = arith.constant 0 : index
        %get3A_95 = tpu.vector_load %arg12[%get3A_93, %get3A_94] {strides = array<i32>} : memref<40x256xf32, #tpu.memory_space<vmem>>, vector<1x16xf32>,
        %get3A_96 = vector.shape_cast %get3A_95 : vector<1x16xf32> to vector<16xf32>
        %mul3A_97 = arith.mulf %get3A_96, %gather3A_92 : vector<16xf32>
        %swap3A = arith.index_cast %scan3A_71 : i32 to index
        %swap3A_98 = arith.constant 0 : index
        %swap3A_99 = tpu.vector_load %arg13[%swap3A, %swap3A_98] {strides = array<i32>} : memref<40x384xf32, #tpu.memory_space<vmem>>, vector<1x16xf32>,
        %swap3A_100 = vector.shape_cast %swap3A_99 : vector<1x16xf32> to vector<16xf32>
        %swap3A_101 = vector.shape_cast %mul3A_97 : vector<16xf32> to vector<1x16xf32>
        tpu.vector_store %arg13[%swap3A, %swap3A_98], %swap3A_101 {strides = array<i32>} : memref<40x384xf32, #tpu.memory_space<vmem>>, vector<1x16xf32>,
        %lt3A_102 = arith.constant 0 : i32
        %lt3A_103 = vector.broadcast %lt3A_102 : i32 to vector<16xi32>
        %lt3A_104 = arith.cmpi slt, %broadcast_in_dim3A_5, %lt3A_103 : vector<16xi32>
        %add3A_105 = arith.constant 16 : i32
        %add3A_106 = vector.broadcast %add3A_105 : i32 to vector<16xi32>
        %add3A_107 = arith.addi %broadcast_in_dim3A_5, %add3A_106 : vector<16xi32>
        %select_n3A_108 = arith.select %lt3A_104, %add3A_107, %broadcast_in_dim3A_5 : vector<16xi1>, vector<16xi32>
        %broadcast_in_dim3A_109 = vector.shape_cast %select_n3A_108 : vector<16xi32> to vector<16x1xi32>
        %gather3A_110 = vector.shape_cast %broadcast_in_dim3A_109 : vector<16x1xi32> to vector<16xi32>
        %gather3A_111 = tpu.dynamic_gather %exp3A[%gather3A_110] in [0] : vector<16xf32>, vector<16xi32> -> vector<16xf32>
        %get3A_112 = arith.index_cast %scan3A_71 : i32 to index
        %get3A_113 = arith.constant 16 : index
        %get3A_114 = tpu.vector_load %arg12[%get3A_112, %get3A_113] {strides = array<i32>} : memref<40x256xf32, #tpu.memory_space<vmem>>, vector<1x16xf32>,
        %get3A_115 = vector.shape_cast %get3A_114 : vector<1x16xf32> to vector<16xf32>
        %mul3A_116 = arith.mulf %get3A_115, %gather3A_111 : vector<16xf32>
        %swap3A_117 = arith.index_cast %scan3A_71 : i32 to index
        %swap3A_118 = arith.constant 16 : index
        %swap3A_119 = tpu.vector_load %arg13[%swap3A_117, %swap3A_118] {strides = array<i32>} : memref<40x384xf32, #tpu.memory_space<vmem>>, vector<1x16xf32>,
        %swap3A_120 = vector.shape_cast %swap3A_119 : vector<1x16xf32> to vector<16xf32>
        %swap3A_121 = vector.shape_cast %mul3A_116 : vector<16xf32> to vector<1x16xf32>
        tpu.vector_store %arg13[%swap3A_117, %swap3A_118], %swap3A_121 {strides = array<i32>} : memref<40x384xf32, #tpu.memory_space<vmem>>, vector<1x16xf32>,
        %lt3A_122 = arith.constant 0 : i32
        %lt3A_123 = vector.broadcast %lt3A_122 : i32 to vector<16xi32>
        %lt3A_124 = arith.cmpi slt, %broadcast_in_dim3A_7, %lt3A_123 : vector<16xi32>
        %add3A_125 = arith.constant 16 : i32
        %add3A_126 = vector.broadcast %add3A_125 : i32 to vector<16xi32>
        %add3A_127 = arith.addi %broadcast_in_dim3A_7, %add3A_126 : vector<16xi32>
        %select_n3A_128 = arith.select %lt3A_124, %add3A_127, %broadcast_in_dim3A_7 : vector<16xi1>, vector<16xi32>
        %broadcast_in_dim3A_129 = vector.shape_cast %select_n3A_128 : vector<16xi32> to vector<16x1xi32>
        %gather3A_130 = vector.shape_cast %broadcast_in_dim3A_129 : vector<16x1xi32> to vector<16xi32>
        %gather3A_131 = tpu.dynamic_gather %exp3A[%gather3A_130] in [0] : vector<16xf32>, vector<16xi32> -> vector<16xf32>
        %get3A_132 = arith.index_cast %scan3A_71 : i32 to index
        %get3A_133 = arith.constant 32 : index
        %get3A_134 = tpu.vector_load %arg12[%get3A_132, %get3A_133] {strides = array<i32>} : memref<40x256xf32, #tpu.memory_space<vmem>>, vector<1x16xf32>,
        %get3A_135 = vector.shape_cast %get3A_134 : vector<1x16xf32> to vector<16xf32>
        %mul3A_136 = arith.mulf %get3A_135, %gather3A_131 : vector<16xf32>
        %swap3A_137 = arith.index_cast %scan3A_71 : i32 to index
        %swap3A_138 = arith.constant 32 : index
        %swap3A_139 = tpu.vector_load %arg13[%swap3A_137, %swap3A_138] {strides = array<i32>} : memref<40x384xf32, #tpu.memory_space<vmem>>, vector<1x16xf32>,
        %swap3A_140 = vector.shape_cast %swap3A_139 : vector<1x16xf32> to vector<16xf32>
        %swap3A_141 = vector.shape_cast %mul3A_136 : vector<16xf32> to vector<1x16xf32>
        tpu.vector_store %arg13[%swap3A_137, %swap3A_138], %swap3A_141 {strides = array<i32>} : memref<40x384xf32, #tpu.memory_space<vmem>>, vector<1x16xf32>,
        %lt3A_142 = arith.constant 0 : i32
        %lt3A_143 = vector.broadcast %lt3A_142 : i32 to vector<16xi32>
        %lt3A_144 = arith.cmpi slt, %broadcast_in_dim3A_9, %lt3A_143 : vector<16xi32>
        %add3A_145 = arith.constant 16 : i32
        %add3A_146 = vector.broadcast %add3A_145 : i32 to vector<16xi32>
        %add3A_147 = arith.addi %broadcast_in_dim3A_9, %add3A_146 : vector<16xi32>
        %select_n3A_148 = arith.select %lt3A_144, %add3A_147, %broadcast_in_dim3A_9 : vector<16xi1>, vector<16xi32>
        %broadcast_in_dim3A_149 = vector.shape_cast %select_n3A_148 : vector<16xi32> to vector<16x1xi32>
        %gather3A_150 = vector.shape_cast %broadcast_in_dim3A_149 : vector<16x1xi32> to vector<16xi32>
        %gather3A_151 = tpu.dynamic_gather %exp3A[%gather3A_150] in [0] : vector<16xf32>, vector<16xi32> -> vector<16xf32>
        %get3A_152 = arith.index_cast %scan3A_71 : i32 to index
        %get3A_153 = arith.constant 48 : index
        %get3A_154 = tpu.vector_load %arg12[%get3A_152, %get3A_153] {strides = array<i32>} : memref<40x256xf32, #tpu.memory_space<vmem>>, vector<1x16xf32>,
        %get3A_155 = vector.shape_cast %get3A_154 : vector<1x16xf32> to vector<16xf32>
        %mul3A_156 = arith.mulf %get3A_155, %gather3A_151 : vector<16xf32>
        %swap3A_157 = arith.index_cast %scan3A_71 : i32 to index
        %swap3A_158 = arith.constant 48 : index
        %swap3A_159 = tpu.vector_load %arg13[%swap3A_157, %swap3A_158] {strides = array<i32>} : memref<40x384xf32, #tpu.memory_space<vmem>>, vector<1x16xf32>,
        %swap3A_160 = vector.shape_cast %swap3A_159 : vector<1x16xf32> to vector<16xf32>
        %swap3A_161 = vector.shape_cast %mul3A_156 : vector<16xf32> to vector<1x16xf32>
        tpu.vector_store %arg13[%swap3A_157, %swap3A_158], %swap3A_161 {strides = array<i32>} : memref<40x384xf32, #tpu.memory_space<vmem>>, vector<1x16xf32>,
        %lt3A_162 = arith.constant 0 : i32
        %lt3A_163 = vector.broadcast %lt3A_162 : i32 to vector<16xi32>
        %lt3A_164 = arith.cmpi slt, %broadcast_in_dim3A_11, %lt3A_163 : vector<16xi32>
        %add3A_165 = arith.constant 16 : i32
        %add3A_166 = vector.broadcast %add3A_165 : i32 to vector<16xi32>
        %add3A_167 = arith.addi %broadcast_in_dim3A_11, %add3A_166 : vector<16xi32>
        %select_n3A_168 = arith.select %lt3A_164, %add3A_167, %broadcast_in_dim3A_11 : vector<16xi1>, vector<16xi32>
        %broadcast_in_dim3A_169 = vector.shape_cast %select_n3A_168 : vector<16xi32> to vector<16x1xi32>
        %gather3A_170 = vector.shape_cast %broadcast_in_dim3A_169 : vector<16x1xi32> to vector<16xi32>
        %gather3A_171 = tpu.dynamic_gather %exp3A[%gather3A_170] in [0] : vector<16xf32>, vector<16xi32> -> vector<16xf32>
        %get3A_172 = arith.index_cast %scan3A_71 : i32 to index
        %get3A_173 = arith.constant 64 : index
        %get3A_174 = tpu.vector_load %arg12[%get3A_172, %get3A_173] {strides = array<i32>} : memref<40x256xf32, #tpu.memory_space<vmem>>, vector<1x16xf32>,
        %get3A_175 = vector.shape_cast %get3A_174 : vector<1x16xf32> to vector<16xf32>
        %mul3A_176 = arith.mulf %get3A_175, %gather3A_171 : vector<16xf32>
        %swap3A_177 = arith.index_cast %scan3A_71 : i32 to index
        %swap3A_178 = arith.constant 64 : index
        %swap3A_179 = tpu.vector_load %arg13[%swap3A_177, %swap3A_178] {strides = array<i32>} : memref<40x384xf32, #tpu.memory_space<vmem>>, vector<1x16xf32>,
        %swap3A_180 = vector.shape_cast %swap3A_179 : vector<1x16xf32> to vector<16xf32>
        %swap3A_181 = vector.shape_cast %mul3A_176 : vector<16xf32> to vector<1x16xf32>
        tpu.vector_store %arg13[%swap3A_177, %swap3A_178], %swap3A_181 {strides = array<i32>} : memref<40x384xf32, #tpu.memory_space<vmem>>, vector<1x16xf32>,
        %lt3A_182 = arith.constant 0 : i32
        %lt3A_183 = vector.broadcast %lt3A_182 : i32 to vector<16xi32>
        %lt3A_184 = arith.cmpi slt, %broadcast_in_dim3A_13, %lt3A_183 : vector<16xi32>
        %add3A_185 = arith.constant 16 : i32
        %add3A_186 = vector.broadcast %add3A_185 : i32 to vector<16xi32>
        %add3A_187 = arith.addi %broadcast_in_dim3A_13, %add3A_186 : vector<16xi32>
        %select_n3A_188 = arith.select %lt3A_184, %add3A_187, %broadcast_in_dim3A_13 : vector<16xi1>, vector<16xi32>
        %broadcast_in_dim3A_189 = vector.shape_cast %select_n3A_188 : vector<16xi32> to vector<16x1xi32>
        %gather3A_190 = vector.shape_cast %broadcast_in_dim3A_189 : vector<16x1xi32> to vector<16xi32>
        %gather3A_191 = tpu.dynamic_gather %exp3A[%gather3A_190] in [0] : vector<16xf32>, vector<16xi32> -> vector<16xf32>
        %get3A_192 = arith.index_cast %scan3A_71 : i32 to index
        %get3A_193 = arith.constant 80 : index
        %get3A_194 = tpu.vector_load %arg12[%get3A_192, %get3A_193] {strides = array<i32>} : memref<40x256xf32, #tpu.memory_space<vmem>>, vector<1x16xf32>,
        %get3A_195 = vector.shape_cast %get3A_194 : vector<1x16xf32> to vector<16xf32>
        %mul3A_196 = arith.mulf %get3A_195, %gather3A_191 : vector<16xf32>
        %swap3A_197 = arith.index_cast %scan3A_71 : i32 to index
        %swap3A_198 = arith.constant 80 : index
        %swap3A_199 = tpu.vector_load %arg13[%swap3A_197, %swap3A_198] {strides = array<i32>} : memref<40x384xf32, #tpu.memory_space<vmem>>, vector<1x16xf32>,
        %swap3A_200 = vector.shape_cast %swap3A_199 : vector<1x16xf32> to vector<16xf32>
        %swap3A_201 = vector.shape_cast %mul3A_196 : vector<16xf32> to vector<1x16xf32>
        tpu.vector_store %arg13[%swap3A_197, %swap3A_198], %swap3A_201 {strides = array<i32>} : memref<40x384xf32, #tpu.memory_space<vmem>>, vector<1x16xf32>,
        %lt3A_202 = arith.constant 0 : i32
        %lt3A_203 = vector.broadcast %lt3A_202 : i32 to vector<16xi32>
        %lt3A_204 = arith.cmpi slt, %broadcast_in_dim3A_15, %lt3A_203 : vector<16xi32>
        %add3A_205 = arith.constant 16 : i32
        %add3A_206 = vector.broadcast %add3A_205 : i32 to vector<16xi32>
        %add3A_207 = arith.addi %broadcast_in_dim3A_15, %add3A_206 : vector<16xi32>
        %select_n3A_208 = arith.select %lt3A_204, %add3A_207, %broadcast_in_dim3A_15 : vector<16xi1>, vector<16xi32>
        %broadcast_in_dim3A_209 = vector.shape_cast %select_n3A_208 : vector<16xi32> to vector<16x1xi32>
        %gather3A_210 = vector.shape_cast %broadcast_in_dim3A_209 : vector<16x1xi32> to vector<16xi32>
        %gather3A_211 = tpu.dynamic_gather %exp3A[%gather3A_210] in [0] : vector<16xf32>, vector<16xi32> -> vector<16xf32>
        %get3A_212 = arith.index_cast %scan3A_71 : i32 to index
        %get3A_213 = arith.constant 96 : index
        %get3A_214 = tpu.vector_load %arg12[%get3A_212, %get3A_213] {strides = array<i32>} : memref<40x256xf32, #tpu.memory_space<vmem>>, vector<1x16xf32>,
        %get3A_215 = vector.shape_cast %get3A_214 : vector<1x16xf32> to vector<16xf32>
        %mul3A_216 = arith.mulf %get3A_215, %gather3A_211 : vector<16xf32>
        %swap3A_217 = arith.index_cast %scan3A_71 : i32 to index
        %swap3A_218 = arith.constant 96 : index
        %swap3A_219 = tpu.vector_load %arg13[%swap3A_217, %swap3A_218] {strides = array<i32>} : memref<40x384xf32, #tpu.memory_space<vmem>>, vector<1x16xf32>,
        %swap3A_220 = vector.shape_cast %swap3A_219 : vector<1x16xf32> to vector<16xf32>
        %swap3A_221 = vector.shape_cast %mul3A_216 : vector<16xf32> to vector<1x16xf32>
        tpu.vector_store %arg13[%swap3A_217, %swap3A_218], %swap3A_221 {strides = array<i32>} : memref<40x384xf32, #tpu.memory_space<vmem>>, vector<1x16xf32>,
        %lt3A_222 = arith.constant 0 : i32
        %lt3A_223 = vector.broadcast %lt3A_222 : i32 to vector<16xi32>
        %lt3A_224 = arith.cmpi slt, %broadcast_in_dim3A_17, %lt3A_223 : vector<16xi32>
        %add3A_225 = arith.constant 16 : i32
        %add3A_226 = vector.broadcast %add3A_225 : i32 to vector<16xi32>
        %add3A_227 = arith.addi %broadcast_in_dim3A_17, %add3A_226 : vector<16xi32>
        %select_n3A_228 = arith.select %lt3A_224, %add3A_227, %broadcast_in_dim3A_17 : vector<16xi1>, vector<16xi32>
        %broadcast_in_dim3A_229 = vector.shape_cast %select_n3A_228 : vector<16xi32> to vector<16x1xi32>
        %gather3A_230 = vector.shape_cast %broadcast_in_dim3A_229 : vector<16x1xi32> to vector<16xi32>
        %gather3A_231 = tpu.dynamic_gather %exp3A[%gather3A_230] in [0] : vector<16xf32>, vector<16xi32> -> vector<16xf32>
        %get3A_232 = arith.index_cast %scan3A_71 : i32 to index
        %get3A_233 = arith.constant 112 : index
        %get3A_234 = tpu.vector_load %arg12[%get3A_232, %get3A_233] {strides = array<i32>} : memref<40x256xf32, #tpu.memory_space<vmem>>, vector<1x16xf32>,
        %get3A_235 = vector.shape_cast %get3A_234 : vector<1x16xf32> to vector<16xf32>
        %mul3A_236 = arith.mulf %get3A_235, %gather3A_231 : vector<16xf32>
        %swap3A_237 = arith.index_cast %scan3A_71 : i32 to index
        %swap3A_238 = arith.constant 112 : index
        %swap3A_239 = tpu.vector_load %arg13[%swap3A_237, %swap3A_238] {strides = array<i32>} : memref<40x384xf32, #tpu.memory_space<vmem>>, vector<1x16xf32>,
        %swap3A_240 = vector.shape_cast %swap3A_239 : vector<1x16xf32> to vector<16xf32>
        %swap3A_241 = vector.shape_cast %mul3A_236 : vector<16xf32> to vector<1x16xf32>
        tpu.vector_store %arg13[%swap3A_237, %swap3A_238], %swap3A_241 {strides = array<i32>} : memref<40x384xf32, #tpu.memory_space<vmem>>, vector<1x16xf32>,
        %lt3A_242 = arith.constant 0 : i32
        %lt3A_243 = vector.broadcast %lt3A_242 : i32 to vector<16xi32>
        %lt3A_244 = arith.cmpi slt, %broadcast_in_dim3A_19, %lt3A_243 : vector<16xi32>
        %add3A_245 = arith.constant 16 : i32
        %add3A_246 = vector.broadcast %add3A_245 : i32 to vector<16xi32>
        %add3A_247 = arith.addi %broadcast_in_dim3A_19, %add3A_246 : vector<16xi32>
        %select_n3A_248 = arith.select %lt3A_244, %add3A_247, %broadcast_in_dim3A_19 : vector<16xi1>, vector<16xi32>
        %broadcast_in_dim3A_249 = vector.shape_cast %select_n3A_248 : vector<16xi32> to vector<16x1xi32>
        %gather3A_250 = vector.shape_cast %broadcast_in_dim3A_249 : vector<16x1xi32> to vector<16xi32>
        %gather3A_251 = tpu.dynamic_gather %exp3A[%gather3A_250] in [0] : vector<16xf32>, vector<16xi32> -> vector<16xf32>
        %get3A_252 = arith.index_cast %scan3A_71 : i32 to index
        %get3A_253 = arith.constant 128 : index
        %get3A_254 = tpu.vector_load %arg12[%get3A_252, %get3A_253] {strides = array<i32>} : memref<40x256xf32, #tpu.memory_space<vmem>>, vector<1x16xf32>,
        %get3A_255 = vector.shape_cast %get3A_254 : vector<1x16xf32> to vector<16xf32>
        %mul3A_256 = arith.mulf %get3A_255, %gather3A_251 : vector<16xf32>
        %swap3A_257 = arith.index_cast %scan3A_71 : i32 to index
        %swap3A_258 = arith.constant 128 : index
        %swap3A_259 = tpu.vector_load %arg13[%swap3A_257, %swap3A_258] {strides = array<i32>} : memref<40x384xf32, #tpu.memory_space<vmem>>, vector<1x16xf32>,
        %swap3A_260 = vector.shape_cast %swap3A_259 : vector<1x16xf32> to vector<16xf32>
        %swap3A_261 = vector.shape_cast %mul3A_256 : vector<16xf32> to vector<1x16xf32>
        tpu.vector_store %arg13[%swap3A_257, %swap3A_258], %swap3A_261 {strides = array<i32>} : memref<40x384xf32, #tpu.memory_space<vmem>>, vector<1x16xf32>,
        %lt3A_262 = arith.constant 0 : i32
        %lt3A_263 = vector.broadcast %lt3A_262 : i32 to vector<16xi32>
        %lt3A_264 = arith.cmpi slt, %broadcast_in_dim3A_21, %lt3A_263 : vector<16xi32>
        %add3A_265 = arith.constant 16 : i32
        %add3A_266 = vector.broadcast %add3A_265 : i32 to vector<16xi32>
        %add3A_267 = arith.addi %broadcast_in_dim3A_21, %add3A_266 : vector<16xi32>
        %select_n3A_268 = arith.select %lt3A_264, %add3A_267, %broadcast_in_dim3A_21 : vector<16xi1>, vector<16xi32>
        %broadcast_in_dim3A_269 = vector.shape_cast %select_n3A_268 : vector<16xi32> to vector<16x1xi32>
        %gather3A_270 = vector.shape_cast %broadcast_in_dim3A_269 : vector<16x1xi32> to vector<16xi32>
        %gather3A_271 = tpu.dynamic_gather %exp3A[%gather3A_270] in [0] : vector<16xf32>, vector<16xi32> -> vector<16xf32>
        %get3A_272 = arith.index_cast %scan3A_71 : i32 to index
        %get3A_273 = arith.constant 144 : index
        %get3A_274 = tpu.vector_load %arg12[%get3A_272, %get3A_273] {strides = array<i32>} : memref<40x256xf32, #tpu.memory_space<vmem>>, vector<1x16xf32>,
        %get3A_275 = vector.shape_cast %get3A_274 : vector<1x16xf32> to vector<16xf32>
        %mul3A_276 = arith.mulf %get3A_275, %gather3A_271 : vector<16xf32>
        %swap3A_277 = arith.index_cast %scan3A_71 : i32 to index
        %swap3A_278 = arith.constant 144 : index
        %swap3A_279 = tpu.vector_load %arg13[%swap3A_277, %swap3A_278] {strides = array<i32>} : memref<40x384xf32, #tpu.memory_space<vmem>>, vector<1x16xf32>,
        %swap3A_280 = vector.shape_cast %swap3A_279 : vector<1x16xf32> to vector<16xf32>
        %swap3A_281 = vector.shape_cast %mul3A_276 : vector<16xf32> to vector<1x16xf32>
        tpu.vector_store %arg13[%swap3A_277, %swap3A_278], %swap3A_281 {strides = array<i32>} : memref<40x384xf32, #tpu.memory_space<vmem>>, vector<1x16xf32>,
        %lt3A_282 = arith.constant 0 : i32
        %lt3A_283 = vector.broadcast %lt3A_282 : i32 to vector<16xi32>
        %lt3A_284 = arith.cmpi slt, %broadcast_in_dim3A_23, %lt3A_283 : vector<16xi32>
        %add3A_285 = arith.constant 16 : i32
        %add3A_286 = vector.broadcast %add3A_285 : i32 to vector<16xi32>
        %add3A_287 = arith.addi %broadcast_in_dim3A_23, %add3A_286 : vector<16xi32>
        %select_n3A_288 = arith.select %lt3A_284, %add3A_287, %broadcast_in_dim3A_23 : vector<16xi1>, vector<16xi32>
        %broadcast_in_dim3A_289 = vector.shape_cast %select_n3A_288 : vector<16xi32> to vector<16x1xi32>
        %gather3A_290 = vector.shape_cast %broadcast_in_dim3A_289 : vector<16x1xi32> to vector<16xi32>
        %gather3A_291 = tpu.dynamic_gather %exp3A[%gather3A_290] in [0] : vector<16xf32>, vector<16xi32> -> vector<16xf32>
        %get3A_292 = arith.index_cast %scan3A_71 : i32 to index
        %get3A_293 = arith.constant 160 : index
        %get3A_294 = tpu.vector_load %arg12[%get3A_292, %get3A_293] {strides = array<i32>} : memref<40x256xf32, #tpu.memory_space<vmem>>, vector<1x16xf32>,
        %get3A_295 = vector.shape_cast %get3A_294 : vector<1x16xf32> to vector<16xf32>
        %mul3A_296 = arith.mulf %get3A_295, %gather3A_291 : vector<16xf32>
        %swap3A_297 = arith.index_cast %scan3A_71 : i32 to index
        %swap3A_298 = arith.constant 160 : index
        %swap3A_299 = tpu.vector_load %arg13[%swap3A_297, %swap3A_298] {strides = array<i32>} : memref<40x384xf32, #tpu.memory_space<vmem>>, vector<1x16xf32>,
        %swap3A_300 = vector.shape_cast %swap3A_299 : vector<1x16xf32> to vector<16xf32>
        %swap3A_301 = vector.shape_cast %mul3A_296 : vector<16xf32> to vector<1x16xf32>
        tpu.vector_store %arg13[%swap3A_297, %swap3A_298], %swap3A_301 {strides = array<i32>} : memref<40x384xf32, #tpu.memory_space<vmem>>, vector<1x16xf32>,
        %lt3A_302 = arith.constant 0 : i32
        %lt3A_303 = vector.broadcast %lt3A_302 : i32 to vector<16xi32>
        %lt3A_304 = arith.cmpi slt, %broadcast_in_dim3A_25, %lt3A_303 : vector<16xi32>
        %add3A_305 = arith.constant 16 : i32
        %add3A_306 = vector.broadcast %add3A_305 : i32 to vector<16xi32>
        %add3A_307 = arith.addi %broadcast_in_dim3A_25, %add3A_306 : vector<16xi32>
        %select_n3A_308 = arith.select %lt3A_304, %add3A_307, %broadcast_in_dim3A_25 : vector<16xi1>, vector<16xi32>
        %broadcast_in_dim3A_309 = vector.shape_cast %select_n3A_308 : vector<16xi32> to vector<16x1xi32>
        %gather3A_310 = vector.shape_cast %broadcast_in_dim3A_309 : vector<16x1xi32> to vector<16xi32>
        %gather3A_311 = tpu.dynamic_gather %exp3A[%gather3A_310] in [0] : vector<16xf32>, vector<16xi32> -> vector<16xf32>
        %get3A_312 = arith.index_cast %scan3A_71 : i32 to index
        %get3A_313 = arith.constant 176 : index
        %get3A_314 = tpu.vector_load %arg12[%get3A_312, %get3A_313] {strides = array<i32>} : memref<40x256xf32, #tpu.memory_space<vmem>>, vector<1x16xf32>,
        %get3A_315 = vector.shape_cast %get3A_314 : vector<1x16xf32> to vector<16xf32>
        %mul3A_316 = arith.mulf %get3A_315, %gather3A_311 : vector<16xf32>
        %swap3A_317 = arith.index_cast %scan3A_71 : i32 to index
        %swap3A_318 = arith.constant 176 : index
        %swap3A_319 = tpu.vector_load %arg13[%swap3A_317, %swap3A_318] {strides = array<i32>} : memref<40x384xf32, #tpu.memory_space<vmem>>, vector<1x16xf32>,
        %swap3A_320 = vector.shape_cast %swap3A_319 : vector<1x16xf32> to vector<16xf32>
        %swap3A_321 = vector.shape_cast %mul3A_316 : vector<16xf32> to vector<1x16xf32>
        tpu.vector_store %arg13[%swap3A_317, %swap3A_318], %swap3A_321 {strides = array<i32>} : memref<40x384xf32, #tpu.memory_space<vmem>>, vector<1x16xf32>,
        %lt3A_322 = arith.constant 0 : i32
        %lt3A_323 = vector.broadcast %lt3A_322 : i32 to vector<16xi32>
        %lt3A_324 = arith.cmpi slt, %broadcast_in_dim3A_27, %lt3A_323 : vector<16xi32>
        %add3A_325 = arith.constant 16 : i32
        %add3A_326 = vector.broadcast %add3A_325 : i32 to vector<16xi32>
        %add3A_327 = arith.addi %broadcast_in_dim3A_27, %add3A_326 : vector<16xi32>
        %select_n3A_328 = arith.select %lt3A_324, %add3A_327, %broadcast_in_dim3A_27 : vector<16xi1>, vector<16xi32>
        %broadcast_in_dim3A_329 = vector.shape_cast %select_n3A_328 : vector<16xi32> to vector<16x1xi32>
        %gather3A_330 = vector.shape_cast %broadcast_in_dim3A_329 : vector<16x1xi32> to vector<16xi32>
        %gather3A_331 = tpu.dynamic_gather %exp3A[%gather3A_330] in [0] : vector<16xf32>, vector<16xi32> -> vector<16xf32>
        %get3A_332 = arith.index_cast %scan3A_71 : i32 to index
        %get3A_333 = arith.constant 192 : index
        %get3A_334 = tpu.vector_load %arg12[%get3A_332, %get3A_333] {strides = array<i32>} : memref<40x256xf32, #tpu.memory_space<vmem>>, vector<1x16xf32>,
        %get3A_335 = vector.shape_cast %get3A_334 : vector<1x16xf32> to vector<16xf32>
        %mul3A_336 = arith.mulf %get3A_335, %gather3A_331 : vector<16xf32>
        %swap3A_337 = arith.index_cast %scan3A_71 : i32 to index
        %swap3A_338 = arith.constant 192 : index
        %swap3A_339 = tpu.vector_load %arg13[%swap3A_337, %swap3A_338] {strides = array<i32>} : memref<40x384xf32, #tpu.memory_space<vmem>>, vector<1x16xf32>,
        %swap3A_340 = vector.shape_cast %swap3A_339 : vector<1x16xf32> to vector<16xf32>
        %swap3A_341 = vector.shape_cast %mul3A_336 : vector<16xf32> to vector<1x16xf32>
        tpu.vector_store %arg13[%swap3A_337, %swap3A_338], %swap3A_341 {strides = array<i32>} : memref<40x384xf32, #tpu.memory_space<vmem>>, vector<1x16xf32>,
        %lt3A_342 = arith.constant 0 : i32
        %lt3A_343 = vector.broadcast %lt3A_342 : i32 to vector<16xi32>
        %lt3A_344 = arith.cmpi slt, %broadcast_in_dim3A_29, %lt3A_343 : vector<16xi32>
        %add3A_345 = arith.constant 16 : i32
        %add3A_346 = vector.broadcast %add3A_345 : i32 to vector<16xi32>
        %add3A_347 = arith.addi %broadcast_in_dim3A_29, %add3A_346 : vector<16xi32>
        %select_n3A_348 = arith.select %lt3A_344, %add3A_347, %broadcast_in_dim3A_29 : vector<16xi1>, vector<16xi32>
        %broadcast_in_dim3A_349 = vector.shape_cast %select_n3A_348 : vector<16xi32> to vector<16x1xi32>
        %gather3A_350 = vector.shape_cast %broadcast_in_dim3A_349 : vector<16x1xi32> to vector<16xi32>
        %gather3A_351 = tpu.dynamic_gather %exp3A[%gather3A_350] in [0] : vector<16xf32>, vector<16xi32> -> vector<16xf32>
        %get3A_352 = arith.index_cast %scan3A_71 : i32 to index
        %get3A_353 = arith.constant 208 : index
        %get3A_354 = tpu.vector_load %arg12[%get3A_352, %get3A_353] {strides = array<i32>} : memref<40x256xf32, #tpu.memory_space<vmem>>, vector<1x16xf32>,
        %get3A_355 = vector.shape_cast %get3A_354 : vector<1x16xf32> to vector<16xf32>
        %mul3A_356 = arith.mulf %get3A_355, %gather3A_351 : vector<16xf32>
        %swap3A_357 = arith.index_cast %scan3A_71 : i32 to index
        %swap3A_358 = arith.constant 208 : index
        %swap3A_359 = tpu.vector_load %arg13[%swap3A_357, %swap3A_358] {strides = array<i32>} : memref<40x384xf32, #tpu.memory_space<vmem>>, vector<1x16xf32>,
        %swap3A_360 = vector.shape_cast %swap3A_359 : vector<1x16xf32> to vector<16xf32>
        %swap3A_361 = vector.shape_cast %mul3A_356 : vector<16xf32> to vector<1x16xf32>
        tpu.vector_store %arg13[%swap3A_357, %swap3A_358], %swap3A_361 {strides = array<i32>} : memref<40x384xf32, #tpu.memory_space<vmem>>, vector<1x16xf32>,
        %lt3A_362 = arith.constant 0 : i32
        %lt3A_363 = vector.broadcast %lt3A_362 : i32 to vector<16xi32>
        %lt3A_364 = arith.cmpi slt, %broadcast_in_dim3A_31, %lt3A_363 : vector<16xi32>
        %add3A_365 = arith.constant 16 : i32
        %add3A_366 = vector.broadcast %add3A_365 : i32 to vector<16xi32>
        %add3A_367 = arith.addi %broadcast_in_dim3A_31, %add3A_366 : vector<16xi32>
        %select_n3A_368 = arith.select %lt3A_364, %add3A_367, %broadcast_in_dim3A_31 : vector<16xi1>, vector<16xi32>
        %broadcast_in_dim3A_369 = vector.shape_cast %select_n3A_368 : vector<16xi32> to vector<16x1xi32>
        %gather3A_370 = vector.shape_cast %broadcast_in_dim3A_369 : vector<16x1xi32> to vector<16xi32>
        %gather3A_371 = tpu.dynamic_gather %exp3A[%gather3A_370] in [0] : vector<16xf32>, vector<16xi32> -> vector<16xf32>
        %get3A_372 = arith.index_cast %scan3A_71 : i32 to index
        %get3A_373 = arith.constant 224 : index
        %get3A_374 = tpu.vector_load %arg12[%get3A_372, %get3A_373] {strides = array<i32>} : memref<40x256xf32, #tpu.memory_space<vmem>>, vector<1x16xf32>,
        %get3A_375 = vector.shape_cast %get3A_374 : vector<1x16xf32> to vector<16xf32>
        %mul3A_376 = arith.mulf %get3A_375, %gather3A_371 : vector<16xf32>
        %swap3A_377 = arith.index_cast %scan3A_71 : i32 to index
        %swap3A_378 = arith.constant 224 : index
        %swap3A_379 = tpu.vector_load %arg13[%swap3A_377, %swap3A_378] {strides = array<i32>} : memref<40x384xf32, #tpu.memory_space<vmem>>, vector<1x16xf32>,
        %swap3A_380 = vector.shape_cast %swap3A_379 : vector<1x16xf32> to vector<16xf32>
        %swap3A_381 = vector.shape_cast %mul3A_376 : vector<16xf32> to vector<1x16xf32>
        tpu.vector_store %arg13[%swap3A_377, %swap3A_378], %swap3A_381 {strides = array<i32>} : memref<40x384xf32, #tpu.memory_space<vmem>>, vector<1x16xf32>,
        %lt3A_382 = arith.constant 0 : i32
        %lt3A_383 = vector.broadcast %lt3A_382 : i32 to vector<16xi32>
        %lt3A_384 = arith.cmpi slt, %broadcast_in_dim3A_33, %lt3A_383 : vector<16xi32>
        %add3A_385 = arith.constant 16 : i32
        %add3A_386 = vector.broadcast %add3A_385 : i32 to vector<16xi32>
        %add3A_387 = arith.addi %broadcast_in_dim3A_33, %add3A_386 : vector<16xi32>
        %select_n3A_388 = arith.select %lt3A_384, %add3A_387, %broadcast_in_dim3A_33 : vector<16xi1>, vector<16xi32>
        %broadcast_in_dim3A_389 = vector.shape_cast %select_n3A_388 : vector<16xi32> to vector<16x1xi32>
        %gather3A_390 = vector.shape_cast %broadcast_in_dim3A_389 : vector<16x1xi32> to vector<16xi32>
        %gather3A_391 = tpu.dynamic_gather %exp3A[%gather3A_390] in [0] : vector<16xf32>, vector<16xi32> -> vector<16xf32>
        %get3A_392 = arith.index_cast %scan3A_71 : i32 to index
        %get3A_393 = arith.constant 240 : index
        %get3A_394 = tpu.vector_load %arg12[%get3A_392, %get3A_393] {strides = array<i32>} : memref<40x256xf32, #tpu.memory_space<vmem>>, vector<1x16xf32>,
        %get3A_395 = vector.shape_cast %get3A_394 : vector<1x16xf32> to vector<16xf32>
        %mul3A_396 = arith.mulf %get3A_395, %gather3A_391 : vector<16xf32>
        %swap3A_397 = arith.index_cast %scan3A_71 : i32 to index
        %swap3A_398 = arith.constant 240 : index
        %swap3A_399 = tpu.vector_load %arg13[%swap3A_397, %swap3A_398] {strides = array<i32>} : memref<40x384xf32, #tpu.memory_space<vmem>>, vector<1x16xf32>,
        %swap3A_400 = vector.shape_cast %swap3A_399 : vector<1x16xf32> to vector<16xf32>
        %swap3A_401 = vector.shape_cast %mul3A_396 : vector<16xf32> to vector<1x16xf32>
        tpu.vector_store %arg13[%swap3A_397, %swap3A_398], %swap3A_401 {strides = array<i32>} : memref<40x384xf32, #tpu.memory_space<vmem>>, vector<1x16xf32>,
        %swap3A_402 = arith.index_cast %scan3A_71 : i32 to index
        %swap3A_403 = arith.constant 256 : index
        %swap3A_404 = tpu.vector_load %arg13[%swap3A_402, %swap3A_403] {strides = array<i32>} : memref<40x384xf32, #tpu.memory_space<vmem>>, vector<1x16xf32>,
        %swap3A_405 = vector.shape_cast %swap3A_404 : vector<1x16xf32> to vector<16xf32>
        %swap3A_406 = vector.shape_cast %exp3A : vector<16xf32> to vector<1x16xf32>
        tpu.vector_store %arg13[%swap3A_402, %swap3A_403], %swap3A_406 {strides = array<i32>} : memref<40x384xf32, #tpu.memory_space<vmem>>, vector<1x16xf32>,
      }
      %scan3A_70 = arith.constant 40 : i32
      "tpu.region"() ({
        %run_scoped3A = tpu.sem_alloc : memref<!tpu.dma_semaphore, #tpu.memory_space<semaphore_mem>>
        %dma_start3A_71 = arith.constant 0 : i32
        %dma_start3A_72 = tpu.memref_slice %arg7[%add3A_48, %dma_start3A_71] : memref<320000x384xf32, #tpu.memory_space<hbm>> -> memref<40x384xf32, #tpu.memory_space<hbm>>
        %dma_start3A_73 = arith.constant 0 : i32
        %dma_start3A_74 = tpu.memref_slice %arg7[%add3A_48, %dma_start3A_73] : memref<320000x384xf32, #tpu.memory_space<hbm>> -> memref<40x384xf32, #tpu.memory_space<hbm>>
        tpu.enqueue_dma source(%arg13 : memref<40x384xf32, #tpu.memory_space<vmem>>) target(%dma_start3A_74 : memref<40x384xf32, #tpu.memory_space<hbm>>) target_semaphore(%run_scoped3A : memref<!tpu.dma_semaphore, #tpu.memory_space<semaphore_mem>>)
        %dma_wait3A_75 = arith.constant 0 : i32
        %dma_wait3A_76 = tpu.memref_slice %arg7[%add3A_48, %dma_wait3A_75] : memref<320000x384xf32, #tpu.memory_space<hbm>> -> memref<40x384xf32, #tpu.memory_space<hbm>>
        %dma_wait3A_77 = arith.constant 0 : i32
        %dma_wait3A_78 = tpu.memref_slice %arg7[%add3A_48, %dma_wait3A_77] : memref<320000x384xf32, #tpu.memory_space<hbm>> -> memref<40x384xf32, #tpu.memory_space<hbm>>
        tpu.wait_dma2 semaphore(%run_scoped3A : memref<!tpu.dma_semaphore, #tpu.memory_space<semaphore_mem>>) src(%arg13 : memref<40x384xf32, #tpu.memory_space<vmem>>) dst(%dma_wait3A_78 : memref<40x384xf32, #tpu.memory_space<hbm>>)
        tpu.yield
      }) : () -> ()
    }
    %scan3A_44 = arith.constant 250 : i32
    return
  }
}

#map = affine_map<(d0, d1) -> (0)>
#map1 = affine_map<(d0, d1) -> (0, 0)>
module attributes {stable_mosaic.version = 14 : i64} {
  func.func @_edges_body(%arg0: i32, %arg1: i32, %arg2: memref<320000xi32, #tpu.memory_space<hbm>>, %arg3: memref<320000xi32, #tpu.memory_space<hbm>>, %arg4: memref<10240x128xf32, #tpu.memory_space<hbm>>, %arg5: memref<10240x128xf32, #tpu.memory_space<hbm>>, %arg6: memref<10000x256xf32, #tpu.memory_space<hbm>>, %arg7: memref<320000x384xf32, #tpu.memory_space<hbm>>, %arg8: memref<40xi32, #tpu.memory_space<vmem>>, %arg9: memref<40xi32, #tpu.memory_space<vmem>>, %arg10: memref<40x128xf32, #tpu.memory_space<vmem>>, %arg11: memref<40x128xf32, #tpu.memory_space<vmem>>, %arg12: memref<40x256xf32, #tpu.memory_space<vmem>>, %arg13: memref<40x384xf32, #tpu.memory_space<vmem>>, %arg14: memref<!tpu.dma_semaphore, #tpu.memory_space<semaphore_mem>>) attributes {dimension_semantics = [#tpu.dimension_semantics<core_parallel>, #tpu.dimension_semantics<subcore_parallel>], iteration_bounds = array<i64: 2, 16>, scalar_prefetch = 0 : i64, scratch_operands = 7 : i64, tpu.core_type = #tpu.core_type<sc_vector_subcore>, window_params = [{transform_indices = #map}, {transform_indices = #map}, {transform_indices = #map1}, {transform_indices = #map1}, {transform_indices = #map1}, {transform_indices = #map1}]} {
    %mul3A = arith.constant 16 : i32
    %mul3A_0 = arith.muli %arg0, %mul3A : i32
    %add3A = arith.addi %mul3A_0, %arg1 : i32
    %mul3A_1 = arith.constant 10000 : i32
    %mul3A_2 = arith.muli %add3A, %mul3A_1 : i32
    %broadcast_in_dim3A = arith.constant 0 : i32
    %broadcast_in_dim3A_3 = vector.broadcast %broadcast_in_dim3A : i32 to vector<16xi32>
    %broadcast_in_dim3A_4 = arith.constant 0 : i32
    %broadcast_in_dim3A_5 = vector.broadcast %broadcast_in_dim3A_4 : i32 to vector<16xi32>
    %broadcast_in_dim3A_6 = arith.constant 1 : i32
    %broadcast_in_dim3A_7 = vector.broadcast %broadcast_in_dim3A_6 : i32 to vector<16xi32>
    %broadcast_in_dim3A_8 = arith.constant 1 : i32
    %broadcast_in_dim3A_9 = vector.broadcast %broadcast_in_dim3A_8 : i32 to vector<16xi32>
    %broadcast_in_dim3A_10 = arith.constant 2 : i32
    %broadcast_in_dim3A_11 = vector.broadcast %broadcast_in_dim3A_10 : i32 to vector<16xi32>
    %broadcast_in_dim3A_12 = arith.constant 2 : i32
    %broadcast_in_dim3A_13 = vector.broadcast %broadcast_in_dim3A_12 : i32 to vector<16xi32>
    %broadcast_in_dim3A_14 = arith.constant 3 : i32
    %broadcast_in_dim3A_15 = vector.broadcast %broadcast_in_dim3A_14 : i32 to vector<16xi32>
    %broadcast_in_dim3A_16 = arith.constant 3 : i32
    %broadcast_in_dim3A_17 = vector.broadcast %broadcast_in_dim3A_16 : i32 to vector<16xi32>
    %broadcast_in_dim3A_18 = arith.constant 4 : i32
    %broadcast_in_dim3A_19 = vector.broadcast %broadcast_in_dim3A_18 : i32 to vector<16xi32>
    %broadcast_in_dim3A_20 = arith.constant 4 : i32
    %broadcast_in_dim3A_21 = vector.broadcast %broadcast_in_dim3A_20 : i32 to vector<16xi32>
    %broadcast_in_dim3A_22 = arith.constant 5 : i32
    %broadcast_in_dim3A_23 = vector.broadcast %broadcast_in_dim3A_22 : i32 to vector<16xi32>
    %broadcast_in_dim3A_24 = arith.constant 5 : i32
    %broadcast_in_dim3A_25 = vector.broadcast %broadcast_in_dim3A_24 : i32 to vector<16xi32>
    %broadcast_in_dim3A_26 = arith.constant 6 : i32
    %broadcast_in_dim3A_27 = vector.broadcast %broadcast_in_dim3A_26 : i32 to vector<16xi32>
    %broadcast_in_dim3A_28 = arith.constant 6 : i32
    %broadcast_in_dim3A_29 = vector.broadcast %broadcast_in_dim3A_28 : i32 to vector<16xi32>
    %broadcast_in_dim3A_30 = arith.constant 7 : i32
    %broadcast_in_dim3A_31 = vector.broadcast %broadcast_in_dim3A_30 : i32 to vector<16xi32>
    %broadcast_in_dim3A_32 = arith.constant 7 : i32
    %broadcast_in_dim3A_33 = vector.broadcast %broadcast_in_dim3A_32 : i32 to vector<16xi32>
    %scan3A = arith.constant 0 : i32
    %scan3A_34 = arith.constant 0 : i32
    %scan3A_35 = arith.constant 40 : i32
    %scan3A_36 = arith.addi %scan3A_34, %scan3A_35 : i32
    %scan3A_37 = arith.constant 1 : i32
    scf.for %scan3A_45 = %scan3A_34 to %scan3A_36 step %scan3A_37  : i32 {
      %broadcast_in_dim3A_46 = arith.constant 0.000000e+00 : f32
      %broadcast_in_dim3A_47 = vector.broadcast %broadcast_in_dim3A_46 : f32 to vector<16xf32>
      %swap3A = arith.index_cast %scan3A_45 : i32 to index
      %swap3A_48 = arith.constant 272 : index
      %swap3A_49 = tpu.vector_load %arg13[%swap3A, %swap3A_48] {strides = array<i32>} : memref<40x384xf32, #tpu.memory_space<vmem>>, vector<1x16xf32>,
      %swap3A_50 = vector.shape_cast %swap3A_49 : vector<1x16xf32> to vector<16xf32>
      %swap3A_51 = vector.shape_cast %broadcast_in_dim3A_47 : vector<16xf32> to vector<1x16xf32>
      tpu.vector_store %arg13[%swap3A, %swap3A_48], %swap3A_51 {strides = array<i32>} : memref<40x384xf32, #tpu.memory_space<vmem>>, vector<1x16xf32>,
      %broadcast_in_dim3A_52 = arith.constant 0.000000e+00 : f32
      %broadcast_in_dim3A_53 = vector.broadcast %broadcast_in_dim3A_52 : f32 to vector<16xf32>
      %swap3A_54 = arith.index_cast %scan3A_45 : i32 to index
      %swap3A_55 = arith.constant 288 : index
      %swap3A_56 = tpu.vector_load %arg13[%swap3A_54, %swap3A_55] {strides = array<i32>} : memref<40x384xf32, #tpu.memory_space<vmem>>, vector<1x16xf32>,
      %swap3A_57 = vector.shape_cast %swap3A_56 : vector<1x16xf32> to vector<16xf32>
      %swap3A_58 = vector.shape_cast %broadcast_in_dim3A_53 : vector<16xf32> to vector<1x16xf32>
      tpu.vector_store %arg13[%swap3A_54, %swap3A_55], %swap3A_58 {strides = array<i32>} : memref<40x384xf32, #tpu.memory_space<vmem>>, vector<1x16xf32>,
      %broadcast_in_dim3A_59 = arith.constant 0.000000e+00 : f32
      %broadcast_in_dim3A_60 = vector.broadcast %broadcast_in_dim3A_59 : f32 to vector<16xf32>
      %swap3A_61 = arith.index_cast %scan3A_45 : i32 to index
      %swap3A_62 = arith.constant 304 : index
      %swap3A_63 = tpu.vector_load %arg13[%swap3A_61, %swap3A_62] {strides = array<i32>} : memref<40x384xf32, #tpu.memory_space<vmem>>, vector<1x16xf32>,
      %swap3A_64 = vector.shape_cast %swap3A_63 : vector<1x16xf32> to vector<16xf32>
      %swap3A_65 = vector.shape_cast %broadcast_in_dim3A_60 : vector<16xf32> to vector<1x16xf32>
      tpu.vector_store %arg13[%swap3A_61, %swap3A_62], %swap3A_65 {strides = array<i32>} : memref<40x384xf32, #tpu.memory_space<vmem>>, vector<1x16xf32>,
      %broadcast_in_dim3A_66 = arith.constant 0.000000e+00 : f32
      %broadcast_in_dim3A_67 = vector.broadcast %broadcast_in_dim3A_66 : f32 to vector<16xf32>
      %swap3A_68 = arith.index_cast %scan3A_45 : i32 to index
      %swap3A_69 = arith.constant 320 : index
      %swap3A_70 = tpu.vector_load %arg13[%swap3A_68, %swap3A_69] {strides = array<i32>} : memref<40x384xf32, #tpu.memory_space<vmem>>, vector<1x16xf32>,
      %swap3A_71 = vector.shape_cast %swap3A_70 : vector<1x16xf32> to vector<16xf32>
      %swap3A_72 = vector.shape_cast %broadcast_in_dim3A_67 : vector<16xf32> to vector<1x16xf32>
      tpu.vector_store %arg13[%swap3A_68, %swap3A_69], %swap3A_72 {strides = array<i32>} : memref<40x384xf32, #tpu.memory_space<vmem>>, vector<1x16xf32>,
      %broadcast_in_dim3A_73 = arith.constant 0.000000e+00 : f32
      %broadcast_in_dim3A_74 = vector.broadcast %broadcast_in_dim3A_73 : f32 to vector<16xf32>
      %swap3A_75 = arith.index_cast %scan3A_45 : i32 to index
      %swap3A_76 = arith.constant 336 : index
      %swap3A_77 = tpu.vector_load %arg13[%swap3A_75, %swap3A_76] {strides = array<i32>} : memref<40x384xf32, #tpu.memory_space<vmem>>, vector<1x16xf32>,
      %swap3A_78 = vector.shape_cast %swap3A_77 : vector<1x16xf32> to vector<16xf32>
      %swap3A_79 = vector.shape_cast %broadcast_in_dim3A_74 : vector<16xf32> to vector<1x16xf32>
      tpu.vector_store %arg13[%swap3A_75, %swap3A_76], %swap3A_79 {strides = array<i32>} : memref<40x384xf32, #tpu.memory_space<vmem>>, vector<1x16xf32>,
      %broadcast_in_dim3A_80 = arith.constant 0.000000e+00 : f32
      %broadcast_in_dim3A_81 = vector.broadcast %broadcast_in_dim3A_80 : f32 to vector<16xf32>
      %swap3A_82 = arith.index_cast %scan3A_45 : i32 to index
      %swap3A_83 = arith.constant 352 : index
      %swap3A_84 = tpu.vector_load %arg13[%swap3A_82, %swap3A_83] {strides = array<i32>} : memref<40x384xf32, #tpu.memory_space<vmem>>, vector<1x16xf32>,
      %swap3A_85 = vector.shape_cast %swap3A_84 : vector<1x16xf32> to vector<16xf32>
      %swap3A_86 = vector.shape_cast %broadcast_in_dim3A_81 : vector<16xf32> to vector<1x16xf32>
      tpu.vector_store %arg13[%swap3A_82, %swap3A_83], %swap3A_86 {strides = array<i32>} : memref<40x384xf32, #tpu.memory_space<vmem>>, vector<1x16xf32>,
      %broadcast_in_dim3A_87 = arith.constant 0.000000e+00 : f32
      %broadcast_in_dim3A_88 = vector.broadcast %broadcast_in_dim3A_87 : f32 to vector<16xf32>
      %swap3A_89 = arith.index_cast %scan3A_45 : i32 to index
      %swap3A_90 = arith.constant 368 : index
      %swap3A_91 = tpu.vector_load %arg13[%swap3A_89, %swap3A_90] {strides = array<i32>} : memref<40x384xf32, #tpu.memory_space<vmem>>, vector<1x16xf32>,
      %swap3A_92 = vector.shape_cast %swap3A_91 : vector<1x16xf32> to vector<16xf32>
      %swap3A_93 = vector.shape_cast %broadcast_in_dim3A_88 : vector<16xf32> to vector<1x16xf32>
      tpu.vector_store %arg13[%swap3A_89, %swap3A_90], %swap3A_93 {strides = array<i32>} : memref<40x384xf32, #tpu.memory_space<vmem>>, vector<1x16xf32>,
    }
    %scan3A_38 = arith.constant 40 : i32
    %scan3A_39 = arith.constant 0 : i32
    %scan3A_40 = arith.constant 0 : i32
    %scan3A_41 = arith.constant 250 : i32
    %scan3A_42 = arith.addi %scan3A_40, %scan3A_41 : i32
    %scan3A_43 = arith.constant 1 : i32
    scf.for %scan3A_45 = %scan3A_40 to %scan3A_42 step %scan3A_43  : i32 {
      %mul3A_46 = arith.constant 40 : i32
      %mul3A_47 = arith.muli %scan3A_45, %mul3A_46 : i32
      %add3A_48 = arith.addi %mul3A_2, %mul3A_47 : i32
      "tpu.region"() ({
        %run_scoped3A = tpu.sem_alloc : memref<!tpu.dma_semaphore, #tpu.memory_space<semaphore_mem>>
        %dma_start3A_71 = tpu.memref_slice %arg2[%add3A_48] : memref<320000xi32, #tpu.memory_space<hbm>> -> memref<40xi32, #tpu.memory_space<hbm>>
        %dma_start3A_72 = tpu.memref_slice %arg2[%add3A_48] : memref<320000xi32, #tpu.memory_space<hbm>> -> memref<40xi32, #tpu.memory_space<hbm>>
        tpu.enqueue_dma source(%dma_start3A_72 : memref<40xi32, #tpu.memory_space<hbm>>) target(%arg8 : memref<40xi32, #tpu.memory_space<vmem>>) target_semaphore(%run_scoped3A : memref<!tpu.dma_semaphore, #tpu.memory_space<semaphore_mem>>)
        %dma_wait3A_73 = tpu.memref_slice %arg2[%add3A_48] : memref<320000xi32, #tpu.memory_space<hbm>> -> memref<40xi32, #tpu.memory_space<hbm>>
        %dma_wait3A_74 = tpu.memref_slice %arg2[%add3A_48] : memref<320000xi32, #tpu.memory_space<hbm>> -> memref<40xi32, #tpu.memory_space<hbm>>
        tpu.wait_dma2 semaphore(%run_scoped3A : memref<!tpu.dma_semaphore, #tpu.memory_space<semaphore_mem>>) src(%dma_wait3A_74 : memref<40xi32, #tpu.memory_space<hbm>>) dst(%arg8 : memref<40xi32, #tpu.memory_space<vmem>>)
        tpu.yield
      }) : () -> ()
      "tpu.region"() ({
        %run_scoped3A = tpu.sem_alloc : memref<!tpu.dma_semaphore, #tpu.memory_space<semaphore_mem>>
        %dma_start3A_71 = tpu.memref_slice %arg3[%add3A_48] : memref<320000xi32, #tpu.memory_space<hbm>> -> memref<40xi32, #tpu.memory_space<hbm>>
        %dma_start3A_72 = tpu.memref_slice %arg3[%add3A_48] : memref<320000xi32, #tpu.memory_space<hbm>> -> memref<40xi32, #tpu.memory_space<hbm>>
        tpu.enqueue_dma source(%dma_start3A_72 : memref<40xi32, #tpu.memory_space<hbm>>) target(%arg9 : memref<40xi32, #tpu.memory_space<vmem>>) target_semaphore(%run_scoped3A : memref<!tpu.dma_semaphore, #tpu.memory_space<semaphore_mem>>)
        %dma_wait3A_73 = tpu.memref_slice %arg3[%add3A_48] : memref<320000xi32, #tpu.memory_space<hbm>> -> memref<40xi32, #tpu.memory_space<hbm>>
        %dma_wait3A_74 = tpu.memref_slice %arg3[%add3A_48] : memref<320000xi32, #tpu.memory_space<hbm>> -> memref<40xi32, #tpu.memory_space<hbm>>
        tpu.wait_dma2 semaphore(%run_scoped3A : memref<!tpu.dma_semaphore, #tpu.memory_space<semaphore_mem>>) src(%dma_wait3A_74 : memref<40xi32, #tpu.memory_space<hbm>>) dst(%arg9 : memref<40xi32, #tpu.memory_space<vmem>>)
        tpu.yield
      }) : () -> ()
      %dma_start3A = arith.constant 0 : i32
      %dma_start3A_49 = arith.constant 0 : i32
      %dma_start3A_50 = tpu.memref_slice %arg4[%dma_start3A, %dma_start3A_49] : memref<10240x128xf32, #tpu.memory_space<hbm>> -> memref<10240x128xf32, #tpu.memory_space<hbm>>
      tpu.enqueue_indirect_dma source(%dma_start3A_50 : memref<10240x128xf32, #tpu.memory_space<hbm>>) target(%arg10 : memref<40x128xf32, #tpu.memory_space<vmem>>) offsets(%arg8 : memref<40xi32, #tpu.memory_space<vmem>>) semaphore(%arg14 : memref<!tpu.dma_semaphore, #tpu.memory_space<semaphore_mem>>)
      %dma_wait3A = arith.constant 0 : i32
      %dma_wait3A_51 = arith.constant 0 : i32
      %dma_wait3A_52 = tpu.memref_slice %arg4[%dma_wait3A, %dma_wait3A_51] : memref<10240x128xf32, #tpu.memory_space<hbm>> -> memref<10240x128xf32, #tpu.memory_space<hbm>>
      tpu.wait_indirect_dma semaphore(%arg14 : memref<!tpu.dma_semaphore, #tpu.memory_space<semaphore_mem>>) src(%dma_wait3A_52 : memref<10240x128xf32, #tpu.memory_space<hbm>>) dst(%arg10 : memref<40x128xf32, #tpu.memory_space<vmem>>)
      %dma_start3A_53 = arith.constant 0 : i32
      %dma_start3A_54 = arith.constant 0 : i32
      %dma_start3A_55 = tpu.memref_slice %arg5[%dma_start3A_53, %dma_start3A_54] : memref<10240x128xf32, #tpu.memory_space<hbm>> -> memref<10240x128xf32, #tpu.memory_space<hbm>>
      tpu.enqueue_indirect_dma source(%dma_start3A_55 : memref<10240x128xf32, #tpu.memory_space<hbm>>) target(%arg11 : memref<40x128xf32, #tpu.memory_space<vmem>>) offsets(%arg9 : memref<40xi32, #tpu.memory_space<vmem>>) semaphore(%arg14 : memref<!tpu.dma_semaphore, #tpu.memory_space<semaphore_mem>>)
      %dma_wait3A_56 = arith.constant 0 : i32
      %dma_wait3A_57 = arith.constant 0 : i32
      %dma_wait3A_58 = tpu.memref_slice %arg5[%dma_wait3A_56, %dma_wait3A_57] : memref<10240x128xf32, #tpu.memory_space<hbm>> -> memref<10240x128xf32, #tpu.memory_space<hbm>>
      tpu.wait_indirect_dma semaphore(%arg14 : memref<!tpu.dma_semaphore, #tpu.memory_space<semaphore_mem>>) src(%dma_wait3A_58 : memref<10240x128xf32, #tpu.memory_space<hbm>>) dst(%arg11 : memref<40x128xf32, #tpu.memory_space<vmem>>)
      %dma_start3A_59 = arith.constant 0 : i32
      %dma_start3A_60 = arith.constant 0 : i32
      %dma_start3A_61 = tpu.memref_slice %arg6[%dma_start3A_59, %dma_start3A_60] : memref<10000x256xf32, #tpu.memory_space<hbm>> -> memref<10000x256xf32, #tpu.memory_space<hbm>>
      tpu.enqueue_indirect_dma source(%dma_start3A_61 : memref<10000x256xf32, #tpu.memory_space<hbm>>) target(%arg12 : memref<40x256xf32, #tpu.memory_space<vmem>>) offsets(%arg8 : memref<40xi32, #tpu.memory_space<vmem>>) semaphore(%arg14 : memref<!tpu.dma_semaphore, #tpu.memory_space<semaphore_mem>>)
      %dma_wait3A_62 = arith.constant 0 : i32
      %dma_wait3A_63 = arith.constant 0 : i32
      %dma_wait3A_64 = tpu.memref_slice %arg6[%dma_wait3A_62, %dma_wait3A_63] : memref<10000x256xf32, #tpu.memory_space<hbm>> -> memref<10000x256xf32, #tpu.memory_space<hbm>>
      tpu.wait_indirect_dma semaphore(%arg14 : memref<!tpu.dma_semaphore, #tpu.memory_space<semaphore_mem>>) src(%dma_wait3A_64 : memref<10000x256xf32, #tpu.memory_space<hbm>>) dst(%arg12 : memref<40x256xf32, #tpu.memory_space<vmem>>)
      %scan3A_65 = arith.constant 0 : i32
      %scan3A_66 = arith.constant 0 : i32
      %scan3A_67 = arith.constant 40 : i32
      %scan3A_68 = arith.addi %scan3A_66, %scan3A_67 : i32
      %scan3A_69 = arith.constant 1 : i32
      scf.for %scan3A_71 = %scan3A_66 to %scan3A_68 step %scan3A_69  : i32 {
        %get3A = arith.index_cast %scan3A_71 : i32 to index
        %get3A_72 = arith.constant 0 : index
        %get3A_73 = tpu.vector_load %arg10[%get3A, %get3A_72] {strides = array<i32>} : memref<40x128xf32, #tpu.memory_space<vmem>>, vector<1x16xf32>,
        %get3A_74 = vector.shape_cast %get3A_73 : vector<1x16xf32> to vector<16xf32>
        %get3A_75 = arith.index_cast %scan3A_71 : i32 to index
        %get3A_76 = arith.constant 0 : index
        %get3A_77 = tpu.vector_load %arg11[%get3A_75, %get3A_76] {strides = array<i32>} : memref<40x128xf32, #tpu.memory_space<vmem>>, vector<1x16xf32>,
        %get3A_78 = vector.shape_cast %get3A_77 : vector<1x16xf32> to vector<16xf32>
        %add3A_79 = arith.addf %get3A_74, %get3A_78 : vector<16xf32>
        %ge3A = arith.constant 0.000000e+00 : f32
        %ge3A_80 = vector.broadcast %ge3A : f32 to vector<16xf32>
        %ge3A_81 = arith.cmpf oge, %add3A_79, %ge3A_80 : vector<16xf32>
        %mul3A_82 = arith.constant 2.000000e-01 : f32
        %mul3A_83 = vector.broadcast %mul3A_82 : f32 to vector<16xf32>
        %mul3A_84 = arith.mulf %mul3A_83, %add3A_79 : vector<16xf32>
        %select_n3A = arith.select %ge3A_81, %add3A_79, %mul3A_84 : vector<16xi1>, vector<16xf32>
        %exp3A = math.exp %select_n3A : vector<16xf32>
        %lt3A = arith.constant 0 : i32
        %lt3A_85 = vector.broadcast %lt3A : i32 to vector<16xi32>
        %lt3A_86 = arith.cmpi slt, %broadcast_in_dim3A_3, %lt3A_85 : vector<16xi32>
        %add3A_87 = arith.constant 16 : i32
        %add3A_88 = vector.broadcast %add3A_87 : i32 to vector<16xi32>
        %add3A_89 = arith.addi %broadcast_in_dim3A_3, %add3A_88 : vector<16xi32>
        %select_n3A_90 = arith.select %lt3A_86, %add3A_89, %broadcast_in_dim3A_3 : vector<16xi1>, vector<16xi32>
        %broadcast_in_dim3A_91 = vector.shape_cast %select_n3A_90 : vector<16xi32> to vector<16x1xi32>
        %gather3A = vector.shape_cast %broadcast_in_dim3A_91 : vector<16x1xi32> to vector<16xi32>
        %gather3A_92 = tpu.dynamic_gather %exp3A[%gather3A] in [0] : vector<16xf32>, vector<16xi32> -> vector<16xf32>
        %get3A_93 = arith.index_cast %scan3A_71 : i32 to index
        %get3A_94 = arith.constant 0 : index
        %get3A_95 = tpu.vector_load %arg12[%get3A_93, %get3A_94] {strides = array<i32>} : memref<40x256xf32, #tpu.memory_space<vmem>>, vector<1x16xf32>,
        %get3A_96 = vector.shape_cast %get3A_95 : vector<1x16xf32> to vector<16xf32>
        %mul3A_97 = arith.mulf %get3A_96, %gather3A_92 : vector<16xf32>
        %swap3A = arith.index_cast %scan3A_71 : i32 to index
        %swap3A_98 = arith.constant 0 : index
        %swap3A_99 = tpu.vector_load %arg13[%swap3A, %swap3A_98] {strides = array<i32>} : memref<40x384xf32, #tpu.memory_space<vmem>>, vector<1x16xf32>,
        %swap3A_100 = vector.shape_cast %swap3A_99 : vector<1x16xf32> to vector<16xf32>
        %swap3A_101 = vector.shape_cast %mul3A_97 : vector<16xf32> to vector<1x16xf32>
        tpu.vector_store %arg13[%swap3A, %swap3A_98], %swap3A_101 {strides = array<i32>} : memref<40x384xf32, #tpu.memory_space<vmem>>, vector<1x16xf32>,
        %lt3A_102 = arith.constant 0 : i32
        %lt3A_103 = vector.broadcast %lt3A_102 : i32 to vector<16xi32>
        %lt3A_104 = arith.cmpi slt, %broadcast_in_dim3A_5, %lt3A_103 : vector<16xi32>
        %add3A_105 = arith.constant 16 : i32
        %add3A_106 = vector.broadcast %add3A_105 : i32 to vector<16xi32>
        %add3A_107 = arith.addi %broadcast_in_dim3A_5, %add3A_106 : vector<16xi32>
        %select_n3A_108 = arith.select %lt3A_104, %add3A_107, %broadcast_in_dim3A_5 : vector<16xi1>, vector<16xi32>
        %broadcast_in_dim3A_109 = vector.shape_cast %select_n3A_108 : vector<16xi32> to vector<16x1xi32>
        %gather3A_110 = vector.shape_cast %broadcast_in_dim3A_109 : vector<16x1xi32> to vector<16xi32>
        %gather3A_111 = tpu.dynamic_gather %exp3A[%gather3A_110] in [0] : vector<16xf32>, vector<16xi32> -> vector<16xf32>
        %get3A_112 = arith.index_cast %scan3A_71 : i32 to index
        %get3A_113 = arith.constant 16 : index
        %get3A_114 = tpu.vector_load %arg12[%get3A_112, %get3A_113] {strides = array<i32>} : memref<40x256xf32, #tpu.memory_space<vmem>>, vector<1x16xf32>,
        %get3A_115 = vector.shape_cast %get3A_114 : vector<1x16xf32> to vector<16xf32>
        %mul3A_116 = arith.mulf %get3A_115, %gather3A_111 : vector<16xf32>
        %swap3A_117 = arith.index_cast %scan3A_71 : i32 to index
        %swap3A_118 = arith.constant 16 : index
        %swap3A_119 = tpu.vector_load %arg13[%swap3A_117, %swap3A_118] {strides = array<i32>} : memref<40x384xf32, #tpu.memory_space<vmem>>, vector<1x16xf32>,
        %swap3A_120 = vector.shape_cast %swap3A_119 : vector<1x16xf32> to vector<16xf32>
        %swap3A_121 = vector.shape_cast %mul3A_116 : vector<16xf32> to vector<1x16xf32>
        tpu.vector_store %arg13[%swap3A_117, %swap3A_118], %swap3A_121 {strides = array<i32>} : memref<40x384xf32, #tpu.memory_space<vmem>>, vector<1x16xf32>,
        %lt3A_122 = arith.constant 0 : i32
        %lt3A_123 = vector.broadcast %lt3A_122 : i32 to vector<16xi32>
        %lt3A_124 = arith.cmpi slt, %broadcast_in_dim3A_7, %lt3A_123 : vector<16xi32>
        %add3A_125 = arith.constant 16 : i32
        %add3A_126 = vector.broadcast %add3A_125 : i32 to vector<16xi32>
        %add3A_127 = arith.addi %broadcast_in_dim3A_7, %add3A_126 : vector<16xi32>
        %select_n3A_128 = arith.select %lt3A_124, %add3A_127, %broadcast_in_dim3A_7 : vector<16xi1>, vector<16xi32>
        %broadcast_in_dim3A_129 = vector.shape_cast %select_n3A_128 : vector<16xi32> to vector<16x1xi32>
        %gather3A_130 = vector.shape_cast %broadcast_in_dim3A_129 : vector<16x1xi32> to vector<16xi32>
        %gather3A_131 = tpu.dynamic_gather %exp3A[%gather3A_130] in [0] : vector<16xf32>, vector<16xi32> -> vector<16xf32>
        %get3A_132 = arith.index_cast %scan3A_71 : i32 to index
        %get3A_133 = arith.constant 32 : index
        %get3A_134 = tpu.vector_load %arg12[%get3A_132, %get3A_133] {strides = array<i32>} : memref<40x256xf32, #tpu.memory_space<vmem>>, vector<1x16xf32>,
        %get3A_135 = vector.shape_cast %get3A_134 : vector<1x16xf32> to vector<16xf32>
        %mul3A_136 = arith.mulf %get3A_135, %gather3A_131 : vector<16xf32>
        %swap3A_137 = arith.index_cast %scan3A_71 : i32 to index
        %swap3A_138 = arith.constant 32 : index
        %swap3A_139 = tpu.vector_load %arg13[%swap3A_137, %swap3A_138] {strides = array<i32>} : memref<40x384xf32, #tpu.memory_space<vmem>>, vector<1x16xf32>,
        %swap3A_140 = vector.shape_cast %swap3A_139 : vector<1x16xf32> to vector<16xf32>
        %swap3A_141 = vector.shape_cast %mul3A_136 : vector<16xf32> to vector<1x16xf32>
        tpu.vector_store %arg13[%swap3A_137, %swap3A_138], %swap3A_141 {strides = array<i32>} : memref<40x384xf32, #tpu.memory_space<vmem>>, vector<1x16xf32>,
        %lt3A_142 = arith.constant 0 : i32
        %lt3A_143 = vector.broadcast %lt3A_142 : i32 to vector<16xi32>
        %lt3A_144 = arith.cmpi slt, %broadcast_in_dim3A_9, %lt3A_143 : vector<16xi32>
        %add3A_145 = arith.constant 16 : i32
        %add3A_146 = vector.broadcast %add3A_145 : i32 to vector<16xi32>
        %add3A_147 = arith.addi %broadcast_in_dim3A_9, %add3A_146 : vector<16xi32>
        %select_n3A_148 = arith.select %lt3A_144, %add3A_147, %broadcast_in_dim3A_9 : vector<16xi1>, vector<16xi32>
        %broadcast_in_dim3A_149 = vector.shape_cast %select_n3A_148 : vector<16xi32> to vector<16x1xi32>
        %gather3A_150 = vector.shape_cast %broadcast_in_dim3A_149 : vector<16x1xi32> to vector<16xi32>
        %gather3A_151 = tpu.dynamic_gather %exp3A[%gather3A_150] in [0] : vector<16xf32>, vector<16xi32> -> vector<16xf32>
        %get3A_152 = arith.index_cast %scan3A_71 : i32 to index
        %get3A_153 = arith.constant 48 : index
        %get3A_154 = tpu.vector_load %arg12[%get3A_152, %get3A_153] {strides = array<i32>} : memref<40x256xf32, #tpu.memory_space<vmem>>, vector<1x16xf32>,
        %get3A_155 = vector.shape_cast %get3A_154 : vector<1x16xf32> to vector<16xf32>
        %mul3A_156 = arith.mulf %get3A_155, %gather3A_151 : vector<16xf32>
        %swap3A_157 = arith.index_cast %scan3A_71 : i32 to index
        %swap3A_158 = arith.constant 48 : index
        %swap3A_159 = tpu.vector_load %arg13[%swap3A_157, %swap3A_158] {strides = array<i32>} : memref<40x384xf32, #tpu.memory_space<vmem>>, vector<1x16xf32>,
        %swap3A_160 = vector.shape_cast %swap3A_159 : vector<1x16xf32> to vector<16xf32>
        %swap3A_161 = vector.shape_cast %mul3A_156 : vector<16xf32> to vector<1x16xf32>
        tpu.vector_store %arg13[%swap3A_157, %swap3A_158], %swap3A_161 {strides = array<i32>} : memref<40x384xf32, #tpu.memory_space<vmem>>, vector<1x16xf32>,
        %lt3A_162 = arith.constant 0 : i32
        %lt3A_163 = vector.broadcast %lt3A_162 : i32 to vector<16xi32>
        %lt3A_164 = arith.cmpi slt, %broadcast_in_dim3A_11, %lt3A_163 : vector<16xi32>
        %add3A_165 = arith.constant 16 : i32
        %add3A_166 = vector.broadcast %add3A_165 : i32 to vector<16xi32>
        %add3A_167 = arith.addi %broadcast_in_dim3A_11, %add3A_166 : vector<16xi32>
        %select_n3A_168 = arith.select %lt3A_164, %add3A_167, %broadcast_in_dim3A_11 : vector<16xi1>, vector<16xi32>
        %broadcast_in_dim3A_169 = vector.shape_cast %select_n3A_168 : vector<16xi32> to vector<16x1xi32>
        %gather3A_170 = vector.shape_cast %broadcast_in_dim3A_169 : vector<16x1xi32> to vector<16xi32>
        %gather3A_171 = tpu.dynamic_gather %exp3A[%gather3A_170] in [0] : vector<16xf32>, vector<16xi32> -> vector<16xf32>
        %get3A_172 = arith.index_cast %scan3A_71 : i32 to index
        %get3A_173 = arith.constant 64 : index
        %get3A_174 = tpu.vector_load %arg12[%get3A_172, %get3A_173] {strides = array<i32>} : memref<40x256xf32, #tpu.memory_space<vmem>>, vector<1x16xf32>,
        %get3A_175 = vector.shape_cast %get3A_174 : vector<1x16xf32> to vector<16xf32>
        %mul3A_176 = arith.mulf %get3A_175, %gather3A_171 : vector<16xf32>
        %swap3A_177 = arith.index_cast %scan3A_71 : i32 to index
        %swap3A_178 = arith.constant 64 : index
        %swap3A_179 = tpu.vector_load %arg13[%swap3A_177, %swap3A_178] {strides = array<i32>} : memref<40x384xf32, #tpu.memory_space<vmem>>, vector<1x16xf32>,
        %swap3A_180 = vector.shape_cast %swap3A_179 : vector<1x16xf32> to vector<16xf32>
        %swap3A_181 = vector.shape_cast %mul3A_176 : vector<16xf32> to vector<1x16xf32>
        tpu.vector_store %arg13[%swap3A_177, %swap3A_178], %swap3A_181 {strides = array<i32>} : memref<40x384xf32, #tpu.memory_space<vmem>>, vector<1x16xf32>,
        %lt3A_182 = arith.constant 0 : i32
        %lt3A_183 = vector.broadcast %lt3A_182 : i32 to vector<16xi32>
        %lt3A_184 = arith.cmpi slt, %broadcast_in_dim3A_13, %lt3A_183 : vector<16xi32>
        %add3A_185 = arith.constant 16 : i32
        %add3A_186 = vector.broadcast %add3A_185 : i32 to vector<16xi32>
        %add3A_187 = arith.addi %broadcast_in_dim3A_13, %add3A_186 : vector<16xi32>
        %select_n3A_188 = arith.select %lt3A_184, %add3A_187, %broadcast_in_dim3A_13 : vector<16xi1>, vector<16xi32>
        %broadcast_in_dim3A_189 = vector.shape_cast %select_n3A_188 : vector<16xi32> to vector<16x1xi32>
        %gather3A_190 = vector.shape_cast %broadcast_in_dim3A_189 : vector<16x1xi32> to vector<16xi32>
        %gather3A_191 = tpu.dynamic_gather %exp3A[%gather3A_190] in [0] : vector<16xf32>, vector<16xi32> -> vector<16xf32>
        %get3A_192 = arith.index_cast %scan3A_71 : i32 to index
        %get3A_193 = arith.constant 80 : index
        %get3A_194 = tpu.vector_load %arg12[%get3A_192, %get3A_193] {strides = array<i32>} : memref<40x256xf32, #tpu.memory_space<vmem>>, vector<1x16xf32>,
        %get3A_195 = vector.shape_cast %get3A_194 : vector<1x16xf32> to vector<16xf32>
        %mul3A_196 = arith.mulf %get3A_195, %gather3A_191 : vector<16xf32>
        %swap3A_197 = arith.index_cast %scan3A_71 : i32 to index
        %swap3A_198 = arith.constant 80 : index
        %swap3A_199 = tpu.vector_load %arg13[%swap3A_197, %swap3A_198] {strides = array<i32>} : memref<40x384xf32, #tpu.memory_space<vmem>>, vector<1x16xf32>,
        %swap3A_200 = vector.shape_cast %swap3A_199 : vector<1x16xf32> to vector<16xf32>
        %swap3A_201 = vector.shape_cast %mul3A_196 : vector<16xf32> to vector<1x16xf32>
        tpu.vector_store %arg13[%swap3A_197, %swap3A_198], %swap3A_201 {strides = array<i32>} : memref<40x384xf32, #tpu.memory_space<vmem>>, vector<1x16xf32>,
        %lt3A_202 = arith.constant 0 : i32
        %lt3A_203 = vector.broadcast %lt3A_202 : i32 to vector<16xi32>
        %lt3A_204 = arith.cmpi slt, %broadcast_in_dim3A_15, %lt3A_203 : vector<16xi32>
        %add3A_205 = arith.constant 16 : i32
        %add3A_206 = vector.broadcast %add3A_205 : i32 to vector<16xi32>
        %add3A_207 = arith.addi %broadcast_in_dim3A_15, %add3A_206 : vector<16xi32>
        %select_n3A_208 = arith.select %lt3A_204, %add3A_207, %broadcast_in_dim3A_15 : vector<16xi1>, vector<16xi32>
        %broadcast_in_dim3A_209 = vector.shape_cast %select_n3A_208 : vector<16xi32> to vector<16x1xi32>
        %gather3A_210 = vector.shape_cast %broadcast_in_dim3A_209 : vector<16x1xi32> to vector<16xi32>
        %gather3A_211 = tpu.dynamic_gather %exp3A[%gather3A_210] in [0] : vector<16xf32>, vector<16xi32> -> vector<16xf32>
        %get3A_212 = arith.index_cast %scan3A_71 : i32 to index
        %get3A_213 = arith.constant 96 : index
        %get3A_214 = tpu.vector_load %arg12[%get3A_212, %get3A_213] {strides = array<i32>} : memref<40x256xf32, #tpu.memory_space<vmem>>, vector<1x16xf32>,
        %get3A_215 = vector.shape_cast %get3A_214 : vector<1x16xf32> to vector<16xf32>
        %mul3A_216 = arith.mulf %get3A_215, %gather3A_211 : vector<16xf32>
        %swap3A_217 = arith.index_cast %scan3A_71 : i32 to index
        %swap3A_218 = arith.constant 96 : index
        %swap3A_219 = tpu.vector_load %arg13[%swap3A_217, %swap3A_218] {strides = array<i32>} : memref<40x384xf32, #tpu.memory_space<vmem>>, vector<1x16xf32>,
        %swap3A_220 = vector.shape_cast %swap3A_219 : vector<1x16xf32> to vector<16xf32>
        %swap3A_221 = vector.shape_cast %mul3A_216 : vector<16xf32> to vector<1x16xf32>
        tpu.vector_store %arg13[%swap3A_217, %swap3A_218], %swap3A_221 {strides = array<i32>} : memref<40x384xf32, #tpu.memory_space<vmem>>, vector<1x16xf32>,
        %lt3A_222 = arith.constant 0 : i32
        %lt3A_223 = vector.broadcast %lt3A_222 : i32 to vector<16xi32>
        %lt3A_224 = arith.cmpi slt, %broadcast_in_dim3A_17, %lt3A_223 : vector<16xi32>
        %add3A_225 = arith.constant 16 : i32
        %add3A_226 = vector.broadcast %add3A_225 : i32 to vector<16xi32>
        %add3A_227 = arith.addi %broadcast_in_dim3A_17, %add3A_226 : vector<16xi32>
        %select_n3A_228 = arith.select %lt3A_224, %add3A_227, %broadcast_in_dim3A_17 : vector<16xi1>, vector<16xi32>
        %broadcast_in_dim3A_229 = vector.shape_cast %select_n3A_228 : vector<16xi32> to vector<16x1xi32>
        %gather3A_230 = vector.shape_cast %broadcast_in_dim3A_229 : vector<16x1xi32> to vector<16xi32>
        %gather3A_231 = tpu.dynamic_gather %exp3A[%gather3A_230] in [0] : vector<16xf32>, vector<16xi32> -> vector<16xf32>
        %get3A_232 = arith.index_cast %scan3A_71 : i32 to index
        %get3A_233 = arith.constant 112 : index
        %get3A_234 = tpu.vector_load %arg12[%get3A_232, %get3A_233] {strides = array<i32>} : memref<40x256xf32, #tpu.memory_space<vmem>>, vector<1x16xf32>,
        %get3A_235 = vector.shape_cast %get3A_234 : vector<1x16xf32> to vector<16xf32>
        %mul3A_236 = arith.mulf %get3A_235, %gather3A_231 : vector<16xf32>
        %swap3A_237 = arith.index_cast %scan3A_71 : i32 to index
        %swap3A_238 = arith.constant 112 : index
        %swap3A_239 = tpu.vector_load %arg13[%swap3A_237, %swap3A_238] {strides = array<i32>} : memref<40x384xf32, #tpu.memory_space<vmem>>, vector<1x16xf32>,
        %swap3A_240 = vector.shape_cast %swap3A_239 : vector<1x16xf32> to vector<16xf32>
        %swap3A_241 = vector.shape_cast %mul3A_236 : vector<16xf32> to vector<1x16xf32>
        tpu.vector_store %arg13[%swap3A_237, %swap3A_238], %swap3A_241 {strides = array<i32>} : memref<40x384xf32, #tpu.memory_space<vmem>>, vector<1x16xf32>,
        %lt3A_242 = arith.constant 0 : i32
        %lt3A_243 = vector.broadcast %lt3A_242 : i32 to vector<16xi32>
        %lt3A_244 = arith.cmpi slt, %broadcast_in_dim3A_19, %lt3A_243 : vector<16xi32>
        %add3A_245 = arith.constant 16 : i32
        %add3A_246 = vector.broadcast %add3A_245 : i32 to vector<16xi32>
        %add3A_247 = arith.addi %broadcast_in_dim3A_19, %add3A_246 : vector<16xi32>
        %select_n3A_248 = arith.select %lt3A_244, %add3A_247, %broadcast_in_dim3A_19 : vector<16xi1>, vector<16xi32>
        %broadcast_in_dim3A_249 = vector.shape_cast %select_n3A_248 : vector<16xi32> to vector<16x1xi32>
        %gather3A_250 = vector.shape_cast %broadcast_in_dim3A_249 : vector<16x1xi32> to vector<16xi32>
        %gather3A_251 = tpu.dynamic_gather %exp3A[%gather3A_250] in [0] : vector<16xf32>, vector<16xi32> -> vector<16xf32>
        %get3A_252 = arith.index_cast %scan3A_71 : i32 to index
        %get3A_253 = arith.constant 128 : index
        %get3A_254 = tpu.vector_load %arg12[%get3A_252, %get3A_253] {strides = array<i32>} : memref<40x256xf32, #tpu.memory_space<vmem>>, vector<1x16xf32>,
        %get3A_255 = vector.shape_cast %get3A_254 : vector<1x16xf32> to vector<16xf32>
        %mul3A_256 = arith.mulf %get3A_255, %gather3A_251 : vector<16xf32>
        %swap3A_257 = arith.index_cast %scan3A_71 : i32 to index
        %swap3A_258 = arith.constant 128 : index
        %swap3A_259 = tpu.vector_load %arg13[%swap3A_257, %swap3A_258] {strides = array<i32>} : memref<40x384xf32, #tpu.memory_space<vmem>>, vector<1x16xf32>,
        %swap3A_260 = vector.shape_cast %swap3A_259 : vector<1x16xf32> to vector<16xf32>
        %swap3A_261 = vector.shape_cast %mul3A_256 : vector<16xf32> to vector<1x16xf32>
        tpu.vector_store %arg13[%swap3A_257, %swap3A_258], %swap3A_261 {strides = array<i32>} : memref<40x384xf32, #tpu.memory_space<vmem>>, vector<1x16xf32>,
        %lt3A_262 = arith.constant 0 : i32
        %lt3A_263 = vector.broadcast %lt3A_262 : i32 to vector<16xi32>
        %lt3A_264 = arith.cmpi slt, %broadcast_in_dim3A_21, %lt3A_263 : vector<16xi32>
        %add3A_265 = arith.constant 16 : i32
        %add3A_266 = vector.broadcast %add3A_265 : i32 to vector<16xi32>
        %add3A_267 = arith.addi %broadcast_in_dim3A_21, %add3A_266 : vector<16xi32>
        %select_n3A_268 = arith.select %lt3A_264, %add3A_267, %broadcast_in_dim3A_21 : vector<16xi1>, vector<16xi32>
        %broadcast_in_dim3A_269 = vector.shape_cast %select_n3A_268 : vector<16xi32> to vector<16x1xi32>
        %gather3A_270 = vector.shape_cast %broadcast_in_dim3A_269 : vector<16x1xi32> to vector<16xi32>
        %gather3A_271 = tpu.dynamic_gather %exp3A[%gather3A_270] in [0] : vector<16xf32>, vector<16xi32> -> vector<16xf32>
        %get3A_272 = arith.index_cast %scan3A_71 : i32 to index
        %get3A_273 = arith.constant 144 : index
        %get3A_274 = tpu.vector_load %arg12[%get3A_272, %get3A_273] {strides = array<i32>} : memref<40x256xf32, #tpu.memory_space<vmem>>, vector<1x16xf32>,
        %get3A_275 = vector.shape_cast %get3A_274 : vector<1x16xf32> to vector<16xf32>
        %mul3A_276 = arith.mulf %get3A_275, %gather3A_271 : vector<16xf32>
        %swap3A_277 = arith.index_cast %scan3A_71 : i32 to index
        %swap3A_278 = arith.constant 144 : index
        %swap3A_279 = tpu.vector_load %arg13[%swap3A_277, %swap3A_278] {strides = array<i32>} : memref<40x384xf32, #tpu.memory_space<vmem>>, vector<1x16xf32>,
        %swap3A_280 = vector.shape_cast %swap3A_279 : vector<1x16xf32> to vector<16xf32>
        %swap3A_281 = vector.shape_cast %mul3A_276 : vector<16xf32> to vector<1x16xf32>
        tpu.vector_store %arg13[%swap3A_277, %swap3A_278], %swap3A_281 {strides = array<i32>} : memref<40x384xf32, #tpu.memory_space<vmem>>, vector<1x16xf32>,
        %lt3A_282 = arith.constant 0 : i32
        %lt3A_283 = vector.broadcast %lt3A_282 : i32 to vector<16xi32>
        %lt3A_284 = arith.cmpi slt, %broadcast_in_dim3A_23, %lt3A_283 : vector<16xi32>
        %add3A_285 = arith.constant 16 : i32
        %add3A_286 = vector.broadcast %add3A_285 : i32 to vector<16xi32>
        %add3A_287 = arith.addi %broadcast_in_dim3A_23, %add3A_286 : vector<16xi32>
        %select_n3A_288 = arith.select %lt3A_284, %add3A_287, %broadcast_in_dim3A_23 : vector<16xi1>, vector<16xi32>
        %broadcast_in_dim3A_289 = vector.shape_cast %select_n3A_288 : vector<16xi32> to vector<16x1xi32>
        %gather3A_290 = vector.shape_cast %broadcast_in_dim3A_289 : vector<16x1xi32> to vector<16xi32>
        %gather3A_291 = tpu.dynamic_gather %exp3A[%gather3A_290] in [0] : vector<16xf32>, vector<16xi32> -> vector<16xf32>
        %get3A_292 = arith.index_cast %scan3A_71 : i32 to index
        %get3A_293 = arith.constant 160 : index
        %get3A_294 = tpu.vector_load %arg12[%get3A_292, %get3A_293] {strides = array<i32>} : memref<40x256xf32, #tpu.memory_space<vmem>>, vector<1x16xf32>,
        %get3A_295 = vector.shape_cast %get3A_294 : vector<1x16xf32> to vector<16xf32>
        %mul3A_296 = arith.mulf %get3A_295, %gather3A_291 : vector<16xf32>
        %swap3A_297 = arith.index_cast %scan3A_71 : i32 to index
        %swap3A_298 = arith.constant 160 : index
        %swap3A_299 = tpu.vector_load %arg13[%swap3A_297, %swap3A_298] {strides = array<i32>} : memref<40x384xf32, #tpu.memory_space<vmem>>, vector<1x16xf32>,
        %swap3A_300 = vector.shape_cast %swap3A_299 : vector<1x16xf32> to vector<16xf32>
        %swap3A_301 = vector.shape_cast %mul3A_296 : vector<16xf32> to vector<1x16xf32>
        tpu.vector_store %arg13[%swap3A_297, %swap3A_298], %swap3A_301 {strides = array<i32>} : memref<40x384xf32, #tpu.memory_space<vmem>>, vector<1x16xf32>,
        %lt3A_302 = arith.constant 0 : i32
        %lt3A_303 = vector.broadcast %lt3A_302 : i32 to vector<16xi32>
        %lt3A_304 = arith.cmpi slt, %broadcast_in_dim3A_25, %lt3A_303 : vector<16xi32>
        %add3A_305 = arith.constant 16 : i32
        %add3A_306 = vector.broadcast %add3A_305 : i32 to vector<16xi32>
        %add3A_307 = arith.addi %broadcast_in_dim3A_25, %add3A_306 : vector<16xi32>
        %select_n3A_308 = arith.select %lt3A_304, %add3A_307, %broadcast_in_dim3A_25 : vector<16xi1>, vector<16xi32>
        %broadcast_in_dim3A_309 = vector.shape_cast %select_n3A_308 : vector<16xi32> to vector<16x1xi32>
        %gather3A_310 = vector.shape_cast %broadcast_in_dim3A_309 : vector<16x1xi32> to vector<16xi32>
        %gather3A_311 = tpu.dynamic_gather %exp3A[%gather3A_310] in [0] : vector<16xf32>, vector<16xi32> -> vector<16xf32>
        %get3A_312 = arith.index_cast %scan3A_71 : i32 to index
        %get3A_313 = arith.constant 176 : index
        %get3A_314 = tpu.vector_load %arg12[%get3A_312, %get3A_313] {strides = array<i32>} : memref<40x256xf32, #tpu.memory_space<vmem>>, vector<1x16xf32>,
        %get3A_315 = vector.shape_cast %get3A_314 : vector<1x16xf32> to vector<16xf32>
        %mul3A_316 = arith.mulf %get3A_315, %gather3A_311 : vector<16xf32>
        %swap3A_317 = arith.index_cast %scan3A_71 : i32 to index
        %swap3A_318 = arith.constant 176 : index
        %swap3A_319 = tpu.vector_load %arg13[%swap3A_317, %swap3A_318] {strides = array<i32>} : memref<40x384xf32, #tpu.memory_space<vmem>>, vector<1x16xf32>,
        %swap3A_320 = vector.shape_cast %swap3A_319 : vector<1x16xf32> to vector<16xf32>
        %swap3A_321 = vector.shape_cast %mul3A_316 : vector<16xf32> to vector<1x16xf32>
        tpu.vector_store %arg13[%swap3A_317, %swap3A_318], %swap3A_321 {strides = array<i32>} : memref<40x384xf32, #tpu.memory_space<vmem>>, vector<1x16xf32>,
        %lt3A_322 = arith.constant 0 : i32
        %lt3A_323 = vector.broadcast %lt3A_322 : i32 to vector<16xi32>
        %lt3A_324 = arith.cmpi slt, %broadcast_in_dim3A_27, %lt3A_323 : vector<16xi32>
        %add3A_325 = arith.constant 16 : i32
        %add3A_326 = vector.broadcast %add3A_325 : i32 to vector<16xi32>
        %add3A_327 = arith.addi %broadcast_in_dim3A_27, %add3A_326 : vector<16xi32>
        %select_n3A_328 = arith.select %lt3A_324, %add3A_327, %broadcast_in_dim3A_27 : vector<16xi1>, vector<16xi32>
        %broadcast_in_dim3A_329 = vector.shape_cast %select_n3A_328 : vector<16xi32> to vector<16x1xi32>
        %gather3A_330 = vector.shape_cast %broadcast_in_dim3A_329 : vector<16x1xi32> to vector<16xi32>
        %gather3A_331 = tpu.dynamic_gather %exp3A[%gather3A_330] in [0] : vector<16xf32>, vector<16xi32> -> vector<16xf32>
        %get3A_332 = arith.index_cast %scan3A_71 : i32 to index
        %get3A_333 = arith.constant 192 : index
        %get3A_334 = tpu.vector_load %arg12[%get3A_332, %get3A_333] {strides = array<i32>} : memref<40x256xf32, #tpu.memory_space<vmem>>, vector<1x16xf32>,
        %get3A_335 = vector.shape_cast %get3A_334 : vector<1x16xf32> to vector<16xf32>
        %mul3A_336 = arith.mulf %get3A_335, %gather3A_331 : vector<16xf32>
        %swap3A_337 = arith.index_cast %scan3A_71 : i32 to index
        %swap3A_338 = arith.constant 192 : index
        %swap3A_339 = tpu.vector_load %arg13[%swap3A_337, %swap3A_338] {strides = array<i32>} : memref<40x384xf32, #tpu.memory_space<vmem>>, vector<1x16xf32>,
        %swap3A_340 = vector.shape_cast %swap3A_339 : vector<1x16xf32> to vector<16xf32>
        %swap3A_341 = vector.shape_cast %mul3A_336 : vector<16xf32> to vector<1x16xf32>
        tpu.vector_store %arg13[%swap3A_337, %swap3A_338], %swap3A_341 {strides = array<i32>} : memref<40x384xf32, #tpu.memory_space<vmem>>, vector<1x16xf32>,
        %lt3A_342 = arith.constant 0 : i32
        %lt3A_343 = vector.broadcast %lt3A_342 : i32 to vector<16xi32>
        %lt3A_344 = arith.cmpi slt, %broadcast_in_dim3A_29, %lt3A_343 : vector<16xi32>
        %add3A_345 = arith.constant 16 : i32
        %add3A_346 = vector.broadcast %add3A_345 : i32 to vector<16xi32>
        %add3A_347 = arith.addi %broadcast_in_dim3A_29, %add3A_346 : vector<16xi32>
        %select_n3A_348 = arith.select %lt3A_344, %add3A_347, %broadcast_in_dim3A_29 : vector<16xi1>, vector<16xi32>
        %broadcast_in_dim3A_349 = vector.shape_cast %select_n3A_348 : vector<16xi32> to vector<16x1xi32>
        %gather3A_350 = vector.shape_cast %broadcast_in_dim3A_349 : vector<16x1xi32> to vector<16xi32>
        %gather3A_351 = tpu.dynamic_gather %exp3A[%gather3A_350] in [0] : vector<16xf32>, vector<16xi32> -> vector<16xf32>
        %get3A_352 = arith.index_cast %scan3A_71 : i32 to index
        %get3A_353 = arith.constant 208 : index
        %get3A_354 = tpu.vector_load %arg12[%get3A_352, %get3A_353] {strides = array<i32>} : memref<40x256xf32, #tpu.memory_space<vmem>>, vector<1x16xf32>,
        %get3A_355 = vector.shape_cast %get3A_354 : vector<1x16xf32> to vector<16xf32>
        %mul3A_356 = arith.mulf %get3A_355, %gather3A_351 : vector<16xf32>
        %swap3A_357 = arith.index_cast %scan3A_71 : i32 to index
        %swap3A_358 = arith.constant 208 : index
        %swap3A_359 = tpu.vector_load %arg13[%swap3A_357, %swap3A_358] {strides = array<i32>} : memref<40x384xf32, #tpu.memory_space<vmem>>, vector<1x16xf32>,
        %swap3A_360 = vector.shape_cast %swap3A_359 : vector<1x16xf32> to vector<16xf32>
        %swap3A_361 = vector.shape_cast %mul3A_356 : vector<16xf32> to vector<1x16xf32>
        tpu.vector_store %arg13[%swap3A_357, %swap3A_358], %swap3A_361 {strides = array<i32>} : memref<40x384xf32, #tpu.memory_space<vmem>>, vector<1x16xf32>,
        %lt3A_362 = arith.constant 0 : i32
        %lt3A_363 = vector.broadcast %lt3A_362 : i32 to vector<16xi32>
        %lt3A_364 = arith.cmpi slt, %broadcast_in_dim3A_31, %lt3A_363 : vector<16xi32>
        %add3A_365 = arith.constant 16 : i32
        %add3A_366 = vector.broadcast %add3A_365 : i32 to vector<16xi32>
        %add3A_367 = arith.addi %broadcast_in_dim3A_31, %add3A_366 : vector<16xi32>
        %select_n3A_368 = arith.select %lt3A_364, %add3A_367, %broadcast_in_dim3A_31 : vector<16xi1>, vector<16xi32>
        %broadcast_in_dim3A_369 = vector.shape_cast %select_n3A_368 : vector<16xi32> to vector<16x1xi32>
        %gather3A_370 = vector.shape_cast %broadcast_in_dim3A_369 : vector<16x1xi32> to vector<16xi32>
        %gather3A_371 = tpu.dynamic_gather %exp3A[%gather3A_370] in [0] : vector<16xf32>, vector<16xi32> -> vector<16xf32>
        %get3A_372 = arith.index_cast %scan3A_71 : i32 to index
        %get3A_373 = arith.constant 224 : index
        %get3A_374 = tpu.vector_load %arg12[%get3A_372, %get3A_373] {strides = array<i32>} : memref<40x256xf32, #tpu.memory_space<vmem>>, vector<1x16xf32>,
        %get3A_375 = vector.shape_cast %get3A_374 : vector<1x16xf32> to vector<16xf32>
        %mul3A_376 = arith.mulf %get3A_375, %gather3A_371 : vector<16xf32>
        %swap3A_377 = arith.index_cast %scan3A_71 : i32 to index
        %swap3A_378 = arith.constant 224 : index
        %swap3A_379 = tpu.vector_load %arg13[%swap3A_377, %swap3A_378] {strides = array<i32>} : memref<40x384xf32, #tpu.memory_space<vmem>>, vector<1x16xf32>,
        %swap3A_380 = vector.shape_cast %swap3A_379 : vector<1x16xf32> to vector<16xf32>
        %swap3A_381 = vector.shape_cast %mul3A_376 : vector<16xf32> to vector<1x16xf32>
        tpu.vector_store %arg13[%swap3A_377, %swap3A_378], %swap3A_381 {strides = array<i32>} : memref<40x384xf32, #tpu.memory_space<vmem>>, vector<1x16xf32>,
        %lt3A_382 = arith.constant 0 : i32
        %lt3A_383 = vector.broadcast %lt3A_382 : i32 to vector<16xi32>
        %lt3A_384 = arith.cmpi slt, %broadcast_in_dim3A_33, %lt3A_383 : vector<16xi32>
        %add3A_385 = arith.constant 16 : i32
        %add3A_386 = vector.broadcast %add3A_385 : i32 to vector<16xi32>
        %add3A_387 = arith.addi %broadcast_in_dim3A_33, %add3A_386 : vector<16xi32>
        %select_n3A_388 = arith.select %lt3A_384, %add3A_387, %broadcast_in_dim3A_33 : vector<16xi1>, vector<16xi32>
        %broadcast_in_dim3A_389 = vector.shape_cast %select_n3A_388 : vector<16xi32> to vector<16x1xi32>
        %gather3A_390 = vector.shape_cast %broadcast_in_dim3A_389 : vector<16x1xi32> to vector<16xi32>
        %gather3A_391 = tpu.dynamic_gather %exp3A[%gather3A_390] in [0] : vector<16xf32>, vector<16xi32> -> vector<16xf32>
        %get3A_392 = arith.index_cast %scan3A_71 : i32 to index
        %get3A_393 = arith.constant 240 : index
        %get3A_394 = tpu.vector_load %arg12[%get3A_392, %get3A_393] {strides = array<i32>} : memref<40x256xf32, #tpu.memory_space<vmem>>, vector<1x16xf32>,
        %get3A_395 = vector.shape_cast %get3A_394 : vector<1x16xf32> to vector<16xf32>
        %mul3A_396 = arith.mulf %get3A_395, %gather3A_391 : vector<16xf32>
        %swap3A_397 = arith.index_cast %scan3A_71 : i32 to index
        %swap3A_398 = arith.constant 240 : index
        %swap3A_399 = tpu.vector_load %arg13[%swap3A_397, %swap3A_398] {strides = array<i32>} : memref<40x384xf32, #tpu.memory_space<vmem>>, vector<1x16xf32>,
        %swap3A_400 = vector.shape_cast %swap3A_399 : vector<1x16xf32> to vector<16xf32>
        %swap3A_401 = vector.shape_cast %mul3A_396 : vector<16xf32> to vector<1x16xf32>
        tpu.vector_store %arg13[%swap3A_397, %swap3A_398], %swap3A_401 {strides = array<i32>} : memref<40x384xf32, #tpu.memory_space<vmem>>, vector<1x16xf32>,
        %swap3A_402 = arith.index_cast %scan3A_71 : i32 to index
        %swap3A_403 = arith.constant 256 : index
        %swap3A_404 = tpu.vector_load %arg13[%swap3A_402, %swap3A_403] {strides = array<i32>} : memref<40x384xf32, #tpu.memory_space<vmem>>, vector<1x16xf32>,
        %swap3A_405 = vector.shape_cast %swap3A_404 : vector<1x16xf32> to vector<16xf32>
        %swap3A_406 = vector.shape_cast %exp3A : vector<16xf32> to vector<1x16xf32>
        tpu.vector_store %arg13[%swap3A_402, %swap3A_403], %swap3A_406 {strides = array<i32>} : memref<40x384xf32, #tpu.memory_space<vmem>>, vector<1x16xf32>,
      }
      %scan3A_70 = arith.constant 40 : i32
      "tpu.region"() ({
        %run_scoped3A = tpu.sem_alloc : memref<!tpu.dma_semaphore, #tpu.memory_space<semaphore_mem>>
        %dma_start3A_71 = arith.constant 0 : i32
        %dma_start3A_72 = tpu.memref_slice %arg7[%add3A_48, %dma_start3A_71] : memref<320000x384xf32, #tpu.memory_space<hbm>> -> memref<40x384xf32, #tpu.memory_space<hbm>>
        %dma_start3A_73 = arith.constant 0 : i32
        %dma_start3A_74 = tpu.memref_slice %arg7[%add3A_48, %dma_start3A_73] : memref<320000x384xf32, #tpu.memory_space<hbm>> -> memref<40x384xf32, #tpu.memory_space<hbm>>
        tpu.enqueue_dma source(%arg13 : memref<40x384xf32, #tpu.memory_space<vmem>>) target(%dma_start3A_74 : memref<40x384xf32, #tpu.memory_space<hbm>>) target_semaphore(%run_scoped3A : memref<!tpu.dma_semaphore, #tpu.memory_space<semaphore_mem>>)
        %dma_wait3A_75 = arith.constant 0 : i32
        %dma_wait3A_76 = tpu.memref_slice %arg7[%add3A_48, %dma_wait3A_75] : memref<320000x384xf32, #tpu.memory_space<hbm>> -> memref<40x384xf32, #tpu.memory_space<hbm>>
        %dma_wait3A_77 = arith.constant 0 : i32
        %dma_wait3A_78 = tpu.memref_slice %arg7[%add3A_48, %dma_wait3A_77] : memref<320000x384xf32, #tpu.memory_space<hbm>> -> memref<40x384xf32, #tpu.memory_space<hbm>>
        tpu.wait_dma2 semaphore(%run_scoped3A : memref<!tpu.dma_semaphore, #tpu.memory_space<semaphore_mem>>) src(%arg13 : memref<40x384xf32, #tpu.memory_space<vmem>>) dst(%dma_wait3A_78 : memref<40x384xf32, #tpu.memory_space<hbm>>)
        tpu.yield
      }) : () -> ()
    }
    %scan3A_44 = arith.constant 250 : i32
    return
  }
}

module attributes {stable_mosaic.version = 14 : i64} {
  func.func @_proj_body(%arg0: i32, %arg1: memref<1000x128xf32, #tpu.memory_space<vmem>>, %arg2: memref<128x256xf32, #tpu.memory_space<vmem>>, %arg3: memref<128x128xf32, #tpu.memory_space<vmem>>, %arg4: memref<128x128xf32, #tpu.memory_space<vmem>>, %arg5: memref<1000x256xf32, #tpu.memory_space<vmem>>, %arg6: memref<1000x128xf32, #tpu.memory_space<vmem>>, %arg7: memref<1000x128xf32, #tpu.memory_space<vmem>>) attributes {dimension_semantics = [#tpu.dimension_semantics<arbitrary>], iteration_bounds = array<i64: 10>, scalar_prefetch = 0 : i64, scratch_operands = 0 : i64, tpu.core_type = #tpu.core_type<tc>, window_params = [{transform_indices = @transform_0, window_bounds = array<i64: 1000, 128>}, {pipeline_mode = #tpu.pipeline_mode<synchronous>, transform_indices = @transform_1, window_bounds = array<i64: 128, 256>}, {pipeline_mode = #tpu.pipeline_mode<synchronous>, transform_indices = @transform_2, window_bounds = array<i64: 128, 128>}, {pipeline_mode = #tpu.pipeline_mode<synchronous>, transform_indices = @transform_3, window_bounds = array<i64: 128, 128>}, {transform_indices = @transform_4, window_bounds = array<i64: 1000, 256>}, {transform_indices = @transform_5, window_bounds = array<i64: 1000, 128>}, {transform_indices = @transform_6, window_bounds = array<i64: 1000, 128>}]} {
    %get3A = arith.constant 0 : index
    %get3A_0 = arith.constant 0 : index
    %get3A_1 = vector.load %arg1[%get3A, %get3A_0] : memref<1000x128xf32, #tpu.memory_space<vmem>>, vector<1000x128xf32>
    %get3A_2 = arith.constant 0 : index
    %get3A_3 = arith.constant 0 : index
    %get3A_4 = vector.load %arg2[%get3A_2, %get3A_3] : memref<128x256xf32, #tpu.memory_space<vmem>>, vector<128x256xf32>
    %dot_general3A = arith.constant dense<0.000000e+00> : vector<1000x256xf32>
    %dot_general3A_5 = tpu.matmul %get3A_1, %get3A_4, %dot_general3A {dimension_numbers = #tpu.dot_dimension_numbers<[1], [0], [0], [1], [0, 0, 1, 1], [], []>, precision = #tpu.contract_precision<fp32>, transpose_lhs_hint = false} : vector<1000x128xf32>, vector<128x256xf32>, vector<1000x256xf32> -> vector<1000x256xf32>
    %swap3A = arith.constant 0 : index
    %swap3A_6 = arith.constant 0 : index
    %swap3A_7 = vector.load %arg5[%swap3A, %swap3A_6] : memref<1000x256xf32, #tpu.memory_space<vmem>>, vector<1000x256xf32>
    tpu.vector_store %arg5[%swap3A, %swap3A_6], %dot_general3A_5 {strides = array<i32>} : memref<1000x256xf32, #tpu.memory_space<vmem>>, vector<1000x256xf32>,
    %get3A_8 = arith.constant 0 : index
    %get3A_9 = arith.constant 0 : index
    %get3A_10 = vector.load %arg1[%get3A_8, %get3A_9] : memref<1000x128xf32, #tpu.memory_space<vmem>>, vector<1000x128xf32>
    %get3A_11 = arith.constant 0 : index
    %get3A_12 = arith.constant 0 : index
    %get3A_13 = vector.load %arg3[%get3A_11, %get3A_12] : memref<128x128xf32, #tpu.memory_space<vmem>>, vector<128x128xf32>
    %dot_general3A_14 = arith.constant dense<0.000000e+00> : vector<1000x128xf32>
    %dot_general3A_15 = tpu.matmul %get3A_10, %get3A_13, %dot_general3A_14 {dimension_numbers = #tpu.dot_dimension_numbers<[1], [0], [0], [1], [0, 0, 1, 1], [], []>, precision = #tpu.contract_precision<fp32>, transpose_lhs_hint = false} : vector<1000x128xf32>, vector<128x128xf32>, vector<1000x128xf32> -> vector<1000x128xf32>
    %swap3A_16 = arith.constant 0 : index
    %swap3A_17 = arith.constant 0 : index
    %swap3A_18 = vector.load %arg6[%swap3A_16, %swap3A_17] : memref<1000x128xf32, #tpu.memory_space<vmem>>, vector<1000x128xf32>
    tpu.vector_store %arg6[%swap3A_16, %swap3A_17], %dot_general3A_15 {strides = array<i32>} : memref<1000x128xf32, #tpu.memory_space<vmem>>, vector<1000x128xf32>,
    %get3A_19 = arith.constant 0 : index
    %get3A_20 = arith.constant 0 : index
    %get3A_21 = vector.load %arg1[%get3A_19, %get3A_20] : memref<1000x128xf32, #tpu.memory_space<vmem>>, vector<1000x128xf32>
    %get3A_22 = arith.constant 0 : index
    %get3A_23 = arith.constant 0 : index
    %get3A_24 = vector.load %arg4[%get3A_22, %get3A_23] : memref<128x128xf32, #tpu.memory_space<vmem>>, vector<128x128xf32>
    %dot_general3A_25 = arith.constant dense<0.000000e+00> : vector<1000x128xf32>
    %dot_general3A_26 = tpu.matmul %get3A_21, %get3A_24, %dot_general3A_25 {dimension_numbers = #tpu.dot_dimension_numbers<[1], [0], [0], [1], [0, 0, 1, 1], [], []>, precision = #tpu.contract_precision<fp32>, transpose_lhs_hint = false} : vector<1000x128xf32>, vector<128x128xf32>, vector<1000x128xf32> -> vector<1000x128xf32>
    %swap3A_27 = arith.constant 0 : index
    %swap3A_28 = arith.constant 0 : index
    %swap3A_29 = vector.load %arg7[%swap3A_27, %swap3A_28] : memref<1000x128xf32, #tpu.memory_space<vmem>>, vector<1000x128xf32>
    tpu.vector_store %arg7[%swap3A_27, %swap3A_28], %dot_general3A_26 {strides = array<i32>} : memref<1000x128xf32, #tpu.memory_space<vmem>>, vector<1000x128xf32>,
    return
  }
  func.func @transform_0(%arg0: i32) -> (i32, i32) {
    %c0_i32 = arith.constant 0 : i32
    %c0_i32_0 = arith.constant 0 : i32
    return %arg0, %c0_i32 : i32, i32
  }
  func.func @transform_1(%arg0: i32) -> (i32, i32) {
    %c0_i32 = arith.constant 0 : i32
    %c0_i32_0 = arith.constant 0 : i32
    %c0_i32_1 = arith.constant 0 : i32
    return %c0_i32, %c0_i32_0 : i32, i32
  }
  func.func @transform_2(%arg0: i32) -> (i32, i32) {
    %c0_i32 = arith.constant 0 : i32
    %c0_i32_0 = arith.constant 0 : i32
    %c0_i32_1 = arith.constant 0 : i32
    return %c0_i32, %c0_i32_0 : i32, i32
  }
  func.func @transform_3(%arg0: i32) -> (i32, i32) {
    %c0_i32 = arith.constant 0 : i32
    %c0_i32_0 = arith.constant 0 : i32
    %c0_i32_1 = arith.constant 0 : i32
    return %c0_i32, %c0_i32_0 : i32, i32
  }
  func.func @transform_4(%arg0: i32) -> (i32, i32) {
    %c0_i32 = arith.constant 0 : i32
    %c0_i32_0 = arith.constant 0 : i32
    return %arg0, %c0_i32 : i32, i32
  }
  func.func @transform_5(%arg0: i32) -> (i32, i32) {
    %c0_i32 = arith.constant 0 : i32
    %c0_i32_0 = arith.constant 0 : i32
    return %arg0, %c0_i32 : i32, i32
  }
  func.func @transform_6(%arg0: i32) -> (i32, i32) {
    %c0_i32 = arith.constant 0 : i32
    %c0_i32_0 = arith.constant 0 : i32
    return %arg0, %c0_i32 : i32, i32
  }
}

module attributes {stable_mosaic.version = 14 : i64} {
  func.func @body(%arg0: i32, %arg1: memref<1000x384xf32, #tpu.memory_space<vmem>>, %arg2: memref<8x256xf32, #tpu.memory_space<vmem>>, %arg3: memref<1x256xf32, #tpu.memory_space<vmem>>, %arg4: memref<1x256xf32, #tpu.memory_space<vmem>>, %arg5: memref<1x256xf32, #tpu.memory_space<vmem>>, %arg6: memref<256x512xf32, #tpu.memory_space<vmem>>, %arg7: memref<1x512xf32, #tpu.memory_space<vmem>>, %arg8: memref<512x256xf32, #tpu.memory_space<vmem>>, %arg9: memref<1x256xf32, #tpu.memory_space<vmem>>, %arg10: memref<1x256xf32, #tpu.memory_space<vmem>>, %arg11: memref<1x256xf32, #tpu.memory_space<vmem>>, %arg12: memref<1000x256xf32, #tpu.memory_space<vmem>>) attributes {dimension_semantics = [#tpu.dimension_semantics<arbitrary>], iteration_bounds = array<i64: 10>, scalar_prefetch = 0 : i64, scratch_operands = 0 : i64, tpu.core_type = #tpu.core_type<tc>, window_params = [{transform_indices = @transform_0, window_bounds = array<i64: 1000, 384>}, {pipeline_mode = #tpu.pipeline_mode<synchronous>, transform_indices = @transform_1, window_bounds = array<i64: 8, 256>}, {pipeline_mode = #tpu.pipeline_mode<synchronous>, transform_indices = @transform_2, window_bounds = array<i64: 1, 256>}, {pipeline_mode = #tpu.pipeline_mode<synchronous>, transform_indices = @transform_3, window_bounds = array<i64: 1, 256>}, {pipeline_mode = #tpu.pipeline_mode<synchronous>, transform_indices = @transform_4, window_bounds = array<i64: 1, 256>}, {pipeline_mode = #tpu.pipeline_mode<synchronous>, transform_indices = @transform_5, window_bounds = array<i64: 256, 512>}, {pipeline_mode = #tpu.pipeline_mode<synchronous>, transform_indices = @transform_6, window_bounds = array<i64: 1, 512>}, {pipeline_mode = #tpu.pipeline_mode<synchronous>, transform_indices = @transform_7, window_bounds = array<i64: 512, 256>}, {pipeline_mode = #tpu.pipeline_mode<synchronous>, transform_indices = @transform_8, window_bounds = array<i64: 1, 256>}, {pipeline_mode = #tpu.pipeline_mode<synchronous>, transform_indices = @transform_9, window_bounds = array<i64: 1, 256>}, {pipeline_mode = #tpu.pipeline_mode<synchronous>, transform_indices = @transform_10, window_bounds = array<i64: 1, 256>}, {transform_indices = @transform_11, window_bounds = array<i64: 1000, 256>}]} {
    %get3A = arith.constant 0 : index
    %get3A_0 = arith.constant 0 : index
    %get3A_1 = vector.load %arg1[%get3A, %get3A_0] : memref<1000x384xf32, #tpu.memory_space<vmem>>, vector<1000x256xf32>
    %get3A_2 = arith.constant 0 : index
    %get3A_3 = arith.constant 256 : index
    %get3A_4 = vector.load %arg1[%get3A_2, %get3A_3] : memref<1000x384xf32, #tpu.memory_space<vmem>>, vector<1000x8xf32>
    %add3A = arith.constant 1.000000e-16 : f32
    %add3A_5 = vector.broadcast %add3A : f32 to vector<1000x8xf32>
    %add3A_6 = arith.addf %get3A_4, %add3A_5 : vector<1000x8xf32>
    %div3A = arith.constant 1.000000e+00 : f32
    %div3A_7 = vector.broadcast %div3A : f32 to vector<1000x8xf32>
    %div3A_8 = arith.divf %div3A_7, %add3A_6 : vector<1000x8xf32>
    %get3A_9 = arith.constant 0 : index
    %get3A_10 = arith.constant 0 : index
    %get3A_11 = vector.load %arg2[%get3A_9, %get3A_10] : memref<8x256xf32, #tpu.memory_space<vmem>>, vector<8x256xf32>
    %dot_general3A = arith.constant dense<0.000000e+00> : vector<1000x256xf32>
    %dot_general3A_12 = tpu.matmul %div3A_8, %get3A_11, %dot_general3A {dimension_numbers = #tpu.dot_dimension_numbers<[1], [0], [0], [1], [0, 0, 1, 1], [], []>, precision = #tpu.contract_precision<fp32>, transpose_lhs_hint = false} : vector<1000x8xf32>, vector<8x256xf32>, vector<1000x256xf32> -> vector<1000x256xf32>
    %mul3A = arith.mulf %get3A_1, %dot_general3A_12 : vector<1000x256xf32>
    %get3A_13 = arith.constant 0 : index
    %get3A_14 = arith.constant 0 : index
    %get3A_15 = vector.load %arg3[%get3A_13, %get3A_14] : memref<1x256xf32, #tpu.memory_space<vmem>>, vector<1x256xf32>
    %add3A_16 = vector.broadcast %get3A_15 : vector<1x256xf32> to vector<1000x256xf32>
    %add3A_17 = arith.addf %mul3A, %add3A_16 : vector<1000x256xf32>
    %reduce_sum3A = arith.constant dense<0.000000e+00> : vector<1000xf32>
    %reduce_sum3A_18 = vector.multi_reduction <add>, %add3A_17, %reduce_sum3A [1] : vector<1000x256xf32> to vector<1000xf32>
    %broadcast_in_dim3A = vector.shape_cast %reduce_sum3A_18 : vector<1000xf32> to vector<1000x1xf32>
    %div3A_19 = arith.constant 2.560000e+02 : f32
    %div3A_20 = vector.broadcast %div3A_19 : f32 to vector<1000x1xf32>
    %div3A_21 = arith.divf %broadcast_in_dim3A, %div3A_20 : vector<1000x1xf32>
    %sub3A = vector.broadcast %div3A_21 : vector<1000x1xf32> to vector<1000x256xf32>
    %sub3A_22 = arith.subf %add3A_17, %sub3A : vector<1000x256xf32>
    %mul3A_23 = arith.mulf %sub3A_22, %sub3A_22 : vector<1000x256xf32>
    %reduce_sum3A_24 = arith.constant dense<0.000000e+00> : vector<1000xf32>
    %reduce_sum3A_25 = vector.multi_reduction <add>, %mul3A_23, %reduce_sum3A_24 [1] : vector<1000x256xf32> to vector<1000xf32>
    %broadcast_in_dim3A_26 = vector.shape_cast %reduce_sum3A_25 : vector<1000xf32> to vector<1000x1xf32>
    %div3A_27 = arith.constant 2.560000e+02 : f32
    %div3A_28 = vector.broadcast %div3A_27 : f32 to vector<1000x1xf32>
    %div3A_29 = arith.divf %broadcast_in_dim3A_26, %div3A_28 : vector<1000x1xf32>
    %add3A_30 = arith.constant 9.99999974E-6 : f32
    %add3A_31 = vector.broadcast %add3A_30 : f32 to vector<1000x1xf32>
    %add3A_32 = arith.addf %div3A_29, %add3A_31 : vector<1000x1xf32>
    %rsqrt3A = math.rsqrt %add3A_32 : vector<1000x1xf32>
    %mul3A_33 = vector.broadcast %rsqrt3A : vector<1000x1xf32> to vector<1000x256xf32>
    %mul3A_34 = arith.mulf %sub3A_22, %mul3A_33 : vector<1000x256xf32>
    %get3A_35 = arith.constant 0 : index
    %get3A_36 = arith.constant 0 : index
    %get3A_37 = vector.load %arg4[%get3A_35, %get3A_36] : memref<1x256xf32, #tpu.memory_space<vmem>>, vector<1x256xf32>
    %mul3A_38 = vector.broadcast %get3A_37 : vector<1x256xf32> to vector<1000x256xf32>
    %mul3A_39 = arith.mulf %mul3A_34, %mul3A_38 : vector<1000x256xf32>
    %get3A_40 = arith.constant 0 : index
    %get3A_41 = arith.constant 0 : index
    %get3A_42 = vector.load %arg5[%get3A_40, %get3A_41] : memref<1x256xf32, #tpu.memory_space<vmem>>, vector<1x256xf32>
    %add3A_43 = vector.broadcast %get3A_42 : vector<1x256xf32> to vector<1000x256xf32>
    %add3A_44 = arith.addf %mul3A_39, %add3A_43 : vector<1000x256xf32>
    %get3A_45 = arith.constant 0 : index
    %get3A_46 = arith.constant 0 : index
    %get3A_47 = vector.load %arg6[%get3A_45, %get3A_46] : memref<256x512xf32, #tpu.memory_space<vmem>>, vector<256x512xf32>
    %dot_general3A_48 = arith.constant dense<0.000000e+00> : vector<1000x512xf32>
    %dot_general3A_49 = tpu.matmul %add3A_44, %get3A_47, %dot_general3A_48 {dimension_numbers = #tpu.dot_dimension_numbers<[1], [0], [0], [1], [0, 0, 1, 1], [], []>, precision = #tpu.contract_precision<fp32>, transpose_lhs_hint = false} : vector<1000x256xf32>, vector<256x512xf32>, vector<1000x512xf32> -> vector<1000x512xf32>
    %get3A_50 = arith.constant 0 : index
    %get3A_51 = arith.constant 0 : index
    %get3A_52 = vector.load %arg7[%get3A_50, %get3A_51] : memref<1x512xf32, #tpu.memory_space<vmem>>, vector<1x512xf32>
    %add3A_53 = vector.broadcast %get3A_52 : vector<1x512xf32> to vector<1000x512xf32>
    %add3A_54 = arith.addf %dot_general3A_49, %add3A_53 : vector<1000x512xf32>
    %max3A = arith.constant 0.000000e+00 : f32
    %max3A_55 = vector.broadcast %max3A : f32 to vector<1000x512xf32>
    %max3A_56 = arith.maximumf %add3A_54, %max3A_55 : vector<1000x512xf32>
    %get3A_57 = arith.constant 0 : index
    %get3A_58 = arith.constant 0 : index
    %get3A_59 = vector.load %arg8[%get3A_57, %get3A_58] : memref<512x256xf32, #tpu.memory_space<vmem>>, vector<512x256xf32>
    %dot_general3A_60 = arith.constant dense<0.000000e+00> : vector<1000x256xf32>
    %dot_general3A_61 = tpu.matmul %max3A_56, %get3A_59, %dot_general3A_60 {dimension_numbers = #tpu.dot_dimension_numbers<[1], [0], [0], [1], [0, 0, 1, 1], [], []>, precision = #tpu.contract_precision<fp32>, transpose_lhs_hint = false} : vector<1000x512xf32>, vector<512x256xf32>, vector<1000x256xf32> -> vector<1000x256xf32>
    %get3A_62 = arith.constant 0 : index
    %get3A_63 = arith.constant 0 : index
    %get3A_64 = vector.load %arg9[%get3A_62, %get3A_63] : memref<1x256xf32, #tpu.memory_space<vmem>>, vector<1x256xf32>
    %add3A_65 = vector.broadcast %get3A_64 : vector<1x256xf32> to vector<1000x256xf32>
    %add3A_66 = arith.addf %dot_general3A_61, %add3A_65 : vector<1000x256xf32>
    %add3A_67 = arith.addf %add3A_44, %add3A_66 : vector<1000x256xf32>
    %reduce_sum3A_68 = arith.constant dense<0.000000e+00> : vector<1000xf32>
    %reduce_sum3A_69 = vector.multi_reduction <add>, %add3A_67, %reduce_sum3A_68 [1] : vector<1000x256xf32> to vector<1000xf32>
    %broadcast_in_dim3A_70 = vector.shape_cast %reduce_sum3A_69 : vector<1000xf32> to vector<1000x1xf32>
    %div3A_71 = arith.constant 2.560000e+02 : f32
    %div3A_72 = vector.broadcast %div3A_71 : f32 to vector<1000x1xf32>
    %div3A_73 = arith.divf %broadcast_in_dim3A_70, %div3A_72 : vector<1000x1xf32>
    %sub3A_74 = vector.broadcast %div3A_73 : vector<1000x1xf32> to vector<1000x256xf32>
    %sub3A_75 = arith.subf %add3A_67, %sub3A_74 : vector<1000x256xf32>
    %mul3A_76 = arith.mulf %sub3A_75, %sub3A_75 : vector<1000x256xf32>
    %reduce_sum3A_77 = arith.constant dense<0.000000e+00> : vector<1000xf32>
    %reduce_sum3A_78 = vector.multi_reduction <add>, %mul3A_76, %reduce_sum3A_77 [1] : vector<1000x256xf32> to vector<1000xf32>
    %broadcast_in_dim3A_79 = vector.shape_cast %reduce_sum3A_78 : vector<1000xf32> to vector<1000x1xf32>
    %div3A_80 = arith.constant 2.560000e+02 : f32
    %div3A_81 = vector.broadcast %div3A_80 : f32 to vector<1000x1xf32>
    %div3A_82 = arith.divf %broadcast_in_dim3A_79, %div3A_81 : vector<1000x1xf32>
    %add3A_83 = arith.constant 9.99999974E-6 : f32
    %add3A_84 = vector.broadcast %add3A_83 : f32 to vector<1000x1xf32>
    %add3A_85 = arith.addf %div3A_82, %add3A_84 : vector<1000x1xf32>
    %rsqrt3A_86 = math.rsqrt %add3A_85 : vector<1000x1xf32>
    %mul3A_87 = vector.broadcast %rsqrt3A_86 : vector<1000x1xf32> to vector<1000x256xf32>
    %mul3A_88 = arith.mulf %sub3A_75, %mul3A_87 : vector<1000x256xf32>
    %get3A_89 = arith.constant 0 : index
    %get3A_90 = arith.constant 0 : index
    %get3A_91 = vector.load %arg10[%get3A_89, %get3A_90] : memref<1x256xf32, #tpu.memory_space<vmem>>, vector<1x256xf32>
    %mul3A_92 = vector.broadcast %get3A_91 : vector<1x256xf32> to vector<1000x256xf32>
    %mul3A_93 = arith.mulf %mul3A_88, %mul3A_92 : vector<1000x256xf32>
    %get3A_94 = arith.constant 0 : index
    %get3A_95 = arith.constant 0 : index
    %get3A_96 = vector.load %arg11[%get3A_94, %get3A_95] : memref<1x256xf32, #tpu.memory_space<vmem>>, vector<1x256xf32>
    %add3A_97 = vector.broadcast %get3A_96 : vector<1x256xf32> to vector<1000x256xf32>
    %add3A_98 = arith.addf %mul3A_93, %add3A_97 : vector<1000x256xf32>
    %swap3A = arith.constant 0 : index
    %swap3A_99 = arith.constant 0 : index
    %swap3A_100 = vector.load %arg12[%swap3A, %swap3A_99] : memref<1000x256xf32, #tpu.memory_space<vmem>>, vector<1000x256xf32>
    tpu.vector_store %arg12[%swap3A, %swap3A_99], %add3A_98 {strides = array<i32>} : memref<1000x256xf32, #tpu.memory_space<vmem>>, vector<1000x256xf32>,
    return
  }
  func.func @transform_0(%arg0: i32) -> (i32, i32) {
    %c0_i32 = arith.constant 0 : i32
    %c0_i32_0 = arith.constant 0 : i32
    return %arg0, %c0_i32 : i32, i32
  }
  func.func @transform_1(%arg0: i32) -> (i32, i32) {
    %c0_i32 = arith.constant 0 : i32
    %c0_i32_0 = arith.constant 0 : i32
    %c0_i32_1 = arith.constant 0 : i32
    return %c0_i32, %c0_i32_0 : i32, i32
  }
  func.func @transform_2(%arg0: i32) -> (i32, i32) {
    %c0_i32 = arith.constant 0 : i32
    %c0_i32_0 = arith.constant 0 : i32
    %c0_i32_1 = arith.constant 0 : i32
    return %c0_i32, %c0_i32_0 : i32, i32
  }
  func.func @transform_3(%arg0: i32) -> (i32, i32) {
    %c0_i32 = arith.constant 0 : i32
    %c0_i32_0 = arith.constant 0 : i32
    %c0_i32_1 = arith.constant 0 : i32
    return %c0_i32, %c0_i32_0 : i32, i32
  }
  func.func @transform_4(%arg0: i32) -> (i32, i32) {
    %c0_i32 = arith.constant 0 : i32
    %c0_i32_0 = arith.constant 0 : i32
    %c0_i32_1 = arith.constant 0 : i32
    return %c0_i32, %c0_i32_0 : i32, i32
  }
  func.func @transform_5(%arg0: i32) -> (i32, i32) {
    %c0_i32 = arith.constant 0 : i32
    %c0_i32_0 = arith.constant 0 : i32
    %c0_i32_1 = arith.constant 0 : i32
    return %c0_i32, %c0_i32_0 : i32, i32
  }
  func.func @transform_6(%arg0: i32) -> (i32, i32) {
    %c0_i32 = arith.constant 0 : i32
    %c0_i32_0 = arith.constant 0 : i32
    %c0_i32_1 = arith.constant 0 : i32
    return %c0_i32, %c0_i32_0 : i32, i32
  }
  func.func @transform_7(%arg0: i32) -> (i32, i32) {
    %c0_i32 = arith.constant 0 : i32
    %c0_i32_0 = arith.constant 0 : i32
    %c0_i32_1 = arith.constant 0 : i32
    return %c0_i32, %c0_i32_0 : i32, i32
  }
  func.func @transform_8(%arg0: i32) -> (i32, i32) {
    %c0_i32 = arith.constant 0 : i32
    %c0_i32_0 = arith.constant 0 : i32
    %c0_i32_1 = arith.constant 0 : i32
    return %c0_i32, %c0_i32_0 : i32, i32
  }
  func.func @transform_9(%arg0: i32) -> (i32, i32) {
    %c0_i32 = arith.constant 0 : i32
    %c0_i32_0 = arith.constant 0 : i32
    %c0_i32_1 = arith.constant 0 : i32
    return %c0_i32, %c0_i32_0 : i32, i32
  }
  func.func @transform_10(%arg0: i32) -> (i32, i32) {
    %c0_i32 = arith.constant 0 : i32
    %c0_i32_0 = arith.constant 0 : i32
    %c0_i32_1 = arith.constant 0 : i32
    return %c0_i32, %c0_i32_0 : i32, i32
  }
  func.func @transform_11(%arg0: i32) -> (i32, i32) {
    %c0_i32 = arith.constant 0 : i32
    %c0_i32_0 = arith.constant 0 : i32
    return %arg0, %c0_i32 : i32, i32
  }
}

module attributes {stable_mosaic.version = 14 : i64} {
  func.func @_reduce_body(%arg0: i32, %arg1: memref<1x512xi32, #tpu.memory_space<vmem>>, %arg2: memref<512x384xf32, #tpu.memory_space<vmem>>, %arg3: memref<10000x384xf32, #tpu.memory_space<vmem>>) attributes {dimension_semantics = [#tpu.dimension_semantics<arbitrary>], iteration_bounds = array<i64: 625>, scalar_prefetch = 0 : i64, scratch_operands = 0 : i64, tpu.core_type = #tpu.core_type<tc>, window_params = [{transform_indices = @transform_0, window_bounds = array<i64: 1, 512>}, {transform_indices = @transform_1, window_bounds = array<i64: 512, 384>}, {pipeline_mode = #tpu.pipeline_mode<synchronous>, transform_indices = @transform_2, window_bounds = array<i64: 10000, 384>}]} {
    %eq3A = arith.constant 0 : i32
    %eq3A_0 = arith.cmpi eq, %arg0, %eq3A : i32
    %convert_element_type3A = arith.extui %eq3A_0 : i1 to i32
    %cond3A = arith.constant 0 : i32
    %cond3A_1 = arith.cmpi ne, %convert_element_type3A, %cond3A : i32
    scf.if %cond3A_1 {
      %broadcast_in_dim3A_99 = arith.constant 0.000000e+00 : f32
      %broadcast_in_dim3A_100 = vector.broadcast %broadcast_in_dim3A_99 : f32 to vector<10000x384xf32>
      %swap3A_101 = arith.constant 0 : index
      %swap3A_102 = arith.constant 0 : index
      %swap3A_103 = vector.load %arg3[%swap3A_101, %swap3A_102] : memref<10000x384xf32, #tpu.memory_space<vmem>>, vector<10000x384xf32>
      tpu.vector_store %arg3[%swap3A_101, %swap3A_102], %broadcast_in_dim3A_100 {strides = array<i32>} : memref<10000x384xf32, #tpu.memory_space<vmem>>, vector<10000x384xf32>,
    } else {
    }
    %get3A = arith.constant 0 : index
    %get3A_2 = arith.constant 0 : index
    %get3A_3 = vector.load %arg1[%get3A, %get3A_2] : memref<1x512xi32, #tpu.memory_space<vmem>>, vector<1x512xi32>
    %get3A_4 = vector.shape_cast %get3A_3 : vector<1x512xi32> to vector<512xi32>
    %get3A_5 = arith.constant 0 : index
    %get3A_6 = arith.constant 0 : index
    %get3A_7 = vector.load %arg2[%get3A_5, %get3A_6] : memref<512x384xf32, #tpu.memory_space<vmem>>, vector<512x384xf32>
    %convert_element_type3A_8 = arith.truncf %get3A_7 : vector<512x384xf32> to vector<512x384xbf16>
    %iota3A = tpu.iota {dimensions = array<i32: 0>} : vector<2000x512xi32>
    %add3A = arith.constant 0 : i32
    %add3A_9 = vector.broadcast %add3A : i32 to vector<2000x512xi32>
    %add3A_10 = arith.addi %iota3A, %add3A_9 : vector<2000x512xi32>
    %broadcast_in_dim3A = vector.shape_cast %get3A_4 : vector<512xi32> to vector<1x512xi32>
    %eq3A_11 = vector.broadcast %broadcast_in_dim3A : vector<1x512xi32> to vector<2000x512xi32>
    %eq3A_12 = arith.cmpi eq, %add3A_10, %eq3A_11 : vector<2000x512xi32>
    %convert_element_type3A_13 = arith.extui %eq3A_12 : vector<2000x512xi1> to vector<2000x512xi32>
    %convert_element_type3A_14 = arith.sitofp %convert_element_type3A_13 : vector<2000x512xi32> to vector<2000x512xf32>
    %convert_element_type3A_15 = arith.truncf %convert_element_type3A_14 : vector<2000x512xf32> to vector<2000x512xbf16>
    %dot_general3A = arith.constant dense<0.000000e+00> : vector<2000x384xf32>
    %dot_general3A_16 = tpu.matmul %convert_element_type3A_15, %convert_element_type3A_8, %dot_general3A {dimension_numbers = #tpu.dot_dimension_numbers<[1], [0], [0], [1], [0, 0, 1, 1], [], []>, transpose_lhs_hint = false} : vector<2000x512xbf16>, vector<512x384xbf16>, vector<2000x384xf32> -> vector<2000x384xf32>
    %get3A_17 = arith.constant 0 : index
    %get3A_18 = arith.constant 0 : index
    %get3A_19 = vector.load %arg3[%get3A_17, %get3A_18] : memref<10000x384xf32, #tpu.memory_space<vmem>>, vector<2000x384xf32>
    %add3A_20 = arith.addf %get3A_19, %dot_general3A_16 : vector<2000x384xf32>
    %swap3A = arith.constant 0 : index
    %swap3A_21 = arith.constant 0 : index
    %swap3A_22 = vector.load %arg3[%swap3A, %swap3A_21] : memref<10000x384xf32, #tpu.memory_space<vmem>>, vector<2000x384xf32>
    tpu.vector_store %arg3[%swap3A, %swap3A_21], %add3A_20 {strides = array<i32>} : memref<10000x384xf32, #tpu.memory_space<vmem>>, vector<2000x384xf32>,
    %iota3A_23 = tpu.iota {dimensions = array<i32: 0>} : vector<2000x512xi32>
    %add3A_24 = arith.constant 2000 : i32
    %add3A_25 = vector.broadcast %add3A_24 : i32 to vector<2000x512xi32>
    %add3A_26 = arith.addi %iota3A_23, %add3A_25 : vector<2000x512xi32>
    %broadcast_in_dim3A_27 = vector.shape_cast %get3A_4 : vector<512xi32> to vector<1x512xi32>
    %eq3A_28 = vector.broadcast %broadcast_in_dim3A_27 : vector<1x512xi32> to vector<2000x512xi32>
    %eq3A_29 = arith.cmpi eq, %add3A_26, %eq3A_28 : vector<2000x512xi32>
    %convert_element_type3A_30 = arith.extui %eq3A_29 : vector<2000x512xi1> to vector<2000x512xi32>
    %convert_element_type3A_31 = arith.sitofp %convert_element_type3A_30 : vector<2000x512xi32> to vector<2000x512xf32>
    %convert_element_type3A_32 = arith.truncf %convert_element_type3A_31 : vector<2000x512xf32> to vector<2000x512xbf16>
    %dot_general3A_33 = arith.constant dense<0.000000e+00> : vector<2000x384xf32>
    %dot_general3A_34 = tpu.matmul %convert_element_type3A_32, %convert_element_type3A_8, %dot_general3A_33 {dimension_numbers = #tpu.dot_dimension_numbers<[1], [0], [0], [1], [0, 0, 1, 1], [], []>, transpose_lhs_hint = false} : vector<2000x512xbf16>, vector<512x384xbf16>, vector<2000x384xf32> -> vector<2000x384xf32>
    %get3A_35 = arith.constant 2000 : index
    %get3A_36 = arith.constant 0 : index
    %get3A_37 = vector.load %arg3[%get3A_35, %get3A_36] : memref<10000x384xf32, #tpu.memory_space<vmem>>, vector<2000x384xf32>
    %add3A_38 = arith.addf %get3A_37, %dot_general3A_34 : vector<2000x384xf32>
    %swap3A_39 = arith.constant 2000 : index
    %swap3A_40 = arith.constant 0 : index
    %swap3A_41 = vector.load %arg3[%swap3A_39, %swap3A_40] : memref<10000x384xf32, #tpu.memory_space<vmem>>, vector<2000x384xf32>
    tpu.vector_store %arg3[%swap3A_39, %swap3A_40], %add3A_38 {strides = array<i32>} : memref<10000x384xf32, #tpu.memory_space<vmem>>, vector<2000x384xf32>,
    %iota3A_42 = tpu.iota {dimensions = array<i32: 0>} : vector<2000x512xi32>
    %add3A_43 = arith.constant 4000 : i32
    %add3A_44 = vector.broadcast %add3A_43 : i32 to vector<2000x512xi32>
    %add3A_45 = arith.addi %iota3A_42, %add3A_44 : vector<2000x512xi32>
    %broadcast_in_dim3A_46 = vector.shape_cast %get3A_4 : vector<512xi32> to vector<1x512xi32>
    %eq3A_47 = vector.broadcast %broadcast_in_dim3A_46 : vector<1x512xi32> to vector<2000x512xi32>
    %eq3A_48 = arith.cmpi eq, %add3A_45, %eq3A_47 : vector<2000x512xi32>
    %convert_element_type3A_49 = arith.extui %eq3A_48 : vector<2000x512xi1> to vector<2000x512xi32>
    %convert_element_type3A_50 = arith.sitofp %convert_element_type3A_49 : vector<2000x512xi32> to vector<2000x512xf32>
    %convert_element_type3A_51 = arith.truncf %convert_element_type3A_50 : vector<2000x512xf32> to vector<2000x512xbf16>
    %dot_general3A_52 = arith.constant dense<0.000000e+00> : vector<2000x384xf32>
    %dot_general3A_53 = tpu.matmul %convert_element_type3A_51, %convert_element_type3A_8, %dot_general3A_52 {dimension_numbers = #tpu.dot_dimension_numbers<[1], [0], [0], [1], [0, 0, 1, 1], [], []>, transpose_lhs_hint = false} : vector<2000x512xbf16>, vector<512x384xbf16>, vector<2000x384xf32> -> vector<2000x384xf32>
    %get3A_54 = arith.constant 4000 : index
    %get3A_55 = arith.constant 0 : index
    %get3A_56 = vector.load %arg3[%get3A_54, %get3A_55] : memref<10000x384xf32, #tpu.memory_space<vmem>>, vector<2000x384xf32>
    %add3A_57 = arith.addf %get3A_56, %dot_general3A_53 : vector<2000x384xf32>
    %swap3A_58 = arith.constant 4000 : index
    %swap3A_59 = arith.constant 0 : index
    %swap3A_60 = vector.load %arg3[%swap3A_58, %swap3A_59] : memref<10000x384xf32, #tpu.memory_space<vmem>>, vector<2000x384xf32>
    tpu.vector_store %arg3[%swap3A_58, %swap3A_59], %add3A_57 {strides = array<i32>} : memref<10000x384xf32, #tpu.memory_space<vmem>>, vector<2000x384xf32>,
    %iota3A_61 = tpu.iota {dimensions = array<i32: 0>} : vector<2000x512xi32>
    %add3A_62 = arith.constant 6000 : i32
    %add3A_63 = vector.broadcast %add3A_62 : i32 to vector<2000x512xi32>
    %add3A_64 = arith.addi %iota3A_61, %add3A_63 : vector<2000x512xi32>
    %broadcast_in_dim3A_65 = vector.shape_cast %get3A_4 : vector<512xi32> to vector<1x512xi32>
    %eq3A_66 = vector.broadcast %broadcast_in_dim3A_65 : vector<1x512xi32> to vector<2000x512xi32>
    %eq3A_67 = arith.cmpi eq, %add3A_64, %eq3A_66 : vector<2000x512xi32>
    %convert_element_type3A_68 = arith.extui %eq3A_67 : vector<2000x512xi1> to vector<2000x512xi32>
    %convert_element_type3A_69 = arith.sitofp %convert_element_type3A_68 : vector<2000x512xi32> to vector<2000x512xf32>
    %convert_element_type3A_70 = arith.truncf %convert_element_type3A_69 : vector<2000x512xf32> to vector<2000x512xbf16>
    %dot_general3A_71 = arith.constant dense<0.000000e+00> : vector<2000x384xf32>
    %dot_general3A_72 = tpu.matmul %convert_element_type3A_70, %convert_element_type3A_8, %dot_general3A_71 {dimension_numbers = #tpu.dot_dimension_numbers<[1], [0], [0], [1], [0, 0, 1, 1], [], []>, transpose_lhs_hint = false} : vector<2000x512xbf16>, vector<512x384xbf16>, vector<2000x384xf32> -> vector<2000x384xf32>
    %get3A_73 = arith.constant 6000 : index
    %get3A_74 = arith.constant 0 : index
    %get3A_75 = vector.load %arg3[%get3A_73, %get3A_74] : memref<10000x384xf32, #tpu.memory_space<vmem>>, vector<2000x384xf32>
    %add3A_76 = arith.addf %get3A_75, %dot_general3A_72 : vector<2000x384xf32>
    %swap3A_77 = arith.constant 6000 : index
    %swap3A_78 = arith.constant 0 : index
    %swap3A_79 = vector.load %arg3[%swap3A_77, %swap3A_78] : memref<10000x384xf32, #tpu.memory_space<vmem>>, vector<2000x384xf32>
    tpu.vector_store %arg3[%swap3A_77, %swap3A_78], %add3A_76 {strides = array<i32>} : memref<10000x384xf32, #tpu.memory_space<vmem>>, vector<2000x384xf32>,
    %iota3A_80 = tpu.iota {dimensions = array<i32: 0>} : vector<2000x512xi32>
    %add3A_81 = arith.constant 8000 : i32
    %add3A_82 = vector.broadcast %add3A_81 : i32 to vector<2000x512xi32>
    %add3A_83 = arith.addi %iota3A_80, %add3A_82 : vector<2000x512xi32>
    %broadcast_in_dim3A_84 = vector.shape_cast %get3A_4 : vector<512xi32> to vector<1x512xi32>
    %eq3A_85 = vector.broadcast %broadcast_in_dim3A_84 : vector<1x512xi32> to vector<2000x512xi32>
    %eq3A_86 = arith.cmpi eq, %add3A_83, %eq3A_85 : vector<2000x512xi32>
    %convert_element_type3A_87 = arith.extui %eq3A_86 : vector<2000x512xi1> to vector<2000x512xi32>
    %convert_element_type3A_88 = arith.sitofp %convert_element_type3A_87 : vector<2000x512xi32> to vector<2000x512xf32>
    %convert_element_type3A_89 = arith.truncf %convert_element_type3A_88 : vector<2000x512xf32> to vector<2000x512xbf16>
    %dot_general3A_90 = arith.constant dense<0.000000e+00> : vector<2000x384xf32>
    %dot_general3A_91 = tpu.matmul %convert_element_type3A_89, %convert_element_type3A_8, %dot_general3A_90 {dimension_numbers = #tpu.dot_dimension_numbers<[1], [0], [0], [1], [0, 0, 1, 1], [], []>, transpose_lhs_hint = false} : vector<2000x512xbf16>, vector<512x384xbf16>, vector<2000x384xf32> -> vector<2000x384xf32>
    %get3A_92 = arith.constant 8000 : index
    %get3A_93 = arith.constant 0 : index
    %get3A_94 = vector.load %arg3[%get3A_92, %get3A_93] : memref<10000x384xf32, #tpu.memory_space<vmem>>, vector<2000x384xf32>
    %add3A_95 = arith.addf %get3A_94, %dot_general3A_91 : vector<2000x384xf32>
    %swap3A_96 = arith.constant 8000 : index
    %swap3A_97 = arith.constant 0 : index
    %swap3A_98 = vector.load %arg3[%swap3A_96, %swap3A_97] : memref<10000x384xf32, #tpu.memory_space<vmem>>, vector<2000x384xf32>
    tpu.vector_store %arg3[%swap3A_96, %swap3A_97], %add3A_95 {strides = array<i32>} : memref<10000x384xf32, #tpu.memory_space<vmem>>, vector<2000x384xf32>,
    return
  }
  func.func @transform_0(%arg0: i32) -> (i32, i32) {
    %c0_i32 = arith.constant 0 : i32
    %c0_i32_0 = arith.constant 0 : i32
    return %c0_i32, %arg0 : i32, i32
  }
  func.func @transform_1(%arg0: i32) -> (i32, i32) {
    %c0_i32 = arith.constant 0 : i32
    %c0_i32_0 = arith.constant 0 : i32
    return %arg0, %c0_i32 : i32, i32
  }
  func.func @transform_2(%arg0: i32) -> (i32, i32) {
    %c0_i32 = arith.constant 0 : i32
    %c0_i32_0 = arith.constant 0 : i32
    %c0_i32_1 = arith.constant 0 : i32
    return %c0_i32, %c0_i32_0 : i32, i32
  }
}

module attributes {stable_mosaic.version = 14 : i64} {
  func.func @_proj_body(%arg0: i32, %arg1: memref<1000x256xf32, #tpu.memory_space<vmem>>, %arg2: memref<256x256xf32, #tpu.memory_space<vmem>>, %arg3: memref<256x128xf32, #tpu.memory_space<vmem>>, %arg4: memref<256x128xf32, #tpu.memory_space<vmem>>, %arg5: memref<1000x256xf32, #tpu.memory_space<vmem>>, %arg6: memref<1000x128xf32, #tpu.memory_space<vmem>>, %arg7: memref<1000x128xf32, #tpu.memory_space<vmem>>) attributes {dimension_semantics = [#tpu.dimension_semantics<arbitrary>], iteration_bounds = array<i64: 10>, scalar_prefetch = 0 : i64, scratch_operands = 0 : i64, tpu.core_type = #tpu.core_type<tc>, window_params = [{transform_indices = @transform_0, window_bounds = array<i64: 1000, 256>}, {pipeline_mode = #tpu.pipeline_mode<synchronous>, transform_indices = @transform_1, window_bounds = array<i64: 256, 256>}, {pipeline_mode = #tpu.pipeline_mode<synchronous>, transform_indices = @transform_2, window_bounds = array<i64: 256, 128>}, {pipeline_mode = #tpu.pipeline_mode<synchronous>, transform_indices = @transform_3, window_bounds = array<i64: 256, 128>}, {transform_indices = @transform_4, window_bounds = array<i64: 1000, 256>}, {transform_indices = @transform_5, window_bounds = array<i64: 1000, 128>}, {transform_indices = @transform_6, window_bounds = array<i64: 1000, 128>}]} {
    %get3A = arith.constant 0 : index
    %get3A_0 = arith.constant 0 : index
    %get3A_1 = vector.load %arg1[%get3A, %get3A_0] : memref<1000x256xf32, #tpu.memory_space<vmem>>, vector<1000x256xf32>
    %get3A_2 = arith.constant 0 : index
    %get3A_3 = arith.constant 0 : index
    %get3A_4 = vector.load %arg2[%get3A_2, %get3A_3] : memref<256x256xf32, #tpu.memory_space<vmem>>, vector<256x256xf32>
    %dot_general3A = arith.constant dense<0.000000e+00> : vector<1000x256xf32>
    %dot_general3A_5 = tpu.matmul %get3A_1, %get3A_4, %dot_general3A {dimension_numbers = #tpu.dot_dimension_numbers<[1], [0], [0], [1], [0, 0, 1, 1], [], []>, precision = #tpu.contract_precision<fp32>, transpose_lhs_hint = false} : vector<1000x256xf32>, vector<256x256xf32>, vector<1000x256xf32> -> vector<1000x256xf32>
    %swap3A = arith.constant 0 : index
    %swap3A_6 = arith.constant 0 : index
    %swap3A_7 = vector.load %arg5[%swap3A, %swap3A_6] : memref<1000x256xf32, #tpu.memory_space<vmem>>, vector<1000x256xf32>
    tpu.vector_store %arg5[%swap3A, %swap3A_6], %dot_general3A_5 {strides = array<i32>} : memref<1000x256xf32, #tpu.memory_space<vmem>>, vector<1000x256xf32>,
    %get3A_8 = arith.constant 0 : index
    %get3A_9 = arith.constant 0 : index
    %get3A_10 = vector.load %arg1[%get3A_8, %get3A_9] : memref<1000x256xf32, #tpu.memory_space<vmem>>, vector<1000x256xf32>
    %get3A_11 = arith.constant 0 : index
    %get3A_12 = arith.constant 0 : index
    %get3A_13 = vector.load %arg3[%get3A_11, %get3A_12] : memref<256x128xf32, #tpu.memory_space<vmem>>, vector<256x128xf32>
    %dot_general3A_14 = arith.constant dense<0.000000e+00> : vector<1000x128xf32>
    %dot_general3A_15 = tpu.matmul %get3A_10, %get3A_13, %dot_general3A_14 {dimension_numbers = #tpu.dot_dimension_numbers<[1], [0], [0], [1], [0, 0, 1, 1], [], []>, precision = #tpu.contract_precision<fp32>, transpose_lhs_hint = false} : vector<1000x256xf32>, vector<256x128xf32>, vector<1000x128xf32> -> vector<1000x128xf32>
    %swap3A_16 = arith.constant 0 : index
    %swap3A_17 = arith.constant 0 : index
    %swap3A_18 = vector.load %arg6[%swap3A_16, %swap3A_17] : memref<1000x128xf32, #tpu.memory_space<vmem>>, vector<1000x128xf32>
    tpu.vector_store %arg6[%swap3A_16, %swap3A_17], %dot_general3A_15 {strides = array<i32>} : memref<1000x128xf32, #tpu.memory_space<vmem>>, vector<1000x128xf32>,
    %get3A_19 = arith.constant 0 : index
    %get3A_20 = arith.constant 0 : index
    %get3A_21 = vector.load %arg1[%get3A_19, %get3A_20] : memref<1000x256xf32, #tpu.memory_space<vmem>>, vector<1000x256xf32>
    %get3A_22 = arith.constant 0 : index
    %get3A_23 = arith.constant 0 : index
    %get3A_24 = vector.load %arg4[%get3A_22, %get3A_23] : memref<256x128xf32, #tpu.memory_space<vmem>>, vector<256x128xf32>
    %dot_general3A_25 = arith.constant dense<0.000000e+00> : vector<1000x128xf32>
    %dot_general3A_26 = tpu.matmul %get3A_21, %get3A_24, %dot_general3A_25 {dimension_numbers = #tpu.dot_dimension_numbers<[1], [0], [0], [1], [0, 0, 1, 1], [], []>, precision = #tpu.contract_precision<fp32>, transpose_lhs_hint = false} : vector<1000x256xf32>, vector<256x128xf32>, vector<1000x128xf32> -> vector<1000x128xf32>
    %swap3A_27 = arith.constant 0 : index
    %swap3A_28 = arith.constant 0 : index
    %swap3A_29 = vector.load %arg7[%swap3A_27, %swap3A_28] : memref<1000x128xf32, #tpu.memory_space<vmem>>, vector<1000x128xf32>
    tpu.vector_store %arg7[%swap3A_27, %swap3A_28], %dot_general3A_26 {strides = array<i32>} : memref<1000x128xf32, #tpu.memory_space<vmem>>, vector<1000x128xf32>,
    return
  }
  func.func @transform_0(%arg0: i32) -> (i32, i32) {
    %c0_i32 = arith.constant 0 : i32
    %c0_i32_0 = arith.constant 0 : i32
    return %arg0, %c0_i32 : i32, i32
  }
  func.func @transform_1(%arg0: i32) -> (i32, i32) {
    %c0_i32 = arith.constant 0 : i32
    %c0_i32_0 = arith.constant 0 : i32
    %c0_i32_1 = arith.constant 0 : i32
    return %c0_i32, %c0_i32_0 : i32, i32
  }
  func.func @transform_2(%arg0: i32) -> (i32, i32) {
    %c0_i32 = arith.constant 0 : i32
    %c0_i32_0 = arith.constant 0 : i32
    %c0_i32_1 = arith.constant 0 : i32
    return %c0_i32, %c0_i32_0 : i32, i32
  }
  func.func @transform_3(%arg0: i32) -> (i32, i32) {
    %c0_i32 = arith.constant 0 : i32
    %c0_i32_0 = arith.constant 0 : i32
    %c0_i32_1 = arith.constant 0 : i32
    return %c0_i32, %c0_i32_0 : i32, i32
  }
  func.func @transform_4(%arg0: i32) -> (i32, i32) {
    %c0_i32 = arith.constant 0 : i32
    %c0_i32_0 = arith.constant 0 : i32
    return %arg0, %c0_i32 : i32, i32
  }
  func.func @transform_5(%arg0: i32) -> (i32, i32) {
    %c0_i32 = arith.constant 0 : i32
    %c0_i32_0 = arith.constant 0 : i32
    return %arg0, %c0_i32 : i32, i32
  }
  func.func @transform_6(%arg0: i32) -> (i32, i32) {
    %c0_i32 = arith.constant 0 : i32
    %c0_i32_0 = arith.constant 0 : i32
    return %arg0, %c0_i32 : i32, i32
  }
}

module attributes {stable_mosaic.version = 14 : i64} {
  func.func @body(%arg0: i32, %arg1: memref<1000x384xf32, #tpu.memory_space<vmem>>, %arg2: memref<8x256xf32, #tpu.memory_space<vmem>>, %arg3: memref<1x256xf32, #tpu.memory_space<vmem>>, %arg4: memref<1x256xf32, #tpu.memory_space<vmem>>, %arg5: memref<1x256xf32, #tpu.memory_space<vmem>>, %arg6: memref<256x512xf32, #tpu.memory_space<vmem>>, %arg7: memref<1x512xf32, #tpu.memory_space<vmem>>, %arg8: memref<512x256xf32, #tpu.memory_space<vmem>>, %arg9: memref<1x256xf32, #tpu.memory_space<vmem>>, %arg10: memref<1x256xf32, #tpu.memory_space<vmem>>, %arg11: memref<1x256xf32, #tpu.memory_space<vmem>>, %arg12: memref<1000x256xf32, #tpu.memory_space<vmem>>, %arg13: memref<1000x256xf32, #tpu.memory_space<vmem>>) attributes {dimension_semantics = [#tpu.dimension_semantics<arbitrary>], iteration_bounds = array<i64: 10>, scalar_prefetch = 0 : i64, scratch_operands = 0 : i64, tpu.core_type = #tpu.core_type<tc>, window_params = [{transform_indices = @transform_0, window_bounds = array<i64: 1000, 384>}, {pipeline_mode = #tpu.pipeline_mode<synchronous>, transform_indices = @transform_1, window_bounds = array<i64: 8, 256>}, {pipeline_mode = #tpu.pipeline_mode<synchronous>, transform_indices = @transform_2, window_bounds = array<i64: 1, 256>}, {pipeline_mode = #tpu.pipeline_mode<synchronous>, transform_indices = @transform_3, window_bounds = array<i64: 1, 256>}, {pipeline_mode = #tpu.pipeline_mode<synchronous>, transform_indices = @transform_4, window_bounds = array<i64: 1, 256>}, {pipeline_mode = #tpu.pipeline_mode<synchronous>, transform_indices = @transform_5, window_bounds = array<i64: 256, 512>}, {pipeline_mode = #tpu.pipeline_mode<synchronous>, transform_indices = @transform_6, window_bounds = array<i64: 1, 512>}, {pipeline_mode = #tpu.pipeline_mode<synchronous>, transform_indices = @transform_7, window_bounds = array<i64: 512, 256>}, {pipeline_mode = #tpu.pipeline_mode<synchronous>, transform_indices = @transform_8, window_bounds = array<i64: 1, 256>}, {pipeline_mode = #tpu.pipeline_mode<synchronous>, transform_indices = @transform_9, window_bounds = array<i64: 1, 256>}, {pipeline_mode = #tpu.pipeline_mode<synchronous>, transform_indices = @transform_10, window_bounds = array<i64: 1, 256>}, {transform_indices = @transform_11, window_bounds = array<i64: 1000, 256>}, {transform_indices = @transform_12, window_bounds = array<i64: 1000, 256>}]} {
    %get3A = arith.constant 0 : index
    %get3A_0 = arith.constant 0 : index
    %get3A_1 = vector.load %arg1[%get3A, %get3A_0] : memref<1000x384xf32, #tpu.memory_space<vmem>>, vector<1000x256xf32>
    %get3A_2 = arith.constant 0 : index
    %get3A_3 = arith.constant 256 : index
    %get3A_4 = vector.load %arg1[%get3A_2, %get3A_3] : memref<1000x384xf32, #tpu.memory_space<vmem>>, vector<1000x8xf32>
    %add3A = arith.constant 1.000000e-16 : f32
    %add3A_5 = vector.broadcast %add3A : f32 to vector<1000x8xf32>
    %add3A_6 = arith.addf %get3A_4, %add3A_5 : vector<1000x8xf32>
    %div3A = arith.constant 1.000000e+00 : f32
    %div3A_7 = vector.broadcast %div3A : f32 to vector<1000x8xf32>
    %div3A_8 = arith.divf %div3A_7, %add3A_6 : vector<1000x8xf32>
    %get3A_9 = arith.constant 0 : index
    %get3A_10 = arith.constant 0 : index
    %get3A_11 = vector.load %arg2[%get3A_9, %get3A_10] : memref<8x256xf32, #tpu.memory_space<vmem>>, vector<8x256xf32>
    %dot_general3A = arith.constant dense<0.000000e+00> : vector<1000x256xf32>
    %dot_general3A_12 = tpu.matmul %div3A_8, %get3A_11, %dot_general3A {dimension_numbers = #tpu.dot_dimension_numbers<[1], [0], [0], [1], [0, 0, 1, 1], [], []>, precision = #tpu.contract_precision<fp32>, transpose_lhs_hint = false} : vector<1000x8xf32>, vector<8x256xf32>, vector<1000x256xf32> -> vector<1000x256xf32>
    %mul3A = arith.mulf %get3A_1, %dot_general3A_12 : vector<1000x256xf32>
    %get3A_13 = arith.constant 0 : index
    %get3A_14 = arith.constant 0 : index
    %get3A_15 = vector.load %arg3[%get3A_13, %get3A_14] : memref<1x256xf32, #tpu.memory_space<vmem>>, vector<1x256xf32>
    %add3A_16 = vector.broadcast %get3A_15 : vector<1x256xf32> to vector<1000x256xf32>
    %add3A_17 = arith.addf %mul3A, %add3A_16 : vector<1000x256xf32>
    %get3A_18 = arith.constant 0 : index
    %get3A_19 = arith.constant 0 : index
    %get3A_20 = vector.load %arg12[%get3A_18, %get3A_19] : memref<1000x256xf32, #tpu.memory_space<vmem>>, vector<1000x256xf32>
    %add3A_21 = arith.addf %add3A_17, %get3A_20 : vector<1000x256xf32>
    %reduce_sum3A = arith.constant dense<0.000000e+00> : vector<1000xf32>
    %reduce_sum3A_22 = vector.multi_reduction <add>, %add3A_21, %reduce_sum3A [1] : vector<1000x256xf32> to vector<1000xf32>
    %broadcast_in_dim3A = vector.shape_cast %reduce_sum3A_22 : vector<1000xf32> to vector<1000x1xf32>
    %div3A_23 = arith.constant 2.560000e+02 : f32
    %div3A_24 = vector.broadcast %div3A_23 : f32 to vector<1000x1xf32>
    %div3A_25 = arith.divf %broadcast_in_dim3A, %div3A_24 : vector<1000x1xf32>
    %sub3A = vector.broadcast %div3A_25 : vector<1000x1xf32> to vector<1000x256xf32>
    %sub3A_26 = arith.subf %add3A_21, %sub3A : vector<1000x256xf32>
    %mul3A_27 = arith.mulf %sub3A_26, %sub3A_26 : vector<1000x256xf32>
    %reduce_sum3A_28 = arith.constant dense<0.000000e+00> : vector<1000xf32>
    %reduce_sum3A_29 = vector.multi_reduction <add>, %mul3A_27, %reduce_sum3A_28 [1] : vector<1000x256xf32> to vector<1000xf32>
    %broadcast_in_dim3A_30 = vector.shape_cast %reduce_sum3A_29 : vector<1000xf32> to vector<1000x1xf32>
    %div3A_31 = arith.constant 2.560000e+02 : f32
    %div3A_32 = vector.broadcast %div3A_31 : f32 to vector<1000x1xf32>
    %div3A_33 = arith.divf %broadcast_in_dim3A_30, %div3A_32 : vector<1000x1xf32>
    %add3A_34 = arith.constant 9.99999974E-6 : f32
    %add3A_35 = vector.broadcast %add3A_34 : f32 to vector<1000x1xf32>
    %add3A_36 = arith.addf %div3A_33, %add3A_35 : vector<1000x1xf32>
    %rsqrt3A = math.rsqrt %add3A_36 : vector<1000x1xf32>
    %mul3A_37 = vector.broadcast %rsqrt3A : vector<1000x1xf32> to vector<1000x256xf32>
    %mul3A_38 = arith.mulf %sub3A_26, %mul3A_37 : vector<1000x256xf32>
    %get3A_39 = arith.constant 0 : index
    %get3A_40 = arith.constant 0 : index
    %get3A_41 = vector.load %arg4[%get3A_39, %get3A_40] : memref<1x256xf32, #tpu.memory_space<vmem>>, vector<1x256xf32>
    %mul3A_42 = vector.broadcast %get3A_41 : vector<1x256xf32> to vector<1000x256xf32>
    %mul3A_43 = arith.mulf %mul3A_38, %mul3A_42 : vector<1000x256xf32>
    %get3A_44 = arith.constant 0 : index
    %get3A_45 = arith.constant 0 : index
    %get3A_46 = vector.load %arg5[%get3A_44, %get3A_45] : memref<1x256xf32, #tpu.memory_space<vmem>>, vector<1x256xf32>
    %add3A_47 = vector.broadcast %get3A_46 : vector<1x256xf32> to vector<1000x256xf32>
    %add3A_48 = arith.addf %mul3A_43, %add3A_47 : vector<1000x256xf32>
    %get3A_49 = arith.constant 0 : index
    %get3A_50 = arith.constant 0 : index
    %get3A_51 = vector.load %arg6[%get3A_49, %get3A_50] : memref<256x512xf32, #tpu.memory_space<vmem>>, vector<256x512xf32>
    %dot_general3A_52 = arith.constant dense<0.000000e+00> : vector<1000x512xf32>
    %dot_general3A_53 = tpu.matmul %add3A_48, %get3A_51, %dot_general3A_52 {dimension_numbers = #tpu.dot_dimension_numbers<[1], [0], [0], [1], [0, 0, 1, 1], [], []>, precision = #tpu.contract_precision<fp32>, transpose_lhs_hint = false} : vector<1000x256xf32>, vector<256x512xf32>, vector<1000x512xf32> -> vector<1000x512xf32>
    %get3A_54 = arith.constant 0 : index
    %get3A_55 = arith.constant 0 : index
    %get3A_56 = vector.load %arg7[%get3A_54, %get3A_55] : memref<1x512xf32, #tpu.memory_space<vmem>>, vector<1x512xf32>
    %add3A_57 = vector.broadcast %get3A_56 : vector<1x512xf32> to vector<1000x512xf32>
    %add3A_58 = arith.addf %dot_general3A_53, %add3A_57 : vector<1000x512xf32>
    %max3A = arith.constant 0.000000e+00 : f32
    %max3A_59 = vector.broadcast %max3A : f32 to vector<1000x512xf32>
    %max3A_60 = arith.maximumf %add3A_58, %max3A_59 : vector<1000x512xf32>
    %get3A_61 = arith.constant 0 : index
    %get3A_62 = arith.constant 0 : index
    %get3A_63 = vector.load %arg8[%get3A_61, %get3A_62] : memref<512x256xf32, #tpu.memory_space<vmem>>, vector<512x256xf32>
    %dot_general3A_64 = arith.constant dense<0.000000e+00> : vector<1000x256xf32>
    %dot_general3A_65 = tpu.matmul %max3A_60, %get3A_63, %dot_general3A_64 {dimension_numbers = #tpu.dot_dimension_numbers<[1], [0], [0], [1], [0, 0, 1, 1], [], []>, precision = #tpu.contract_precision<fp32>, transpose_lhs_hint = false} : vector<1000x512xf32>, vector<512x256xf32>, vector<1000x256xf32> -> vector<1000x256xf32>
    %get3A_66 = arith.constant 0 : index
    %get3A_67 = arith.constant 0 : index
    %get3A_68 = vector.load %arg9[%get3A_66, %get3A_67] : memref<1x256xf32, #tpu.memory_space<vmem>>, vector<1x256xf32>
    %add3A_69 = vector.broadcast %get3A_68 : vector<1x256xf32> to vector<1000x256xf32>
    %add3A_70 = arith.addf %dot_general3A_65, %add3A_69 : vector<1000x256xf32>
    %add3A_71 = arith.addf %add3A_48, %add3A_70 : vector<1000x256xf32>
    %reduce_sum3A_72 = arith.constant dense<0.000000e+00> : vector<1000xf32>
    %reduce_sum3A_73 = vector.multi_reduction <add>, %add3A_71, %reduce_sum3A_72 [1] : vector<1000x256xf32> to vector<1000xf32>
    %broadcast_in_dim3A_74 = vector.shape_cast %reduce_sum3A_73 : vector<1000xf32> to vector<1000x1xf32>
    %div3A_75 = arith.constant 2.560000e+02 : f32
    %div3A_76 = vector.broadcast %div3A_75 : f32 to vector<1000x1xf32>
    %div3A_77 = arith.divf %broadcast_in_dim3A_74, %div3A_76 : vector<1000x1xf32>
    %sub3A_78 = vector.broadcast %div3A_77 : vector<1000x1xf32> to vector<1000x256xf32>
    %sub3A_79 = arith.subf %add3A_71, %sub3A_78 : vector<1000x256xf32>
    %mul3A_80 = arith.mulf %sub3A_79, %sub3A_79 : vector<1000x256xf32>
    %reduce_sum3A_81 = arith.constant dense<0.000000e+00> : vector<1000xf32>
    %reduce_sum3A_82 = vector.multi_reduction <add>, %mul3A_80, %reduce_sum3A_81 [1] : vector<1000x256xf32> to vector<1000xf32>
    %broadcast_in_dim3A_83 = vector.shape_cast %reduce_sum3A_82 : vector<1000xf32> to vector<1000x1xf32>
    %div3A_84 = arith.constant 2.560000e+02 : f32
    %div3A_85 = vector.broadcast %div3A_84 : f32 to vector<1000x1xf32>
    %div3A_86 = arith.divf %broadcast_in_dim3A_83, %div3A_85 : vector<1000x1xf32>
    %add3A_87 = arith.constant 9.99999974E-6 : f32
    %add3A_88 = vector.broadcast %add3A_87 : f32 to vector<1000x1xf32>
    %add3A_89 = arith.addf %div3A_86, %add3A_88 : vector<1000x1xf32>
    %rsqrt3A_90 = math.rsqrt %add3A_89 : vector<1000x1xf32>
    %mul3A_91 = vector.broadcast %rsqrt3A_90 : vector<1000x1xf32> to vector<1000x256xf32>
    %mul3A_92 = arith.mulf %sub3A_79, %mul3A_91 : vector<1000x256xf32>
    %get3A_93 = arith.constant 0 : index
    %get3A_94 = arith.constant 0 : index
    %get3A_95 = vector.load %arg10[%get3A_93, %get3A_94] : memref<1x256xf32, #tpu.memory_space<vmem>>, vector<1x256xf32>
    %mul3A_96 = vector.broadcast %get3A_95 : vector<1x256xf32> to vector<1000x256xf32>
    %mul3A_97 = arith.mulf %mul3A_92, %mul3A_96 : vector<1000x256xf32>
    %get3A_98 = arith.constant 0 : index
    %get3A_99 = arith.constant 0 : index
    %get3A_100 = vector.load %arg11[%get3A_98, %get3A_99] : memref<1x256xf32, #tpu.memory_space<vmem>>, vector<1x256xf32>
    %add3A_101 = vector.broadcast %get3A_100 : vector<1x256xf32> to vector<1000x256xf32>
    %add3A_102 = arith.addf %mul3A_97, %add3A_101 : vector<1000x256xf32>
    %swap3A = arith.constant 0 : index
    %swap3A_103 = arith.constant 0 : index
    %swap3A_104 = vector.load %arg13[%swap3A, %swap3A_103] : memref<1000x256xf32, #tpu.memory_space<vmem>>, vector<1000x256xf32>
    tpu.vector_store %arg13[%swap3A, %swap3A_103], %add3A_102 {strides = array<i32>} : memref<1000x256xf32, #tpu.memory_space<vmem>>, vector<1000x256xf32>,
    return
  }
  func.func @transform_0(%arg0: i32) -> (i32, i32) {
    %c0_i32 = arith.constant 0 : i32
    %c0_i32_0 = arith.constant 0 : i32
    return %arg0, %c0_i32 : i32, i32
  }
  func.func @transform_1(%arg0: i32) -> (i32, i32) {
    %c0_i32 = arith.constant 0 : i32
    %c0_i32_0 = arith.constant 0 : i32
    %c0_i32_1 = arith.constant 0 : i32
    return %c0_i32, %c0_i32_0 : i32, i32
  }
  func.func @transform_2(%arg0: i32) -> (i32, i32) {
    %c0_i32 = arith.constant 0 : i32
    %c0_i32_0 = arith.constant 0 : i32
    %c0_i32_1 = arith.constant 0 : i32
    return %c0_i32, %c0_i32_0 : i32, i32
  }
  func.func @transform_3(%arg0: i32) -> (i32, i32) {
    %c0_i32 = arith.constant 0 : i32
    %c0_i32_0 = arith.constant 0 : i32
    %c0_i32_1 = arith.constant 0 : i32
    return %c0_i32, %c0_i32_0 : i32, i32
  }
  func.func @transform_4(%arg0: i32) -> (i32, i32) {
    %c0_i32 = arith.constant 0 : i32
    %c0_i32_0 = arith.constant 0 : i32
    %c0_i32_1 = arith.constant 0 : i32
    return %c0_i32, %c0_i32_0 : i32, i32
  }
  func.func @transform_5(%arg0: i32) -> (i32, i32) {
    %c0_i32 = arith.constant 0 : i32
    %c0_i32_0 = arith.constant 0 : i32
    %c0_i32_1 = arith.constant 0 : i32
    return %c0_i32, %c0_i32_0 : i32, i32
  }
  func.func @transform_6(%arg0: i32) -> (i32, i32) {
    %c0_i32 = arith.constant 0 : i32
    %c0_i32_0 = arith.constant 0 : i32
    %c0_i32_1 = arith.constant 0 : i32
    return %c0_i32, %c0_i32_0 : i32, i32
  }
  func.func @transform_7(%arg0: i32) -> (i32, i32) {
    %c0_i32 = arith.constant 0 : i32
    %c0_i32_0 = arith.constant 0 : i32
    %c0_i32_1 = arith.constant 0 : i32
    return %c0_i32, %c0_i32_0 : i32, i32
  }
  func.func @transform_8(%arg0: i32) -> (i32, i32) {
    %c0_i32 = arith.constant 0 : i32
    %c0_i32_0 = arith.constant 0 : i32
    %c0_i32_1 = arith.constant 0 : i32
    return %c0_i32, %c0_i32_0 : i32, i32
  }
  func.func @transform_9(%arg0: i32) -> (i32, i32) {
    %c0_i32 = arith.constant 0 : i32
    %c0_i32_0 = arith.constant 0 : i32
    %c0_i32_1 = arith.constant 0 : i32
    return %c0_i32, %c0_i32_0 : i32, i32
  }
  func.func @transform_10(%arg0: i32) -> (i32, i32) {
    %c0_i32 = arith.constant 0 : i32
    %c0_i32_0 = arith.constant 0 : i32
    %c0_i32_1 = arith.constant 0 : i32
    return %c0_i32, %c0_i32_0 : i32, i32
  }
  func.func @transform_11(%arg0: i32) -> (i32, i32) {
    %c0_i32 = arith.constant 0 : i32
    %c0_i32_0 = arith.constant 0 : i32
    return %arg0, %c0_i32 : i32, i32
  }
  func.func @transform_12(%arg0: i32) -> (i32, i32) {
    %c0_i32 = arith.constant 0 : i32
    %c0_i32_0 = arith.constant 0 : i32
    return %arg0, %c0_i32 : i32, i32
  }
}

module attributes {stable_mosaic.version = 14 : i64} {
  func.func @body(%arg0: i32, %arg1: memref<1000x384xf32, #tpu.memory_space<vmem>>, %arg2: memref<8x256xf32, #tpu.memory_space<vmem>>, %arg3: memref<1x256xf32, #tpu.memory_space<vmem>>, %arg4: memref<1x256xf32, #tpu.memory_space<vmem>>, %arg5: memref<1x256xf32, #tpu.memory_space<vmem>>, %arg6: memref<256x512xf32, #tpu.memory_space<vmem>>, %arg7: memref<1x512xf32, #tpu.memory_space<vmem>>, %arg8: memref<512x256xf32, #tpu.memory_space<vmem>>, %arg9: memref<1x256xf32, #tpu.memory_space<vmem>>, %arg10: memref<1x256xf32, #tpu.memory_space<vmem>>, %arg11: memref<1x256xf32, #tpu.memory_space<vmem>>, %arg12: memref<1000x256xf32, #tpu.memory_space<vmem>>, %arg13: memref<1000x256xf32, #tpu.memory_space<vmem>>) attributes {dimension_semantics = [#tpu.dimension_semantics<arbitrary>], iteration_bounds = array<i64: 10>, scalar_prefetch = 0 : i64, scratch_operands = 0 : i64, tpu.core_type = #tpu.core_type<tc>, window_params = [{transform_indices = @transform_0, window_bounds = array<i64: 1000, 384>}, {pipeline_mode = #tpu.pipeline_mode<synchronous>, transform_indices = @transform_1, window_bounds = array<i64: 8, 256>}, {pipeline_mode = #tpu.pipeline_mode<synchronous>, transform_indices = @transform_2, window_bounds = array<i64: 1, 256>}, {pipeline_mode = #tpu.pipeline_mode<synchronous>, transform_indices = @transform_3, window_bounds = array<i64: 1, 256>}, {pipeline_mode = #tpu.pipeline_mode<synchronous>, transform_indices = @transform_4, window_bounds = array<i64: 1, 256>}, {pipeline_mode = #tpu.pipeline_mode<synchronous>, transform_indices = @transform_5, window_bounds = array<i64: 256, 512>}, {pipeline_mode = #tpu.pipeline_mode<synchronous>, transform_indices = @transform_6, window_bounds = array<i64: 1, 512>}, {pipeline_mode = #tpu.pipeline_mode<synchronous>, transform_indices = @transform_7, window_bounds = array<i64: 512, 256>}, {pipeline_mode = #tpu.pipeline_mode<synchronous>, transform_indices = @transform_8, window_bounds = array<i64: 1, 256>}, {pipeline_mode = #tpu.pipeline_mode<synchronous>, transform_indices = @transform_9, window_bounds = array<i64: 1, 256>}, {pipeline_mode = #tpu.pipeline_mode<synchronous>, transform_indices = @transform_10, window_bounds = array<i64: 1, 256>}, {transform_indices = @transform_11, window_bounds = array<i64: 1000, 256>}, {transform_indices = @transform_12, window_bounds = array<i64: 1000, 256>}]} {
    %get3A = arith.constant 0 : index
    %get3A_0 = arith.constant 0 : index
    %get3A_1 = vector.load %arg1[%get3A, %get3A_0] : memref<1000x384xf32, #tpu.memory_space<vmem>>, vector<1000x256xf32>
    %get3A_2 = arith.constant 0 : index
    %get3A_3 = arith.constant 256 : index
    %get3A_4 = vector.load %arg1[%get3A_2, %get3A_3] : memref<1000x384xf32, #tpu.memory_space<vmem>>, vector<1000x8xf32>
    %add3A = arith.constant 1.000000e-16 : f32
    %add3A_5 = vector.broadcast %add3A : f32 to vector<1000x8xf32>
    %add3A_6 = arith.addf %get3A_4, %add3A_5 : vector<1000x8xf32>
    %div3A = arith.constant 1.000000e+00 : f32
    %div3A_7 = vector.broadcast %div3A : f32 to vector<1000x8xf32>
    %div3A_8 = arith.divf %div3A_7, %add3A_6 : vector<1000x8xf32>
    %get3A_9 = arith.constant 0 : index
    %get3A_10 = arith.constant 0 : index
    %get3A_11 = vector.load %arg2[%get3A_9, %get3A_10] : memref<8x256xf32, #tpu.memory_space<vmem>>, vector<8x256xf32>
    %dot_general3A = arith.constant dense<0.000000e+00> : vector<1000x256xf32>
    %dot_general3A_12 = tpu.matmul %div3A_8, %get3A_11, %dot_general3A {dimension_numbers = #tpu.dot_dimension_numbers<[1], [0], [0], [1], [0, 0, 1, 1], [], []>, precision = #tpu.contract_precision<fp32>, transpose_lhs_hint = false} : vector<1000x8xf32>, vector<8x256xf32>, vector<1000x256xf32> -> vector<1000x256xf32>
    %mul3A = arith.mulf %get3A_1, %dot_general3A_12 : vector<1000x256xf32>
    %get3A_13 = arith.constant 0 : index
    %get3A_14 = arith.constant 0 : index
    %get3A_15 = vector.load %arg3[%get3A_13, %get3A_14] : memref<1x256xf32, #tpu.memory_space<vmem>>, vector<1x256xf32>
    %add3A_16 = vector.broadcast %get3A_15 : vector<1x256xf32> to vector<1000x256xf32>
    %add3A_17 = arith.addf %mul3A, %add3A_16 : vector<1000x256xf32>
    %get3A_18 = arith.constant 0 : index
    %get3A_19 = arith.constant 0 : index
    %get3A_20 = vector.load %arg12[%get3A_18, %get3A_19] : memref<1000x256xf32, #tpu.memory_space<vmem>>, vector<1000x256xf32>
    %add3A_21 = arith.addf %add3A_17, %get3A_20 : vector<1000x256xf32>
    %reduce_sum3A = arith.constant dense<0.000000e+00> : vector<1000xf32>
    %reduce_sum3A_22 = vector.multi_reduction <add>, %add3A_21, %reduce_sum3A [1] : vector<1000x256xf32> to vector<1000xf32>
    %broadcast_in_dim3A = vector.shape_cast %reduce_sum3A_22 : vector<1000xf32> to vector<1000x1xf32>
    %div3A_23 = arith.constant 2.560000e+02 : f32
    %div3A_24 = vector.broadcast %div3A_23 : f32 to vector<1000x1xf32>
    %div3A_25 = arith.divf %broadcast_in_dim3A, %div3A_24 : vector<1000x1xf32>
    %sub3A = vector.broadcast %div3A_25 : vector<1000x1xf32> to vector<1000x256xf32>
    %sub3A_26 = arith.subf %add3A_21, %sub3A : vector<1000x256xf32>
    %mul3A_27 = arith.mulf %sub3A_26, %sub3A_26 : vector<1000x256xf32>
    %reduce_sum3A_28 = arith.constant dense<0.000000e+00> : vector<1000xf32>
    %reduce_sum3A_29 = vector.multi_reduction <add>, %mul3A_27, %reduce_sum3A_28 [1] : vector<1000x256xf32> to vector<1000xf32>
    %broadcast_in_dim3A_30 = vector.shape_cast %reduce_sum3A_29 : vector<1000xf32> to vector<1000x1xf32>
    %div3A_31 = arith.constant 2.560000e+02 : f32
    %div3A_32 = vector.broadcast %div3A_31 : f32 to vector<1000x1xf32>
    %div3A_33 = arith.divf %broadcast_in_dim3A_30, %div3A_32 : vector<1000x1xf32>
    %add3A_34 = arith.constant 9.99999974E-6 : f32
    %add3A_35 = vector.broadcast %add3A_34 : f32 to vector<1000x1xf32>
    %add3A_36 = arith.addf %div3A_33, %add3A_35 : vector<1000x1xf32>
    %rsqrt3A = math.rsqrt %add3A_36 : vector<1000x1xf32>
    %mul3A_37 = vector.broadcast %rsqrt3A : vector<1000x1xf32> to vector<1000x256xf32>
    %mul3A_38 = arith.mulf %sub3A_26, %mul3A_37 : vector<1000x256xf32>
    %get3A_39 = arith.constant 0 : index
    %get3A_40 = arith.constant 0 : index
    %get3A_41 = vector.load %arg4[%get3A_39, %get3A_40] : memref<1x256xf32, #tpu.memory_space<vmem>>, vector<1x256xf32>
    %mul3A_42 = vector.broadcast %get3A_41 : vector<1x256xf32> to vector<1000x256xf32>
    %mul3A_43 = arith.mulf %mul3A_38, %mul3A_42 : vector<1000x256xf32>
    %get3A_44 = arith.constant 0 : index
    %get3A_45 = arith.constant 0 : index
    %get3A_46 = vector.load %arg5[%get3A_44, %get3A_45] : memref<1x256xf32, #tpu.memory_space<vmem>>, vector<1x256xf32>
    %add3A_47 = vector.broadcast %get3A_46 : vector<1x256xf32> to vector<1000x256xf32>
    %add3A_48 = arith.addf %mul3A_43, %add3A_47 : vector<1000x256xf32>
    %get3A_49 = arith.constant 0 : index
    %get3A_50 = arith.constant 0 : index
    %get3A_51 = vector.load %arg6[%get3A_49, %get3A_50] : memref<256x512xf32, #tpu.memory_space<vmem>>, vector<256x512xf32>
    %dot_general3A_52 = arith.constant dense<0.000000e+00> : vector<1000x512xf32>
    %dot_general3A_53 = tpu.matmul %add3A_48, %get3A_51, %dot_general3A_52 {dimension_numbers = #tpu.dot_dimension_numbers<[1], [0], [0], [1], [0, 0, 1, 1], [], []>, precision = #tpu.contract_precision<fp32>, transpose_lhs_hint = false} : vector<1000x256xf32>, vector<256x512xf32>, vector<1000x512xf32> -> vector<1000x512xf32>
    %get3A_54 = arith.constant 0 : index
    %get3A_55 = arith.constant 0 : index
    %get3A_56 = vector.load %arg7[%get3A_54, %get3A_55] : memref<1x512xf32, #tpu.memory_space<vmem>>, vector<1x512xf32>
    %add3A_57 = vector.broadcast %get3A_56 : vector<1x512xf32> to vector<1000x512xf32>
    %add3A_58 = arith.addf %dot_general3A_53, %add3A_57 : vector<1000x512xf32>
    %max3A = arith.constant 0.000000e+00 : f32
    %max3A_59 = vector.broadcast %max3A : f32 to vector<1000x512xf32>
    %max3A_60 = arith.maximumf %add3A_58, %max3A_59 : vector<1000x512xf32>
    %get3A_61 = arith.constant 0 : index
    %get3A_62 = arith.constant 0 : index
    %get3A_63 = vector.load %arg8[%get3A_61, %get3A_62] : memref<512x256xf32, #tpu.memory_space<vmem>>, vector<512x256xf32>
    %dot_general3A_64 = arith.constant dense<0.000000e+00> : vector<1000x256xf32>
    %dot_general3A_65 = tpu.matmul %max3A_60, %get3A_63, %dot_general3A_64 {dimension_numbers = #tpu.dot_dimension_numbers<[1], [0], [0], [1], [0, 0, 1, 1], [], []>, precision = #tpu.contract_precision<fp32>, transpose_lhs_hint = false} : vector<1000x512xf32>, vector<512x256xf32>, vector<1000x256xf32> -> vector<1000x256xf32>
    %get3A_66 = arith.constant 0 : index
    %get3A_67 = arith.constant 0 : index
    %get3A_68 = vector.load %arg9[%get3A_66, %get3A_67] : memref<1x256xf32, #tpu.memory_space<vmem>>, vector<1x256xf32>
    %add3A_69 = vector.broadcast %get3A_68 : vector<1x256xf32> to vector<1000x256xf32>
    %add3A_70 = arith.addf %dot_general3A_65, %add3A_69 : vector<1000x256xf32>
    %add3A_71 = arith.addf %add3A_48, %add3A_70 : vector<1000x256xf32>
    %reduce_sum3A_72 = arith.constant dense<0.000000e+00> : vector<1000xf32>
    %reduce_sum3A_73 = vector.multi_reduction <add>, %add3A_71, %reduce_sum3A_72 [1] : vector<1000x256xf32> to vector<1000xf32>
    %broadcast_in_dim3A_74 = vector.shape_cast %reduce_sum3A_73 : vector<1000xf32> to vector<1000x1xf32>
    %div3A_75 = arith.constant 2.560000e+02 : f32
    %div3A_76 = vector.broadcast %div3A_75 : f32 to vector<1000x1xf32>
    %div3A_77 = arith.divf %broadcast_in_dim3A_74, %div3A_76 : vector<1000x1xf32>
    %sub3A_78 = vector.broadcast %div3A_77 : vector<1000x1xf32> to vector<1000x256xf32>
    %sub3A_79 = arith.subf %add3A_71, %sub3A_78 : vector<1000x256xf32>
    %mul3A_80 = arith.mulf %sub3A_79, %sub3A_79 : vector<1000x256xf32>
    %reduce_sum3A_81 = arith.constant dense<0.000000e+00> : vector<1000xf32>
    %reduce_sum3A_82 = vector.multi_reduction <add>, %mul3A_80, %reduce_sum3A_81 [1] : vector<1000x256xf32> to vector<1000xf32>
    %broadcast_in_dim3A_83 = vector.shape_cast %reduce_sum3A_82 : vector<1000xf32> to vector<1000x1xf32>
    %div3A_84 = arith.constant 2.560000e+02 : f32
    %div3A_85 = vector.broadcast %div3A_84 : f32 to vector<1000x1xf32>
    %div3A_86 = arith.divf %broadcast_in_dim3A_83, %div3A_85 : vector<1000x1xf32>
    %add3A_87 = arith.constant 9.99999974E-6 : f32
    %add3A_88 = vector.broadcast %add3A_87 : f32 to vector<1000x1xf32>
    %add3A_89 = arith.addf %div3A_86, %add3A_88 : vector<1000x1xf32>
    %rsqrt3A_90 = math.rsqrt %add3A_89 : vector<1000x1xf32>
    %mul3A_91 = vector.broadcast %rsqrt3A_90 : vector<1000x1xf32> to vector<1000x256xf32>
    %mul3A_92 = arith.mulf %sub3A_79, %mul3A_91 : vector<1000x256xf32>
    %get3A_93 = arith.constant 0 : index
    %get3A_94 = arith.constant 0 : index
    %get3A_95 = vector.load %arg10[%get3A_93, %get3A_94] : memref<1x256xf32, #tpu.memory_space<vmem>>, vector<1x256xf32>
    %mul3A_96 = vector.broadcast %get3A_95 : vector<1x256xf32> to vector<1000x256xf32>
    %mul3A_97 = arith.mulf %mul3A_92, %mul3A_96 : vector<1000x256xf32>
    %get3A_98 = arith.constant 0 : index
    %get3A_99 = arith.constant 0 : index
    %get3A_100 = vector.load %arg11[%get3A_98, %get3A_99] : memref<1x256xf32, #tpu.memory_space<vmem>>, vector<1x256xf32>
    %add3A_101 = vector.broadcast %get3A_100 : vector<1x256xf32> to vector<1000x256xf32>
    %add3A_102 = arith.addf %mul3A_97, %add3A_101 : vector<1000x256xf32>
    %swap3A = arith.constant 0 : index
    %swap3A_103 = arith.constant 0 : index
    %swap3A_104 = vector.load %arg13[%swap3A, %swap3A_103] : memref<1000x256xf32, #tpu.memory_space<vmem>>, vector<1000x256xf32>
    tpu.vector_store %arg13[%swap3A, %swap3A_103], %add3A_102 {strides = array<i32>} : memref<1000x256xf32, #tpu.memory_space<vmem>>, vector<1000x256xf32>,
    return
  }
  func.func @transform_0(%arg0: i32) -> (i32, i32) {
    %c0_i32 = arith.constant 0 : i32
    %c0_i32_0 = arith.constant 0 : i32
    return %arg0, %c0_i32 : i32, i32
  }
  func.func @transform_1(%arg0: i32) -> (i32, i32) {
    %c0_i32 = arith.constant 0 : i32
    %c0_i32_0 = arith.constant 0 : i32
    %c0_i32_1 = arith.constant 0 : i32
    return %c0_i32, %c0_i32_0 : i32, i32
  }
  func.func @transform_2(%arg0: i32) -> (i32, i32) {
    %c0_i32 = arith.constant 0 : i32
    %c0_i32_0 = arith.constant 0 : i32
    %c0_i32_1 = arith.constant 0 : i32
    return %c0_i32, %c0_i32_0 : i32, i32
  }
  func.func @transform_3(%arg0: i32) -> (i32, i32) {
    %c0_i32 = arith.constant 0 : i32
    %c0_i32_0 = arith.constant 0 : i32
    %c0_i32_1 = arith.constant 0 : i32
    return %c0_i32, %c0_i32_0 : i32, i32
  }
  func.func @transform_4(%arg0: i32) -> (i32, i32) {
    %c0_i32 = arith.constant 0 : i32
    %c0_i32_0 = arith.constant 0 : i32
    %c0_i32_1 = arith.constant 0 : i32
    return %c0_i32, %c0_i32_0 : i32, i32
  }
  func.func @transform_5(%arg0: i32) -> (i32, i32) {
    %c0_i32 = arith.constant 0 : i32
    %c0_i32_0 = arith.constant 0 : i32
    %c0_i32_1 = arith.constant 0 : i32
    return %c0_i32, %c0_i32_0 : i32, i32
  }
  func.func @transform_6(%arg0: i32) -> (i32, i32) {
    %c0_i32 = arith.constant 0 : i32
    %c0_i32_0 = arith.constant 0 : i32
    %c0_i32_1 = arith.constant 0 : i32
    return %c0_i32, %c0_i32_0 : i32, i32
  }
  func.func @transform_7(%arg0: i32) -> (i32, i32) {
    %c0_i32 = arith.constant 0 : i32
    %c0_i32_0 = arith.constant 0 : i32
    %c0_i32_1 = arith.constant 0 : i32
    return %c0_i32, %c0_i32_0 : i32, i32
  }
  func.func @transform_8(%arg0: i32) -> (i32, i32) {
    %c0_i32 = arith.constant 0 : i32
    %c0_i32_0 = arith.constant 0 : i32
    %c0_i32_1 = arith.constant 0 : i32
    return %c0_i32, %c0_i32_0 : i32, i32
  }
  func.func @transform_9(%arg0: i32) -> (i32, i32) {
    %c0_i32 = arith.constant 0 : i32
    %c0_i32_0 = arith.constant 0 : i32
    %c0_i32_1 = arith.constant 0 : i32
    return %c0_i32, %c0_i32_0 : i32, i32
  }
  func.func @transform_10(%arg0: i32) -> (i32, i32) {
    %c0_i32 = arith.constant 0 : i32
    %c0_i32_0 = arith.constant 0 : i32
    %c0_i32_1 = arith.constant 0 : i32
    return %c0_i32, %c0_i32_0 : i32, i32
  }
  func.func @transform_11(%arg0: i32) -> (i32, i32) {
    %c0_i32 = arith.constant 0 : i32
    %c0_i32_0 = arith.constant 0 : i32
    return %arg0, %c0_i32 : i32, i32
  }
  func.func @transform_12(%arg0: i32) -> (i32, i32) {
    %c0_i32 = arith.constant 0 : i32
    %c0_i32_0 = arith.constant 0 : i32
    return %arg0, %c0_i32 : i32, i32
  }
}

</mosaic_0001>

<sc_bundles>
// kernel: kernel.14.cloned.1.call-start
scs
__scs_entry_jumppad:
0x0: {  	(pc) =	sbr.rel $0x88, $3  }
0x1: {  	(tag) =	ssettag $0x0;
	lr =	simm.s32 $0x1  }
0x2: {  	[smem:$0x3F7B] =	sst lr;
	_ =	strace $0xD0000000  }
0x3: {  	_ = 	snop  }
0x4: {  	_ = 	snop  }
0x5: {  	_ = 	snop  }
0x6: {  	_ = 	snop  }
0x7: {  	_ = 	snop  }
__scs_overlays_trampoline_lowered:
0x8: {  	[smem:$0x3F8A] =	sst s0  }
0x9: {  	[smem:$0x3F8B] =	sst s1  }
0xa: {  	[smem:$0x3F8C] =	sst s2  }
0xb: {  	[smem:$0x3F8D] =	sst s3  }
0xc: {  	[smem:$0x3F8E] =	sst s4  }
0xd: {  	[smem:$0x3F8F] =	sst s5  }
0xe: {  	[smem:$0x3F90] =	sst s6  }
0xf: {  	[smem:$0x3F91] =	sst s7  }
0x10: {  	[smem:$0x3F92] =	sst s8  }
0x11: {  	[smem:$0x3F93] =	sst s9;
	s0 =	simm.s32 @!p0 $0x0  }
0x12: {  	s1 =	sld [smem:$0x3F79];
	s0 =	simm.s32 @p0 $0x1  }
0x13: {  	[smem:$0x3F94] =	sst s0;
	s0 =	simm.s32 @!p1 $0x0  }
0x14: {  	s2 =	sld [smem:$0x3F78];
	s0 =	simm.s32 @p1 $0x1  }
0x15: {  	[smem:$0x3F95] =	sst s0;
	s0 =	simm.s32 @!p2 $0x0  }
0x16: {  	s3 =	sld [smem:$0x3FDB];
	s0 =	simm.s32 @p2 $0x1  }
0x17: {  	s4 =	simm.s32 $0x1BF5;
	[smem:$0x3F97] =	sst s0  }
0x18: {  	s0 =	sld [smem:$0x3F7A];
	_ =	swait.ge [sflag:s4], $0x0  }
0x19: {  	s7 =	sld [smem:$0x3F7B]  }
0x1a: {  	s8 =	sadd.s32 $0xFFFFE003, lr  }
0x1b: {  	s9 =	sadd.s32 $0xFFFFFEF7, lr;
	s5 =	simm.s32 $0xFFFFFFFF;
	p2 =	slt.u32 s8, $0xFFFFF086  }
0x1c: {  	p1 =	slt.u32 s9, $0xF7A;
	s5 =	simm.s32 @!p2 $0x0  }
0x1d: {  	s5 =	simm.s32 @p1 $0x1;
	p0 =	seq.s32 s7, s2  }
0x1e: {  	s7 =	smul.u32 @!p0 $0xF7A, s2;
	p2 =	seq.s32 @!p0 s5, $0x0  }
0x1f: {  	s9 =	smul.u32 $0xF7A, s1;
	s8 =	simm.s32 @!p0 $0x1BF5;
	p2 =	por !p2, p0  }
0x20: {  	[sflag:s8] =	ssyncset.s32 @!p0 $0xFFFFF086;
	s6 =	sadd.s32 @!p0 s3, s7;
	s7 =	simm.s32 @!p0 $0x108  }
0x21: {  	s3 =	sadd.s32 s3, s9;
	s6 =	sadd.s32 @!p0 $0x88, s6;
	s7 =	simm.s32 @p2 $0x1082  }
0x22: {  	[simem:s7], [sflag:s8] =	dma.local @!p0 [hbm:s6], $0xF7A  }
0x23: {  	s9 =	sor.u32 $0xD0000000, s2;
	s6 =	simm.s32 $0x108;
	_ =	swait.ge @!p0 [sflag:s8], $0x0  }
0x24: {  	s3 =	sadd.s32 $0x88, s3;
	s6 =	simm.s32 @!p1 $0x1082;
	[sflag:s4] =	ssyncset.s32 $0xFFFFF086  }
0x25: {  	[simem:s6], [sflag:s4] =	dma.local [hbm:s3], $0xF7A  }
0x26: {  	[smem:$0x3F7B] =	sst s1;
	(tag) =	ssettag s2;
	_ =	strace s9  }
0x27: {  	s1 =	sld [smem:$0x3F8B]  }
0x28: {  	s2 =	sld [smem:$0x3F8C]  }
0x29: {  	s4 =	sld [smem:$0x3F8E]  }
0x2a: {  	p0 =	seq.s32 s5, $0x0;
	s5 =	sld [smem:$0x3F8F]  }
0x2b: {  	s6 =	sld [smem:$0x3F90]  }
0x2c: {  	s7 =	sld [smem:$0x3F91]  }
0x2d: {  	s3 =	simm.s32 $0x108;
	s8 =	sld [smem:$0x3F92]  }
0x2e: {  	s3 =	simm.s32 @!p0 $0x1082;
	s9 =	sld [smem:$0x3F93]  }
0x2f: {  	lr =	sadd.s32 s0, s3;
	s0 =	sld [smem:$0x3F8A]  }
0x30: {  	s3 =	sld [smem:$0x3F8D]  }
0x31: {  	[smem:$0x3F96] =	sst s10  }
0x32: {  	s10 =	sld [smem:$0x3F94];
	_ =	sdelay $0x3  }
0x33: {  	p0 =	seq.s32 s10, $0x1;
	s10 =	sld [smem:$0x3F96];
	_ =	sdelay $0x3  }
0x34: {  	[smem:$0x3F96] =	sst s10  }
0x35: {  	s10 =	sld [smem:$0x3F95];
	_ =	sdelay $0x3  }
0x36: {  	p1 =	seq.s32 s10, $0x1;
	s10 =	sld [smem:$0x3F96];
	_ =	sdelay $0x3  }
0x37: {  	[smem:$0x3F96] =	sst s10  }
0x38: {  	s10 =	sld [smem:$0x3F97]  }
0x39: {  	_ = 	snop;
	(pc) =	sbr.ind lr, $3  }
0x3a: {  	_ = 	snop  }
0x3b: {  	_ = 	snop  }
0x3c: {  	p2 =	seq.s32 s10, $0x1;
	s10 =	sld [smem:$0x3F96]  }
0x3d: {  	_ =	shalt  }
0x3e: {  	_ =	shalt  }
0x3f: {  	_ =	shalt  }
0x40: {  	_ =	shalt  }
0x41: {  	_ =	shalt  }
0x42: {  	_ =	shalt  }
0x43: {  	_ =	shalt  }
0x44: {  	_ =	shalt  }
0x45: {  	_ =	shalt  }
0x46: {  	_ =	shalt  }
0x47: {  	_ =	shalt  }
0x48: {  	_ =	shalt  }
0x49: {  	_ =	shalt  }
0x4a: {  	_ =	shalt  }
0x4b: {  	_ =	shalt  }
0x4c: {  	_ =	shalt  }
0x4d: {  	_ =	shalt  }
0x4e: {  	_ =	shalt  }
0x4f: {  	_ =	shalt  }
0x50: {  	_ =	shalt  }
0x51: {  	_ =	shalt  }
0x52: {  	_ =	shalt  }
0x53: {  	_ =	shalt  }
0x54: {  	_ =	shalt  }
0x55: {  	_ =	shalt  }
0x56: {  	_ =	shalt  }
0x57: {  	_ =	shalt  }
0x58: {  	_ =	shalt  }
0x59: {  	_ =	shalt  }
0x5a: {  	_ =	shalt  }
0x5b: {  	_ =	shalt  }
0x5c: {  	_ =	shalt  }
0x5d: {  	_ =	shalt  }
0x5e: {  	_ =	shalt  }
0x5f: {  	_ =	shalt  }
0x60: {  	_ =	shalt  }
0x61: {  	_ =	shalt  }
0x62: {  	_ =	shalt  }
0x63: {  	_ =	shalt  }
0x64: {  	_ =	shalt  }
0x65: {  	_ =	shalt  }
0x66: {  	_ =	shalt  }
0x67: {  	_ =	shalt  }
0x68: {  	_ =	shalt  }
0x69: {  	_ =	shalt  }
0x6a: {  	_ =	shalt  }
0x6b: {  	_ =	shalt  }
0x6c: {  	_ =	shalt  }
0x6d: {  	_ =	shalt  }
0x6e: {  	_ =	shalt  }
0x6f: {  	_ =	shalt  }
0x70: {  	_ =	shalt  }
0x71: {  	_ =	shalt  }
0x72: {  	_ =	shalt  }
0x73: {  	_ =	shalt  }
0x74: {  	_ =	shalt  }
0x75: {  	_ =	shalt  }
0x76: {  	_ =	shalt  }
0x77: {  	_ =	shalt  }
0x78: {  	_ =	shalt  }
0x79: {  	_ =	shalt  }
0x7a: {  	_ =	shalt  }
0x7b: {  	_ =	shalt  }
0x7c: {  	_ =	shalt  }
0x7d: {  	_ =	shalt  }
0x7e: {  	_ =	shalt  }
0x7f: {  	_ =	shalt  }
0x80: {  	_ =	shalt  }
0x81: {  	_ =	shalt  }
0x82: {  	_ =	shalt  }
0x83: {  	_ =	shalt  }
0x84: {  	_ =	shalt  }
0x85: {  	_ =	shalt  }
0x86: {  	_ =	shalt  }
0x87: {  	_ =	shalt  }
.Lfunc_end0:
.L_simem_size_0:
called_computation_lowered:
.L_overlay_start_0:
0x88: {  	s2 =	sld [smem:$0x3FD9]  }
0x89: {  	s3 =	sld [smem:$0x3FFE];
	_ =	sdelay $0x1  }
0x8a: {  	s1 =	srdreg.scid  }
0x8b: {  	s0 =	sand.u32 $0x1, s1  }
0x8c: {  	s17 =	sshll.u32 s0, $0xA;
	s2 =	sadd.s32 s3, s2  }
0x8d: {  	s2 =	sadd.s32 s2, s17  }
0x8e: {  	[smem:$0x3FA2] =	sst s2  }
0x8f: {  	_ = 	snop  }
0x90: {  	s2 =	sld [smem:$0x3FD0];
	(tm) =	ssettm $0x1  }
0x91: {  	s18 =	sld [smem:$0x3FFB];
	_ =	sdelay $0x3  }
0x92: {  	_ =	strace s18  }
0x93: {  	s3 =	sld [smem:$0x3FFC];
	_ =	sdelay $0x3  }
0x94: {  	_ =	strace s3  }
0x95: {  	s3 =	sld [smem:$0x3FFD];
	_ =	sdelay $0x3  }
0x96: {  	_ =	strace s3  }
0x97: {  	_ =	strace $0x8FFFFFFF  }
0x98: {  	s19 =	sld [smem:$0x3FDB];
	_ =	sdelay $0x1  }
0x99: {  	s4 =	simm.s32 $_scs_section_size  }
0x9a: {  	s5 =	simm.s32 $_size__tile_overlayer_lowered;
	s6 =	simm.s32 $_tile_overlayer_lowered  }
0x9b: {  	s22 =	simm.s32 $0x1BFF;
	s21 =	sshll.u32 s6, $0x1;
	s3 =	sadd.s32 s4, s19  }
0x9c: {  	s7 =	simm.s32 $0x0;
	s20 =	sshll.u32 s5, $0x1;
	s5 =	sadd.s32 s21, s3  }
0x9d: {  	[timem:s7], [sflag:s22] =	dma.local [hbm:s5], s20  }
0x9e: {  	_ =	swait.ge [sflag:s22], s20  }
0x9f: {  	s4 =	ssub.s32 $0x0, s20;
	[sflag:s22] =	ssyncset.done $0x0  }
0xa0: {  	[sflag:s22] =	ssyncadd.s32 s4;
	_ =	sdelay $0x1  }
0xa1: {  	s23 =	simm.s32 $0x1B8B  }
0xa2: {  	_ =	swait.ge [sflag:s23], $0x1  }
0xa3: {  	[sflag:s23] =	ssyncset.done $0x0  }
0xa4: {  	s25 =	simm.s32 $0x1B8E;
	s24 =	sld [smem:$0x3FFE];
	[sflag:s23] =	ssyncadd.s32 $0xFFFFFFFF  }
0xa5: {  	s26 =	simm.s32 $execute0_lowered;
	[smem:$0x3FD2] =	sst s25  }
0xa6: {  	s5 =	sshll.u32 s26, $0x1;
	_ =	strace $0x80000046;
	[dreg:$0x1] =	wrdreg $0xFFFFFFFF  }
0xa7: {  	s28 =	simm.s32 $_size_execute0_lowered;
	s3 =	sadd.s32 s3, s5;
	[dreg:$0x0] =	wrdreg $0x0  }
0xa8: {  	s5 =	sshll.u32 s28, $0x1;
	[dreg:$0x2] =	wrdreg s3  }
0xa9: {  	[dreg:$0x3] =	wrdreg s5  }
0xaa: {  	[dreg:$0x4] =	wrdreg $0xC0  }
0xab: {  	_ =	task [dreg:s7], $0x5FFFF  }
0xac: {  	[dreg:$0x1] =	wrdreg $0xFFFFFFFF  }
0xad: {  	[dreg:$0x0] =	wrdreg $0x60  }
0xae: {  	[dreg:$0x2] =	wrdreg s24  }
0xaf: {  	[dreg:$0x3] =	wrdreg s2  }
0xb0: {  	[dreg:$0x4] =	wrdreg $0x9  }
0xb1: {  	_ =	task.clear_ibuf [dreg:s7], $0x5FFFF;
	_ =	strace $0x90000046  }
0xb2: {  	s29 =	simm.s32 $0x9;
	_ =	strace $0x80000048  }
0xb3: {  	_ =	swait.ge [sflag:s29], $0x1  }
0xb4: {  	[sflag:s29] =	ssyncadd.s32 $0xFFFFFFFF  }
0xb5: {  	_ =	strace $0x90000048  }
0xb6: {  	_ =	sfence  }
0xb7: {  	s30 =	sld [smem:$0x0];
	_ =	sdelay $0x2  }
0xb8: {  	s31 =	sshll.u32 s1, $0xD;
	s1 =	sshrl.u32 s1, $0x2  }
0xb9: {  	s3 =	sand.u32 $0x4000, s31;
	s1 =	sadd.s32 s1, s30  }
0xba: {  	s0 =	sor.u32 s3, s0;
	s1 =	sshll.u32 s1, $0x11  }
0xbb: {  	s0 =	sor.u32 s1, s0  }
0xbc: {  	s0 =	sadd.s32 $0x8F2B, s0  }
0xbd: {  	[sflag:s0] =	ssyncadd.remote.s32 $0x1  }
0xbe: {  	_ =	sfence.sel $0xFFFF  }
0xbf: {  	[dreg:$0x0] =	wrdreg $0xFFFFFFFF;
	(pc) =	sbr.abs _section_cstart, $3  }
0xc0: {  	[dreg:$0x1] =	wrdreg $0xFFFFFFFF  }
0xc1: {  	_ =	task.clear_ibuf [dreg:s7], $0x2FFFF;
	_ =	strace $0x9FFFFFFF  }
0xc2: {  	(tm) =	ssettm $0x7FFFFFFF  }
0xc3: {  	_ =	shalt  }
tec
execute0_lowered:
.L_overlay_start_1:
0x0: {  	(tag) =	ssettag $0x1  }
0x1: {  	s8 =	rddreg [dreg:$0x0]  }
0x2: {  	s1 =	rddreg [dreg:$0x1];
	s2 =	simm.s32 $0x0;
	s4 =	srdreg.scid  }
0x3: {  	s12 =	simm.s32 $0x80;
	s13 =	simm.s32 $0x28;
	s14 =	simm.s32 $0x1  }
0x4: {  	s15 =	simm.s32 $0x2900;
	s16 =	simm.s32 $0x3100;
	s17 =	simm.s32 $0x3900  }
0x5: {  	s18 =	simm.s32 $0x4100;
	s19 =	simm.s32 $0x4900;
	s20 =	simm.s32 $0x5100  }
0x6: {  	s21 =	simm.s32 $0x0;
	[smem:$0x7FF] =	sst s2;
	s3 =	sadd.s32 $0x14400, s8  }
0x7: {  	v3 =	vlaneseq.u32;
	v0 =	vimm.f32 $0.0e+00;
	vm0 =	vmmov $0xffff;
	s5 =	sadd.s32 $0xA600, s8;
	s6 =	sadd.s32 $0x28000, s8;
	s7 =	sand.u32 $0x1, s4  }
0x8: {  	v4 =	vimm.s32 $0x0;
	v5 =	vimm.s32 $0x1;
	v6 =	vimm.s32 $0x2;
	s4 =	stileid.u32;
	_ =	strace $0x80000047;
	s9 =	ssub.s32 $0x2, s7  }
0x9: {  	v7 =	vimm.s32 $0x3;
	v8 =	vimm.s32 $0x4;
	v9 =	vimm.s32 $0x5;
	s10 =	sshll.u32 s7, $0x4;
	s7 =	sadd.s32 $0x50000, s8;
	s11 =	sshrl.u32 s9, $0x1  }
0xa: {  	v10 =	vimm.s32 $0x6;
	v11 =	vimm.s32 $0x7;
	v2 =	vshrl.u32 v3, $0x3;
	s8 =	sadd.s32 $0x78000, s8;
	s10 =	sor.u32 s4, s10;
	s11 =	ssub.s32 s9, s11  }
0xb: {  	v1 =	vand.u32 $0x7, v3;
	v3 =	vor.u32 $0x8, v3;
	v2 =	vmul.u32 $0x8, v2;
	s9 =	smul.u32 $0x2710, s10;
	s10 =	smax.u32 s11, $0x1;
	s11 =	simm.s32 $0x2  }
.LBB2_1:
0xc: {  	s22 =	simm.s32 $0x0  }
0xd: {  	s22 =	smul.u32 $0x3000, s22;
	_ =	sdelay $0x1  }
0xe: {  	s23 =	sand.u32 $0x380, s2;
	s22 =	sshra.s32 s22, $0x2  }
0xf: {  	s22 =	sor.u32 s23, s22  }
0x10: {  	[tilespmem:s22+$0x5970] =	vst v0  }
0x11: {  	[tilespmem:s22+$0x5910] =	vst v0  }
0x12: {  	s25 =	simm.s32 $0x0;
	s24 =	simm.s32 $0x2;
	s23 =	simm.s32 $0x0;
	[tilespmem:s22+$0x5920] =	vst v0  }
.LBB2_2:
0x13: {  	p0 =	sne.s32 s24, $0x27;
	s25 =	smul.u32 $0x3000, s25;
	[tilespmem:s22+$0x5930] =	vst v0  }
0x14: {  	s23 =	sadd.s32 $0x80, s23;
	[tilespmem:s22+$0x5940] =	vst v0  }
.Ltmp0:
0x15: {  	s26 =	sand.u32 $0x380, s23;
	s25 =	sshra.s32 s25, $0x2;
	[tilespmem:s22+$0x5950] =	vst v0;
	(pc) =	sbr.rel @p0 .LBB2_2-.Ltmp0, $4  }
0x16: {  	[tilespmem:s22+$0x5960] =	vst v0;
	s22 =	sor.u32 s26, s25  }
0x17: {  	[tilespmem:s22+$0x5970] =	vst v0  }
0x18: {  	[tilespmem:s22+$0x5910] =	vst v0  }
0x19: {  	s25 =	sshrl.u32 s24, $0x3;
	s24 =	sadd.s32 $0x1, s24;
	[tilespmem:s22+$0x5920] =	vst v0  }
0x1a: {  	s24 =	smul.u32 $0x3000, s25;
	[tilespmem:s22+$0x5930] =	vst v0  }
0x1b: {  	[tilespmem:s22+$0x5940] =	vst v0;
	s23 =	sadd.s32 $0x80, s23  }
0x1c: {  	[tilespmem:s22+$0x5950] =	vst v0;
	s23 =	sand.u32 $0x380, s23;
	s24 =	sshra.s32 s24, $0x2  }
0x1d: {  	[tilespmem:s22+$0x5960] =	vst v0;
	s23 =	sor.u32 s23, s24  }
0x1e: {  	[tilespmem:s23+$0x5970] =	vst v0  }
0x1f: {  	[tilespmem:s23+$0x5910] =	vst v0  }
0x20: {  	[tilespmem:s23+$0x5920] =	vst v0  }
0x21: {  	[tilespmem:s23+$0x5930] =	vst v0  }
0x22: {  	[tilespmem:s23+$0x5940] =	vst v0  }
0x23: {  	[tilespmem:s23+$0x5950] =	vst v0  }
0x24: {  	s22 =	simm.s32 $0x0;
	[tilespmem:s23+$0x5960] =	vst v0;
	s23 =	simm.s32 $0x0  }
.LBB2_4:
0x25: {  	s24 =	smul.u32 $0x28, s23;
	_ =	sdelay $0x1  }
0x26: {  	s24 =	sadd.s32 s9, s24  }
0x27: {  	s24 =	sshrl.u32 s24, $0x3  }
0x28: {  	s25 =	sadd.s32 s3, s24  }
0x29: {  	[tilespmem:s22], [sflag:$0x2] =	stream.linear.gather [hbm4b:s25+s22], $0x28, $0x38;
	[tilespmem:$0x8D00] =	vst v63  }
0x2a: {  	_ =	swait.ge [sflag:s11], $0x28  }
0x2b: {  	[sflag:s11] =	ssyncset.done $0x0  }
0x2c: {  	s31 =	sadd.s32 s5, s24;
	[sflag:s11] =	ssyncadd.s32 $0xFFFFFFD8  }
0x2d: {  	[tilespmem:s12], [sflag:$0x2] =	stream.linear.gather [hbm4b:s31+s22], $0x28, $0x38;
	[tilespmem:$0x8D00] =	vst v63  }
0x2e: {  	_ =	swait.ge [sflag:s11], $0x28  }
0x2f: {  	[sflag:s11] =	ssyncset.done $0x0  }
0x30: {  	s25 =	simm.s32 $0x100;
	[sflag:s11] =	ssyncadd.s32 $0xFFFFFFD8  }
0x31: {  	[tilespmem:s25], [sflag:$0x1] =	stream.indirect.gather [hbm4b:s6+s13], $0x80, s22, s13, $0xb8;
	[tilespmem:$0x8D00] =	vst v63  }
0x32: {  	_ =	swait.ge [sflag:s14], $0x1400  }
0x33: {  	[sflag:s14] =	ssyncset.done $0x0  }
0x34: {  	s26 =	simm.s32 $0x1500;
	[sflag:s14] =	ssyncadd.s32 $0xFFFFEC00  }
0x35: {  	[tilespmem:s26], [sflag:$0x1] =	stream.indirect.gather [hbm4b:s7+s13], $0x80, s12, s13, $0xb8;
	[tilespmem:$0x8D00] =	vst v63  }
0x36: {  	_ =	swait.ge [sflag:s14], $0x1400  }
0x37: {  	[sflag:s14] =	ssyncset.done $0x0  }
0x38: {  	[sflag:s14] =	ssyncadd.s32 $0xFFFFEC00  }
0x39: {  	v12 =	vld [tilespmem:$0x0];
	_ =	sdelay $0x4  }
0x3a: {  	v13 =	vshll.u32 v12, $0x1  }
0x3b: {  	v12 =	vand.u32 $0x7, v12;
	v13 =	vand.u32 $0xFFFFFFF0, v13  }
0x3c: {  	v12 =	vor.u32 v12, v13  }
0x3d: {  	v13 =	vperm.xlane v12, v1;
	_ =	sdelay $0x1  }
0x3e: {  	v12 =	vperm.xlane v12, v3;
	v13 =	vadd.s32 v2, v13;
	_ =	sdelay $0x1  }
0x3f: {  	v12 =	vadd.s32 v2, v12;
	_ =	sdelay $0x2  }
0x40: {  	[tilespmem:s15], [sflag:$0x1] =	stream.indirect_vreg.gather [hbm4b:s1+s22], $0x80, v13, vm0, $0xb8;
	[tilespmem:$0x8D00] =	vst v63  }
0x41: {  	_ = 	snop  }
0x42: {  	[tilespmem:s16], [sflag:$0x1] =	stream.indirect_vreg.gather [hbm4b:s1+s22], $0x80, v12, vm0, $0xb8;
	[tilespmem:$0x8D00] =	vst v63  }
0x43: {  	v12 =	vld [tilespmem:$0x10];
	_ =	sdelay $0x4  }
0x44: {  	v13 =	vshll.u32 v12, $0x1  }
0x45: {  	v12 =	vand.u32 $0x7, v12;
	v13 =	vand.u32 $0xFFFFFFF0, v13  }
0x46: {  	v12 =	vor.u32 v12, v13  }
0x47: {  	v13 =	vperm.xlane v12, v1;
	_ =	sdelay $0x1  }
0x48: {  	v12 =	vperm.xlane v12, v3;
	v13 =	vadd.s32 v2, v13;
	_ =	sdelay $0x1  }
0x49: {  	v12 =	vadd.s32 v2, v12;
	_ =	sdelay $0x2  }
0x4a: {  	[tilespmem:s17], [sflag:$0x1] =	stream.indirect_vreg.gather [hbm4b:s1+s22], $0x80, v13, vm0, $0xb8;
	[tilespmem:$0x8D00] =	vst v63  }
0x4b: {  	_ = 	snop  }
0x4c: {  	[tilespmem:s18], [sflag:$0x1] =	stream.indirect_vreg.gather [hbm4b:s1+s22], $0x80, v12, vm0, $0xb8;
	[tilespmem:$0x8D00] =	vst v63  }
0x4d: {  	v12 =	vld.msk [tilespmem:$0x20], $0xff;
	_ =	sdelay $0x4  }
0x4e: {  	v13 =	vshll.u32 v12, $0x1  }
0x4f: {  	v12 =	vand.u32 $0x7, v12;
	v13 =	vand.u32 $0xFFFFFFF0, v13  }
0x50: {  	v12 =	vor.u32 v12, v13  }
0x51: {  	v12 =	vperm.xlane v12, v1;
	_ =	sdelay $0x1  }
0x52: {  	v12 =	vadd.s32 v2, v12;
	_ =	sdelay $0x4  }
0x53: {  	[tilespmem:s19], [sflag:$0x1] =	stream.indirect_vreg.gather [hbm4b:s1+s22], $0x80, v12, vm0, $0xb8;
	[tilespmem:$0x8D00] =	vst v63  }
0x54: {  	_ =	swait.ge [sflag:s14], $0x2800  }
0x55: {  	[sflag:s14] =	ssyncset.done $0x0  }
0x56: {  	[sflag:s14] =	ssyncadd.s32 $0xFFFFD800  }
0x57: {  	v12 =	vld [tilespmem:s25+$0x0]  }
0x58: {  	v13 =	vld [tilespmem:s26+$0x0];
	_ =	sdelay $0x4  }
0x59: {  	v12 =	vadd.f32 v13, v12;
	_ =	sdelay $0x1  }
0x5a: {  	v13 =	vmul.f32 $2.000000030e-01, v12  }
0x5b: {  	vm1 =	vge.f32 v12, $0.0e+00  }
0x5c: {  	v12 =	vsel vm1, v12, v13  }
0x5d: {  	v12 =	vmul.f32 $1.442695020e+00, v12;
	_ =	sdelay $0x1  }
0x5e: {  	(erf) = vpow2.f32 v12;
	_ =	sdelay $0x3  }
0x5f: {  	s28 =	simm.s32 $0x0  }
0x60: {  	s29 =	sand.u32 $0x380, s22;
	s28 =	sand.u32 $0x3FFFF800, s28  }
0x61: {  	s30 =	sor.u32 s29, s28  }
0x62: {  	v12 =	vld [tilespmem:s30+$0x2900];
	_ =	sdelay $0x1  }
0x63: {  	s28 =	simm.s32 $0x0;
	v13 =	vpop (erf)  }
0x64: {  	s28 =	smul.u32 $0x3000, s28;
	v14 =	vperm.xlane v13, v4;
	_ =	sdelay $0x1  }
0x65: {  	s28 =	sshra.s32 s28, $0x2;
	v12 =	vmul.f32 v12, v14  }
0x66: {  	s28 =	sor.u32 s29, s28  }
0x67: {  	[tilespmem:s28+$0x5100] =	vst v12  }
0x68: {  	v12 =	vld [tilespmem:s30+$0x2910];
	_ =	sdelay $0x4  }
0x69: {  	v12 =	vmul.f32 v12, v14;
	_ =	sdelay $0x1  }
0x6a: {  	[tilespmem:s28+$0x5110] =	vst v12  }
0x6b: {  	v12 =	vld [tilespmem:s30+$0x2920];
	_ =	sdelay $0x2  }
0x6c: {  	v14 =	vperm.xlane v13, v5;
	_ =	sdelay $0x1  }
0x6d: {  	v12 =	vmul.f32 v12, v14;
	_ =	sdelay $0x1  }
0x6e: {  	[tilespmem:s28+$0x5120] =	vst v12  }
0x6f: {  	v12 =	vld [tilespmem:s30+$0x2930];
	_ =	sdelay $0x4  }
0x70: {  	v12 =	vmul.f32 v12, v14;
	_ =	sdelay $0x1  }
0x71: {  	[tilespmem:s28+$0x5130] =	vst v12  }
0x72: {  	v12 =	vld [tilespmem:s30+$0x2940];
	_ =	sdelay $0x2  }
0x73: {  	v14 =	vperm.xlane v13, v6;
	_ =	sdelay $0x1  }
0x74: {  	v12 =	vmul.f32 v12, v14;
	_ =	sdelay $0x1  }
0x75: {  	[tilespmem:s28+$0x5140] =	vst v12  }
0x76: {  	v12 =	vld [tilespmem:s30+$0x2950];
	_ =	sdelay $0x4  }
0x77: {  	v12 =	vmul.f32 v12, v14;
	_ =	sdelay $0x1  }
0x78: {  	[tilespmem:s28+$0x5150] =	vst v12  }
0x79: {  	v12 =	vld [tilespmem:s30+$0x2960];
	_ =	sdelay $0x2  }
0x7a: {  	v14 =	vperm.xlane v13, v7;
	_ =	sdelay $0x1  }
0x7b: {  	v12 =	vmul.f32 v12, v14;
	_ =	sdelay $0x1  }
0x7c: {  	[tilespmem:s28+$0x5160] =	vst v12  }
0x7d: {  	v12 =	vld [tilespmem:s30+$0x2970];
	_ =	sdelay $0x4  }
0x7e: {  	v12 =	vmul.f32 v12, v14;
	_ =	sdelay $0x1  }
0x7f: {  	[tilespmem:s28+$0x5170] =	vst v12  }
0x80: {  	v12 =	vld [tilespmem:s30+$0x2D00];
	_ =	sdelay $0x2  }
0x81: {  	v14 =	vperm.xlane v13, v8;
	_ =	sdelay $0x1  }
0x82: {  	v12 =	vmul.f32 v12, v14;
	_ =	sdelay $0x1  }
0x83: {  	[tilespmem:s28+$0x5500] =	vst v12  }
0x84: {  	v12 =	vld [tilespmem:s30+$0x2D10];
	_ =	sdelay $0x4  }
0x85: {  	v12 =	vmul.f32 v12, v14;
	_ =	sdelay $0x1  }
0x86: {  	[tilespmem:s28+$0x5510] =	vst v12  }
0x87: {  	v12 =	vld [tilespmem:s30+$0x2D20];
	_ =	sdelay $0x2  }
0x88: {  	v14 =	vperm.xlane v13, v9;
	_ =	sdelay $0x1  }
0x89: {  	v12 =	vmul.f32 v12, v14;
	_ =	sdelay $0x1  }
0x8a: {  	[tilespmem:s28+$0x5520] =	vst v12  }
0x8b: {  	v12 =	vld [tilespmem:s30+$0x2D30];
	_ =	sdelay $0x4  }
0x8c: {  	v12 =	vmul.f32 v12, v14;
	_ =	sdelay $0x1  }
0x8d: {  	[tilespmem:s28+$0x5530] =	vst v12  }
0x8e: {  	v12 =	vld [tilespmem:s30+$0x2D40];
	_ =	sdelay $0x2  }
0x8f: {  	v14 =	vperm.xlane v13, v10;
	_ =	sdelay $0x1  }
0x90: {  	v12 =	vmul.f32 v12, v14;
	_ =	sdelay $0x1  }
0x91: {  	[tilespmem:s28+$0x5540] =	vst v12  }
0x92: {  	v12 =	vld [tilespmem:s30+$0x2D50];
	_ =	sdelay $0x4  }
0x93: {  	v12 =	vmul.f32 v12, v14;
	_ =	sdelay $0x1  }
0x94: {  	[tilespmem:s28+$0x5550] =	vst v12  }
0x95: {  	v12 =	vld [tilespmem:s30+$0x2D60];
	_ =	sdelay $0x2  }
0x96: {  	v14 =	vperm.xlane v13, v11;
	_ =	sdelay $0x1  }
0x97: {  	v12 =	vmul.f32 v12, v14;
	_ =	sdelay $0x1  }
0x98: {  	[tilespmem:s28+$0x5560] =	vst v12  }
0x99: {  	p0 =	por $0x1, $0x1;
	v12 =	vld [tilespmem:s30+$0x2D70]  }
.Ltmp1:
0x9a: {  	_ = 	snop;
	(pc) =	sbr.rel @!p0 .LBB2_6-.Ltmp1, $2  }
0x9b: {  	_ =	sdelay $0x2  }
0x9c: {  	s29 =	simm.s32 $0x1;
	[tilespmem:s28+$0x5900] =	vst v13;
	s30 =	simm.s32 $0x0;
	v12 =	vmul.f32 v12, v14  }
.LBB2_5:
0x9d: {  	_ = 	snop  }
0x9e: {  	s30 =	sadd.s32 $0x80, s30;
	s25 =	sadd.s32 $0x80, s25;
	s26 =	sadd.s32 $0x80, s26;
	[tilespmem:s28+$0x5570] =	vst v12  }
0x9f: {  	p0 =	sne.s32 s29, $0x27;
	s28 =	smov.u32 s29;
	s29 =	sadd.s32 $0x1, s29;
	v12 =	vld [tilespmem:s25+$0x0]  }
0xa0: {  	v13 =	vld [tilespmem:s26+$0x0];
	_ =	sdelay $0x4  }
0xa1: {  	v12 =	vadd.f32 v13, v12;
	_ =	sdelay $0x1  }
0xa2: {  	v13 =	vmul.f32 $2.000000030e-01, v12  }
0xa3: {  	vm1 =	vge.f32 v12, $0.0e+00  }
0xa4: {  	v12 =	vsel vm1, v12, v13  }
0xa5: {  	v12 =	vmul.f32 $1.442695020e+00, v12;
	_ =	sdelay $0x1  }
0xa6: {  	(erf) = vpow2.f32 v12;
	_ =	sdelay $0x3  }
0xa7: {  	s31 =	sshll.u32 s28, $0x8  }
0xa8: {  	s0 =	sand.u32 $0x380, s30;
	s31 =	sand.u32 $0x3FFFF800, s31  }
0xa9: {  	s31 =	sor.u32 s0, s31  }
0xaa: {  	v13 =	vld [tilespmem:s31+$0x2900];
	_ =	sdelay $0x1  }
0xab: {  	s28 =	sshrl.u32 s28, $0x3;
	v12 =	vpop (erf)  }
0xac: {  	s28 =	smul.u32 $0x3000, s28;
	v14 =	vperm.xlane v12, v4;
	_ =	sdelay $0x1  }
0xad: {  	s28 =	sshra.s32 s28, $0x2;
	v13 =	vmul.f32 v13, v14  }
0xae: {  	s28 =	sor.u32 s0, s28  }
0xaf: {  	[tilespmem:s28+$0x5100] =	vst v13  }
0xb0: {  	v13 =	vld [tilespmem:s31+$0x2910];
	_ =	sdelay $0x4  }
0xb1: {  	v13 =	vmul.f32 v13, v14;
	_ =	sdelay $0x1  }
0xb2: {  	[tilespmem:s28+$0x5110] =	vst v13  }
0xb3: {  	v13 =	vld [tilespmem:s31+$0x2920];
	_ =	sdelay $0x2  }
0xb4: {  	v14 =	vperm.xlane v12, v5;
	_ =	sdelay $0x1  }
0xb5: {  	v13 =	vmul.f32 v13, v14;
	_ =	sdelay $0x1  }
0xb6: {  	[tilespmem:s28+$0x5120] =	vst v13  }
0xb7: {  	v13 =	vld [tilespmem:s31+$0x2930];
	_ =	sdelay $0x4  }
0xb8: {  	v13 =	vmul.f32 v13, v14;
	_ =	sdelay $0x1  }
0xb9: {  	[tilespmem:s28+$0x5130] =	vst v13  }
0xba: {  	v13 =	vld [tilespmem:s31+$0x2940];
	_ =	sdelay $0x2  }
0xbb: {  	v14 =	vperm.xlane v12, v6;
	_ =	sdelay $0x1  }
0xbc: {  	v13 =	vmul.f32 v13, v14;
	_ =	sdelay $0x1  }
0xbd: {  	[tilespmem:s28+$0x5140] =	vst v13  }
0xbe: {  	v13 =	vld [tilespmem:s31+$0x2950];
	_ =	sdelay $0x4  }
0xbf: {  	v13 =	vmul.f32 v13, v14;
	_ =	sdelay $0x1  }
0xc0: {  	[tilespmem:s28+$0x5150] =	vst v13  }
0xc1: {  	v13 =	vld [tilespmem:s31+$0x2960];
	_ =	sdelay $0x2  }
0xc2: {  	v14 =	vperm.xlane v12, v7;
	_ =	sdelay $0x1  }
0xc3: {  	v13 =	vmul.f32 v13, v14;
	_ =	sdelay $0x1  }
0xc4: {  	[tilespmem:s28+$0x5160] =	vst v13  }
0xc5: {  	v13 =	vld [tilespmem:s31+$0x2970];
	_ =	sdelay $0x4  }
0xc6: {  	v13 =	vmul.f32 v13, v14;
	_ =	sdelay $0x1  }
0xc7: {  	[tilespmem:s28+$0x5170] =	vst v13  }
0xc8: {  	v13 =	vld [tilespmem:s31+$0x2D00];
	_ =	sdelay $0x2  }
0xc9: {  	v14 =	vperm.xlane v12, v8;
	_ =	sdelay $0x1  }
0xca: {  	v13 =	vmul.f32 v13, v14;
	_ =	sdelay $0x1  }
0xcb: {  	[tilespmem:s28+$0x5500] =	vst v13  }
0xcc: {  	v13 =	vld [tilespmem:s31+$0x2D10];
	_ =	sdelay $0x4  }
0xcd: {  	v13 =	vmul.f32 v13, v14;
	_ =	sdelay $0x1  }
0xce: {  	[tilespmem:s28+$0x5510] =	vst v13  }
0xcf: {  	v13 =	vld [tilespmem:s31+$0x2D20];
	_ =	sdelay $0x2  }
0xd0: {  	v14 =	vperm.xlane v12, v9;
	_ =	sdelay $0x1  }
0xd1: {  	v13 =	vmul.f32 v13, v14;
	_ =	sdelay $0x1  }
0xd2: {  	[tilespmem:s28+$0x5520] =	vst v13  }
0xd3: {  	v13 =	vld [tilespmem:s31+$0x2D30];
	_ =	sdelay $0x4  }
0xd4: {  	v13 =	vmul.f32 v13, v14;
	_ =	sdelay $0x1  }
0xd5: {  	[tilespmem:s28+$0x5530] =	vst v13  }
0xd6: {  	v13 =	vld [tilespmem:s31+$0x2D40];
	_ =	sdelay $0x2  }
0xd7: {  	v14 =	vperm.xlane v12, v10;
	_ =	sdelay $0x1  }
0xd8: {  	v13 =	vmul.f32 v13, v14;
	_ =	sdelay $0x1  }
0xd9: {  	[tilespmem:s28+$0x5540] =	vst v13  }
0xda: {  	v13 =	vld [tilespmem:s31+$0x2D50];
	_ =	sdelay $0x4  }
0xdb: {  	v13 =	vmul.f32 v13, v14;
	_ =	sdelay $0x1  }
0xdc: {  	[tilespmem:s28+$0x5550] =	vst v13  }
0xdd: {  	v13 =	vld [tilespmem:s31+$0x2D60];
	_ =	sdelay $0x2  }
0xde: {  	v14 =	vperm.xlane v12, v11;
	_ =	sdelay $0x1  }
0xdf: {  	v13 =	vmul.f32 v13, v14;
	_ =	sdelay $0x1  }
0xe0: {  	[tilespmem:s28+$0x5560] =	vst v13  }
0xe1: {  	v13 =	vld [tilespmem:s31+$0x2D70]  }
.Ltmp2:
0xe2: {  	[tilespmem:s28+$0x5900] =	vst v12;
	(pc) =	sbr.rel @p0 .LBB2_5-.Ltmp2, $2  }
0xe3: {  	_ =	sdelay $0x2  }
0xe4: {  	v12 =	vmul.f32 v13, v14  }
.LBB2_6:
0xe5: {  	s0 =	smul.u32 $0x180, s24;
	s23 =	sadd.s32 $0x1, s23  }
0xe6: {  	p0 =	sne.s32 s23, $0xFA  }
.Ltmp3:
0xe7: {  	[tilespmem:s28+$0x5570] =	vst v12;
	s0 =	sadd.s32 s8, s0;
	(pc) =	sbr.rel @p0 .LBB2_4-.Ltmp3, $4  }
0xe8: {  	[hbm4b:s0+s2] =	stream.linear.scatter [tilespmem:s20], [sflag:$0x2], $0x3C00, $0x38;
	[tilespmem:$0x8D00] =	vst v63  }
0xe9: {  	_ =	swait.ge [sflag:s11], $0x3C00  }
0xea: {  	[sflag:s11] =	ssyncset.done $0x0  }
0xeb: {  	[sflag:s11] =	ssyncadd.s32 $0xFFFFC400  }
0xec: {  	s21 =	sadd.s32 $0x1, s21  }
0xed: {  	p0 =	sne.s32 s21, s10  }
.Ltmp4:
0xee: {  	_ = 	snop;
	(pc) =	sbr.rel @p0 .LBB2_1-.Ltmp4, $1  }
0xef: {  	_ =	sdelay $0x3  }
0xf0: {  	_ =	sfence.sel $0x180000  }
0xf1: {  	[bflag:$0x0] =	sbarrier.arrive $0xFFFF  }
0xf2: {  	_ =	strace $0x90000047  }
0xf3: {  	[bflag:$0x2] =	sbarrier.arrive $0xFFFF  }
0xf4: {  	p0 =	sne.s32 s4, $0x0;
	s0 =	rddreg [dreg:$0x2]  }
0xf5: {  	s0 =	sadd.s32 @!p0 $0x100000, s0  }
0xf6: {  	[sflag:s0] =	ssyncadd.tile.s32 @!p0 $0x1;
	_ =	shalt  }
.Lfunc_end2:
_tile_overlayer_lowered:
.L_overlay_start_2:
0xf7: {  	(tag) =	ssettag $0x2  }
0xf8: {  	s0 =	rddreg [dreg:$0x0];
	s2 =	stileid.u32  }
0xf9: {  	s1 =	rddreg [dreg:$0x1];
	p0 =	sne.s32 s2, $0x0  }
0xfa: {  	s3 =	rddreg [dreg:$0x2];
	[bflag:$0x3] =	sbarrier.arrive $0xFFFF;
	s2 =	simm.s32 @!p0 $0x1C02  }
0xfb: {  	[timem:s3], [sflag:s2] =	dma.local @!p0 [hbm:s0], s1  }
0xfc: {  	s0 =	simm.s32 @!p0 $0x2  }
0xfd: {  	_ =	swait.ge @!p0 [sflag:s0], s1  }
0xfe: {  	s1 =	ssub.s32 @!p0 $0x0, s1;
	[sflag:s0] =	ssyncset.done @!p0 $0x0  }
0xff: {  	[sflag:s0] =	ssyncadd.s32 @!p0 s1  }
0x100: {  	[bflag:$0x3] =	sbarrier.arrive $0xFFFF  }
0x101: {  	_ =	shalt  }

// kernel: kernel.17.cloned.1.call-start
scs
__scs_entry_jumppad:
0x0: {  	(pc) =	sbr.rel $0x88, $3  }
0x1: {  	(tag) =	ssettag $0x0;
	lr =	simm.s32 $0x1  }
0x2: {  	[smem:$0x3F7B] =	sst lr;
	_ =	strace $0xD0000000  }
0x3: {  	_ = 	snop  }
0x4: {  	_ = 	snop  }
0x5: {  	_ = 	snop  }
0x6: {  	_ = 	snop  }
0x7: {  	_ = 	snop  }
__scs_overlays_trampoline_lowered:
0x8: {  	[smem:$0x3F8A] =	sst s0  }
0x9: {  	[smem:$0x3F8B] =	sst s1  }
0xa: {  	[smem:$0x3F8C] =	sst s2  }
0xb: {  	[smem:$0x3F8D] =	sst s3  }
0xc: {  	[smem:$0x3F8E] =	sst s4  }
0xd: {  	[smem:$0x3F8F] =	sst s5  }
0xe: {  	[smem:$0x3F90] =	sst s6  }
0xf: {  	[smem:$0x3F91] =	sst s7  }
0x10: {  	[smem:$0x3F92] =	sst s8  }
0x11: {  	[smem:$0x3F93] =	sst s9;
	s0 =	simm.s32 @!p0 $0x0  }
0x12: {  	s1 =	sld [smem:$0x3F79];
	s0 =	simm.s32 @p0 $0x1  }
0x13: {  	[smem:$0x3F94] =	sst s0;
	s0 =	simm.s32 @!p1 $0x0  }
0x14: {  	s2 =	sld [smem:$0x3F78];
	s0 =	simm.s32 @p1 $0x1  }
0x15: {  	[smem:$0x3F95] =	sst s0;
	s0 =	simm.s32 @!p2 $0x0  }
0x16: {  	s3 =	sld [smem:$0x3FDB];
	s0 =	simm.s32 @p2 $0x1  }
0x17: {  	s4 =	simm.s32 $0x1BF5;
	[smem:$0x3F97] =	sst s0  }
0x18: {  	s0 =	sld [smem:$0x3F7A];
	_ =	swait.ge [sflag:s4], $0x0  }
0x19: {  	s7 =	sld [smem:$0x3F7B]  }
0x1a: {  	s8 =	sadd.s32 $0xFFFFE003, lr  }
0x1b: {  	s9 =	sadd.s32 $0xFFFFFEF7, lr;
	s5 =	simm.s32 $0xFFFFFFFF;
	p2 =	slt.u32 s8, $0xFFFFF086  }
0x1c: {  	p1 =	slt.u32 s9, $0xF7A;
	s5 =	simm.s32 @!p2 $0x0  }
0x1d: {  	s5 =	simm.s32 @p1 $0x1;
	p0 =	seq.s32 s7, s2  }
0x1e: {  	s7 =	smul.u32 @!p0 $0xF7A, s2;
	p2 =	seq.s32 @!p0 s5, $0x0  }
0x1f: {  	s9 =	smul.u32 $0xF7A, s1;
	s8 =	simm.s32 @!p0 $0x1BF5;
	p2 =	por !p2, p0  }
0x20: {  	[sflag:s8] =	ssyncset.s32 @!p0 $0xFFFFF086;
	s6 =	sadd.s32 @!p0 s3, s7;
	s7 =	simm.s32 @!p0 $0x108  }
0x21: {  	s3 =	sadd.s32 s3, s9;
	s6 =	sadd.s32 @!p0 $0x88, s6;
	s7 =	simm.s32 @p2 $0x1082  }
0x22: {  	[simem:s7], [sflag:s8] =	dma.local @!p0 [hbm:s6], $0xF7A  }
0x23: {  	s9 =	sor.u32 $0xD0000000, s2;
	s6 =	simm.s32 $0x108;
	_ =	swait.ge @!p0 [sflag:s8], $0x0  }
0x24: {  	s3 =	sadd.s32 $0x88, s3;
	s6 =	simm.s32 @!p1 $0x1082;
	[sflag:s4] =	ssyncset.s32 $0xFFFFF086  }
0x25: {  	[simem:s6], [sflag:s4] =	dma.local [hbm:s3], $0xF7A  }
0x26: {  	[smem:$0x3F7B] =	sst s1;
	(tag) =	ssettag s2;
	_ =	strace s9  }
0x27: {  	s1 =	sld [smem:$0x3F8B]  }
0x28: {  	s2 =	sld [smem:$0x3F8C]  }
0x29: {  	s4 =	sld [smem:$0x3F8E]  }
0x2a: {  	p0 =	seq.s32 s5, $0x0;
	s5 =	sld [smem:$0x3F8F]  }
0x2b: {  	s6 =	sld [smem:$0x3F90]  }
0x2c: {  	s7 =	sld [smem:$0x3F91]  }
0x2d: {  	s3 =	simm.s32 $0x108;
	s8 =	sld [smem:$0x3F92]  }
0x2e: {  	s3 =	simm.s32 @!p0 $0x1082;
	s9 =	sld [smem:$0x3F93]  }
0x2f: {  	lr =	sadd.s32 s0, s3;
	s0 =	sld [smem:$0x3F8A]  }
0x30: {  	s3 =	sld [smem:$0x3F8D]  }
0x31: {  	[smem:$0x3F96] =	sst s10  }
0x32: {  	s10 =	sld [smem:$0x3F94];
	_ =	sdelay $0x3  }
0x33: {  	p0 =	seq.s32 s10, $0x1;
	s10 =	sld [smem:$0x3F96];
	_ =	sdelay $0x3  }
0x34: {  	[smem:$0x3F96] =	sst s10  }
0x35: {  	s10 =	sld [smem:$0x3F95];
	_ =	sdelay $0x3  }
0x36: {  	p1 =	seq.s32 s10, $0x1;
	s10 =	sld [smem:$0x3F96];
	_ =	sdelay $0x3  }
0x37: {  	[smem:$0x3F96] =	sst s10  }
0x38: {  	s10 =	sld [smem:$0x3F97]  }
0x39: {  	_ = 	snop;
	(pc) =	sbr.ind lr, $3  }
0x3a: {  	_ = 	snop  }
0x3b: {  	_ = 	snop  }
0x3c: {  	p2 =	seq.s32 s10, $0x1;
	s10 =	sld [smem:$0x3F96]  }
0x3d: {  	_ =	shalt  }
0x3e: {  	_ =	shalt  }
0x3f: {  	_ =	shalt  }
0x40: {  	_ =	shalt  }
0x41: {  	_ =	shalt  }
0x42: {  	_ =	shalt  }
0x43: {  	_ =	shalt  }
0x44: {  	_ =	shalt  }
0x45: {  	_ =	shalt  }
0x46: {  	_ =	shalt  }
0x47: {  	_ =	shalt  }
0x48: {  	_ =	shalt  }
0x49: {  	_ =	shalt  }
0x4a: {  	_ =	shalt  }
0x4b: {  	_ =	shalt  }
0x4c: {  	_ =	shalt  }
0x4d: {  	_ =	shalt  }
0x4e: {  	_ =	shalt  }
0x4f: {  	_ =	shalt  }
0x50: {  	_ =	shalt  }
0x51: {  	_ =	shalt  }
0x52: {  	_ =	shalt  }
0x53: {  	_ =	shalt  }
0x54: {  	_ =	shalt  }
0x55: {  	_ =	shalt  }
0x56: {  	_ =	shalt  }
0x57: {  	_ =	shalt  }
0x58: {  	_ =	shalt  }
0x59: {  	_ =	shalt  }
0x5a: {  	_ =	shalt  }
0x5b: {  	_ =	shalt  }
0x5c: {  	_ =	shalt  }
0x5d: {  	_ =	shalt  }
0x5e: {  	_ =	shalt  }
0x5f: {  	_ =	shalt  }
0x60: {  	_ =	shalt  }
0x61: {  	_ =	shalt  }
0x62: {  	_ =	shalt  }
0x63: {  	_ =	shalt  }
0x64: {  	_ =	shalt  }
0x65: {  	_ =	shalt  }
0x66: {  	_ =	shalt  }
0x67: {  	_ =	shalt  }
0x68: {  	_ =	shalt  }
0x69: {  	_ =	shalt  }
0x6a: {  	_ =	shalt  }
0x6b: {  	_ =	shalt  }
0x6c: {  	_ =	shalt  }
0x6d: {  	_ =	shalt  }
0x6e: {  	_ =	shalt  }
0x6f: {  	_ =	shalt  }
0x70: {  	_ =	shalt  }
0x71: {  	_ =	shalt  }
0x72: {  	_ =	shalt  }
0x73: {  	_ =	shalt  }
0x74: {  	_ =	shalt  }
0x75: {  	_ =	shalt  }
0x76: {  	_ =	shalt  }
0x77: {  	_ =	shalt  }
0x78: {  	_ =	shalt  }
0x79: {  	_ =	shalt  }
0x7a: {  	_ =	shalt  }
0x7b: {  	_ =	shalt  }
0x7c: {  	_ =	shalt  }
0x7d: {  	_ =	shalt  }
0x7e: {  	_ =	shalt  }
0x7f: {  	_ =	shalt  }
0x80: {  	_ =	shalt  }
0x81: {  	_ =	shalt  }
0x82: {  	_ =	shalt  }
0x83: {  	_ =	shalt  }
0x84: {  	_ =	shalt  }
0x85: {  	_ =	shalt  }
0x86: {  	_ =	shalt  }
0x87: {  	_ =	shalt  }
.Lfunc_end0:
.L_simem_size_0:
called_computation.1_lowered:
.L_overlay_start_0:
0x88: {  	s2 =	sld [smem:$0x3FD9]  }
0x89: {  	s3 =	sld [smem:$0x3FFE];
	_ =	sdelay $0x1  }
0x8a: {  	s1 =	srdreg.scid  }
0x8b: {  	s0 =	sand.u32 $0x1, s1  }
0x8c: {  	s16 =	sshll.u32 s0, $0xA;
	s2 =	sadd.s32 s3, s2  }
0x8d: {  	s2 =	sadd.s32 s2, s16  }
0x8e: {  	[smem:$0x3FA2] =	sst s2  }
0x8f: {  	_ = 	snop  }
0x90: {  	(tm) =	ssettm $0x1  }
0x91: {  	s17 =	sld [smem:$0x3FFB];
	_ =	sdelay $0x3  }
0x92: {  	_ =	strace s17  }
0x93: {  	s2 =	sld [smem:$0x3FFC];
	_ =	sdelay $0x3  }
0x94: {  	_ =	strace s2  }
0x95: {  	s2 =	sld [smem:$0x3FFD];
	_ =	sdelay $0x3  }
0x96: {  	_ =	strace s2  }
0x97: {  	_ =	strace $0x8FFFFFFF  }
0x98: {  	s18 =	sld [smem:$0x3FDB];
	_ =	sdelay $0x1  }
0x99: {  	s19 =	simm.s32 $_scs_section_size  }
0x9a: {  	s4 =	simm.s32 $_size__tile_overlayer_lowered;
	s5 =	simm.s32 $_tile_overlayer_lowered  }
0x9b: {  	s22 =	simm.s32 $0x1BFF;
	s21 =	sshll.u32 s5, $0x1;
	s2 =	sadd.s32 s19, s18  }
0x9c: {  	s6 =	simm.s32 $0x0;
	s20 =	sshll.u32 s4, $0x1;
	s4 =	sadd.s32 s21, s2  }
0x9d: {  	[timem:s6], [sflag:s22] =	dma.local [hbm:s4], s20  }
0x9e: {  	_ =	swait.ge [sflag:s22], s20  }
0x9f: {  	s3 =	ssub.s32 $0x0, s20;
	[sflag:s22] =	ssyncset.done $0x0  }
0xa0: {  	[sflag:s22] =	ssyncadd.s32 s3;
	_ =	sdelay $0x1  }
0xa1: {  	s23 =	simm.s32 $0x1B8B  }
0xa2: {  	_ =	swait.ge [sflag:s23], $0x1  }
0xa3: {  	[sflag:s23] =	ssyncset.done $0x0  }
0xa4: {  	s25 =	simm.s32 $0x1B8E;
	s24 =	sld [smem:$0x3FFE];
	[sflag:s23] =	ssyncadd.s32 $0xFFFFFFFF  }
0xa5: {  	s26 =	simm.s32 $execute0_lowered;
	[smem:$0x3FD2] =	sst s25  }
0xa6: {  	s4 =	sshll.u32 s26, $0x1;
	_ =	strace $0x80000049;
	[dreg:$0x1] =	wrdreg $0xFFFFFFFF  }
0xa7: {  	s28 =	simm.s32 $_size_execute0_lowered;
	s2 =	sadd.s32 s2, s4;
	[dreg:$0x0] =	wrdreg $0x0  }
0xa8: {  	s4 =	sshll.u32 s28, $0x1;
	[dreg:$0x2] =	wrdreg s2  }
0xa9: {  	[dreg:$0x3] =	wrdreg s4  }
0xaa: {  	[dreg:$0x4] =	wrdreg $0xC0  }
0xab: {  	_ =	task [dreg:s6], $0x5FFFF  }
0xac: {  	[dreg:$0x1] =	wrdreg $0xFFFFFFFF  }
0xad: {  	[dreg:$0x0] =	wrdreg $0x60  }
0xae: {  	[dreg:$0x2] =	wrdreg s24  }
0xaf: {  	[dreg:$0x3] =	wrdreg $0x9  }
0xb0: {  	_ =	task.clear_ibuf [dreg:s6], $0x4FFFF;
	_ =	strace $0x90000049  }
0xb1: {  	s29 =	simm.s32 $0x9;
	_ =	strace $0x8000004B  }
0xb2: {  	_ =	swait.ge [sflag:s29], $0x1  }
0xb3: {  	[sflag:s29] =	ssyncadd.s32 $0xFFFFFFFF  }
0xb4: {  	_ =	strace $0x9000004B  }
0xb5: {  	_ =	sfence  }
0xb6: {  	s30 =	sld [smem:$0x0];
	_ =	sdelay $0x2  }
0xb7: {  	s31 =	sshll.u32 s1, $0xD;
	s1 =	sshrl.u32 s1, $0x2  }
0xb8: {  	s3 =	sand.u32 $0x4000, s31;
	s1 =	sadd.s32 s1, s30  }
0xb9: {  	s0 =	sor.u32 s3, s0;
	s1 =	sshll.u32 s1, $0x11  }
0xba: {  	s0 =	sor.u32 s1, s0  }
0xbb: {  	s0 =	sadd.s32 $0x8F2B, s0  }
0xbc: {  	[sflag:s0] =	ssyncadd.remote.s32 $0x1  }
0xbd: {  	_ =	sfence.sel $0xFFFF  }
0xbe: {  	[dreg:$0x0] =	wrdreg $0xFFFFFFFF;
	(pc) =	sbr.abs _section_cstart, $3  }
0xbf: {  	[dreg:$0x1] =	wrdreg $0xFFFFFFFF  }
0xc0: {  	_ =	task.clear_ibuf [dreg:s6], $0x2FFFF;
	_ =	strace $0x9FFFFFFF  }
0xc1: {  	(tm) =	ssettm $0x7FFFFFFF  }
tec
execute0_lowered:
.L_overlay_start_1:
0x0: {  	(tag) =	ssettag $0x1  }
0x1: {  	s8 =	rddreg [dreg:$0x0]  }
0x2: {  	s1 =	simm.s32 $0x0;
	s4 =	srdreg.scid;
	s12 =	simm.s32 $0x80  }
0x3: {  	s13 =	simm.s32 $0x28;
	s14 =	simm.s32 $0x1;
	s15 =	simm.s32 $0x2900  }
0x4: {  	s16 =	simm.s32 $0x3100;
	s17 =	simm.s32 $0x3900;
	s18 =	simm.s32 $0x4100  }
0x5: {  	s19 =	simm.s32 $0x4900;
	s20 =	simm.s32 $0x5100;
	s21 =	simm.s32 $0x0  }
0x6: {  	[smem:$0x7FF] =	sst s1;
	s2 =	sadd.s32 $0x14400, s8;
	s3 =	sadd.s32 $0xA600, s8  }
0x7: {  	v3 =	vlaneseq.u32;
	v0 =	vimm.f32 $0.0e+00;
	vm0 =	vmmov $0xffff;
	s5 =	sadd.s32 $0x76200, s8;
	s6 =	sadd.s32 $0x9E200, s8;
	s7 =	sand.u32 $0x1, s4  }
0x8: {  	v4 =	vimm.s32 $0x0;
	v5 =	vimm.s32 $0x1;
	v6 =	vimm.s32 $0x2;
	s4 =	stileid.u32;
	_ =	strace $0x8000004A;
	s9 =	ssub.s32 $0x2, s7  }
0x9: {  	v7 =	vimm.s32 $0x3;
	v8 =	vimm.s32 $0x4;
	v9 =	vimm.s32 $0x5;
	s10 =	sshll.u32 s7, $0x4;
	s7 =	sadd.s32 $0x28000, s8;
	s11 =	sshrl.u32 s9, $0x1  }
0xa: {  	v10 =	vimm.s32 $0x6;
	v11 =	vimm.s32 $0x7;
	v2 =	vshrl.u32 v3, $0x3;
	s8 =	sadd.s32 $0xF1E200, s8;
	s10 =	sor.u32 s4, s10;
	s11 =	ssub.s32 s9, s11  }
0xb: {  	v1 =	vand.u32 $0x7, v3;
	v3 =	vor.u32 $0x8, v3;
	v2 =	vmul.u32 $0x8, v2;
	s9 =	smul.u32 $0x2710, s10;
	s10 =	smax.u32 s11, $0x1;
	s11 =	simm.s32 $0x2  }
.LBB2_1:
0xc: {  	s22 =	simm.s32 $0x0  }
0xd: {  	s22 =	smul.u32 $0x3000, s22;
	_ =	sdelay $0x1  }
0xe: {  	s23 =	sand.u32 $0x380, s1;
	s22 =	sshra.s32 s22, $0x2  }
0xf: {  	s22 =	sor.u32 s23, s22  }
0x10: {  	[tilespmem:s22+$0x5970] =	vst v0  }
0x11: {  	[tilespmem:s22+$0x5910] =	vst v0  }
0x12: {  	s25 =	simm.s32 $0x0;
	s24 =	simm.s32 $0x2;
	s23 =	simm.s32 $0x0;
	[tilespmem:s22+$0x5920] =	vst v0  }
.LBB2_2:
0x13: {  	p0 =	sne.s32 s24, $0x27;
	s25 =	smul.u32 $0x3000, s25;
	[tilespmem:s22+$0x5930] =	vst v0  }
0x14: {  	s23 =	sadd.s32 $0x80, s23;
	[tilespmem:s22+$0x5940] =	vst v0  }
.Ltmp0:
0x15: {  	s26 =	sand.u32 $0x380, s23;
	s25 =	sshra.s32 s25, $0x2;
	[tilespmem:s22+$0x5950] =	vst v0;
	(pc) =	sbr.rel @p0 .LBB2_2-.Ltmp0, $4  }
0x16: {  	[tilespmem:s22+$0x5960] =	vst v0;
	s22 =	sor.u32 s26, s25  }
0x17: {  	[tilespmem:s22+$0x5970] =	vst v0  }
0x18: {  	[tilespmem:s22+$0x5910] =	vst v0  }
0x19: {  	s25 =	sshrl.u32 s24, $0x3;
	s24 =	sadd.s32 $0x1, s24;
	[tilespmem:s22+$0x5920] =	vst v0  }
0x1a: {  	s24 =	smul.u32 $0x3000, s25;
	[tilespmem:s22+$0x5930] =	vst v0  }
0x1b: {  	[tilespmem:s22+$0x5940] =	vst v0;
	s23 =	sadd.s32 $0x80, s23  }
0x1c: {  	[tilespmem:s22+$0x5950] =	vst v0;
	s23 =	sand.u32 $0x380, s23;
	s24 =	sshra.s32 s24, $0x2  }
0x1d: {  	[tilespmem:s22+$0x5960] =	vst v0;
	s23 =	sor.u32 s23, s24  }
0x1e: {  	[tilespmem:s23+$0x5970] =	vst v0  }
0x1f: {  	[tilespmem:s23+$0x5910] =	vst v0  }
0x20: {  	[tilespmem:s23+$0x5920] =	vst v0  }
0x21: {  	[tilespmem:s23+$0x5930] =	vst v0  }
0x22: {  	[tilespmem:s23+$0x5940] =	vst v0  }
0x23: {  	[tilespmem:s23+$0x5950] =	vst v0  }
0x24: {  	s22 =	simm.s32 $0x0;
	[tilespmem:s23+$0x5960] =	vst v0;
	s23 =	simm.s32 $0x0  }
.LBB2_4:
0x25: {  	s24 =	smul.u32 $0x28, s23;
	_ =	sdelay $0x1  }
0x26: {  	s24 =	sadd.s32 s9, s24  }
0x27: {  	s24 =	sshrl.u32 s24, $0x3  }
0x28: {  	s25 =	sadd.s32 s2, s24  }
0x29: {  	[tilespmem:s22], [sflag:$0x2] =	stream.linear.gather [hbm4b:s25+s22], $0x28, $0x38;
	[tilespmem:$0x8D00] =	vst v63  }
0x2a: {  	_ =	swait.ge [sflag:s11], $0x28  }
0x2b: {  	[sflag:s11] =	ssyncset.done $0x0  }
0x2c: {  	s31 =	sadd.s32 s3, s24;
	[sflag:s11] =	ssyncadd.s32 $0xFFFFFFD8  }
0x2d: {  	[tilespmem:s12], [sflag:$0x2] =	stream.linear.gather [hbm4b:s31+s22], $0x28, $0x38;
	[tilespmem:$0x8D00] =	vst v63  }
0x2e: {  	_ =	swait.ge [sflag:s11], $0x28  }
0x2f: {  	[sflag:s11] =	ssyncset.done $0x0  }
0x30: {  	s25 =	simm.s32 $0x100;
	[sflag:s11] =	ssyncadd.s32 $0xFFFFFFD8  }
0x31: {  	[tilespmem:s25], [sflag:$0x1] =	stream.indirect.gather [hbm4b:s5+s13], $0x80, s22, s13, $0xb8;
	[tilespmem:$0x8D00] =	vst v63  }
0x32: {  	_ =	swait.ge [sflag:s14], $0x1400  }
0x33: {  	[sflag:s14] =	ssyncset.done $0x0  }
0x34: {  	s26 =	simm.s32 $0x1500;
	[sflag:s14] =	ssyncadd.s32 $0xFFFFEC00  }
0x35: {  	[tilespmem:s26], [sflag:$0x1] =	stream.indirect.gather [hbm4b:s6+s13], $0x80, s12, s13, $0xb8;
	[tilespmem:$0x8D00] =	vst v63  }
0x36: {  	_ =	swait.ge [sflag:s14], $0x1400  }
0x37: {  	[sflag:s14] =	ssyncset.done $0x0  }
0x38: {  	[sflag:s14] =	ssyncadd.s32 $0xFFFFEC00  }
0x39: {  	v12 =	vld [tilespmem:$0x0];
	_ =	sdelay $0x4  }
0x3a: {  	v13 =	vshll.u32 v12, $0x1  }
0x3b: {  	v12 =	vand.u32 $0x7, v12;
	v13 =	vand.u32 $0xFFFFFFF0, v13  }
0x3c: {  	v12 =	vor.u32 v12, v13  }
0x3d: {  	v13 =	vperm.xlane v12, v1;
	_ =	sdelay $0x1  }
0x3e: {  	v12 =	vperm.xlane v12, v3;
	v13 =	vadd.s32 v2, v13;
	_ =	sdelay $0x1  }
0x3f: {  	v12 =	vadd.s32 v2, v12;
	_ =	sdelay $0x2  }
0x40: {  	[tilespmem:s15], [sflag:$0x1] =	stream.indirect_vreg.gather [hbm4b:s7+s22], $0x80, v13, vm0, $0xb8;
	[tilespmem:$0x8D00] =	vst v63  }
0x41: {  	_ = 	snop  }
0x42: {  	[tilespmem:s16], [sflag:$0x1] =	stream.indirect_vreg.gather [hbm4b:s7+s22], $0x80, v12, vm0, $0xb8;
	[tilespmem:$0x8D00] =	vst v63  }
0x43: {  	v12 =	vld [tilespmem:$0x10];
	_ =	sdelay $0x4  }
0x44: {  	v13 =	vshll.u32 v12, $0x1  }
0x45: {  	v12 =	vand.u32 $0x7, v12;
	v13 =	vand.u32 $0xFFFFFFF0, v13  }
0x46: {  	v12 =	vor.u32 v12, v13  }
0x47: {  	v13 =	vperm.xlane v12, v1;
	_ =	sdelay $0x1  }
0x48: {  	v12 =	vperm.xlane v12, v3;
	v13 =	vadd.s32 v2, v13;
	_ =	sdelay $0x1  }
0x49: {  	v12 =	vadd.s32 v2, v12;
	_ =	sdelay $0x2  }
0x4a: {  	[tilespmem:s17], [sflag:$0x1] =	stream.indirect_vreg.gather [hbm4b:s7+s22], $0x80, v13, vm0, $0xb8;
	[tilespmem:$0x8D00] =	vst v63  }
0x4b: {  	_ = 	snop  }
0x4c: {  	[tilespmem:s18], [sflag:$0x1] =	stream.indirect_vreg.gather [hbm4b:s7+s22], $0x80, v12, vm0, $0xb8;
	[tilespmem:$0x8D00] =	vst v63  }
0x4d: {  	v12 =	vld.msk [tilespmem:$0x20], $0xff;
	_ =	sdelay $0x4  }
0x4e: {  	v13 =	vshll.u32 v12, $0x1  }
0x4f: {  	v12 =	vand.u32 $0x7, v12;
	v13 =	vand.u32 $0xFFFFFFF0, v13  }
0x50: {  	v12 =	vor.u32 v12, v13  }
0x51: {  	v12 =	vperm.xlane v12, v1;
	_ =	sdelay $0x1  }
0x52: {  	v12 =	vadd.s32 v2, v12;
	_ =	sdelay $0x4  }
0x53: {  	[tilespmem:s19], [sflag:$0x1] =	stream.indirect_vreg.gather [hbm4b:s7+s22], $0x80, v12, vm0, $0xb8;
	[tilespmem:$0x8D00] =	vst v63  }
0x54: {  	_ =	swait.ge [sflag:s14], $0x2800  }
0x55: {  	[sflag:s14] =	ssyncset.done $0x0  }
0x56: {  	[sflag:s14] =	ssyncadd.s32 $0xFFFFD800  }
0x57: {  	v12 =	vld [tilespmem:s25+$0x0]  }
0x58: {  	v13 =	vld [tilespmem:s26+$0x0];
	_ =	sdelay $0x4  }
0x59: {  	v12 =	vadd.f32 v13, v12;
	_ =	sdelay $0x1  }
0x5a: {  	v13 =	vmul.f32 $2.000000030e-01, v12  }
0x5b: {  	vm1 =	vge.f32 v12, $0.0e+00  }
0x5c: {  	v12 =	vsel vm1, v12, v13  }
0x5d: {  	v12 =	vmul.f32 $1.442695020e+00, v12;
	_ =	sdelay $0x1  }
0x5e: {  	(erf) = vpow2.f32 v12;
	_ =	sdelay $0x3  }
0x5f: {  	s28 =	simm.s32 $0x0  }
0x60: {  	s29 =	sand.u32 $0x380, s22;
	s28 =	sand.u32 $0x3FFFF800, s28  }
0x61: {  	s30 =	sor.u32 s29, s28  }
0x62: {  	v12 =	vld [tilespmem:s30+$0x2900];
	_ =	sdelay $0x1  }
0x63: {  	s28 =	simm.s32 $0x0;
	v13 =	vpop (erf)  }
0x64: {  	s28 =	smul.u32 $0x3000, s28;
	v14 =	vperm.xlane v13, v4;
	_ =	sdelay $0x1  }
0x65: {  	s28 =	sshra.s32 s28, $0x2;
	v12 =	vmul.f32 v12, v14  }
0x66: {  	s28 =	sor.u32 s29, s28  }
0x67: {  	[tilespmem:s28+$0x5100] =	vst v12  }
0x68: {  	v12 =	vld [tilespmem:s30+$0x2910];
	_ =	sdelay $0x4  }
0x69: {  	v12 =	vmul.f32 v12, v14;
	_ =	sdelay $0x1  }
0x6a: {  	[tilespmem:s28+$0x5110] =	vst v12  }
0x6b: {  	v12 =	vld [tilespmem:s30+$0x2920];
	_ =	sdelay $0x2  }
0x6c: {  	v14 =	vperm.xlane v13, v5;
	_ =	sdelay $0x1  }
0x6d: {  	v12 =	vmul.f32 v12, v14;
	_ =	sdelay $0x1  }
0x6e: {  	[tilespmem:s28+$0x5120] =	vst v12  }
0x6f: {  	v12 =	vld [tilespmem:s30+$0x2930];
	_ =	sdelay $0x4  }
0x70: {  	v12 =	vmul.f32 v12, v14;
	_ =	sdelay $0x1  }
0x71: {  	[tilespmem:s28+$0x5130] =	vst v12  }
0x72: {  	v12 =	vld [tilespmem:s30+$0x2940];
	_ =	sdelay $0x2  }
0x73: {  	v14 =	vperm.xlane v13, v6;
	_ =	sdelay $0x1  }
0x74: {  	v12 =	vmul.f32 v12, v14;
	_ =	sdelay $0x1  }
0x75: {  	[tilespmem:s28+$0x5140] =	vst v12  }
0x76: {  	v12 =	vld [tilespmem:s30+$0x2950];
	_ =	sdelay $0x4  }
0x77: {  	v12 =	vmul.f32 v12, v14;
	_ =	sdelay $0x1  }
0x78: {  	[tilespmem:s28+$0x5150] =	vst v12  }
0x79: {  	v12 =	vld [tilespmem:s30+$0x2960];
	_ =	sdelay $0x2  }
0x7a: {  	v14 =	vperm.xlane v13, v7;
	_ =	sdelay $0x1  }
0x7b: {  	v12 =	vmul.f32 v12, v14;
	_ =	sdelay $0x1  }
0x7c: {  	[tilespmem:s28+$0x5160] =	vst v12  }
0x7d: {  	v12 =	vld [tilespmem:s30+$0x2970];
	_ =	sdelay $0x4  }
0x7e: {  	v12 =	vmul.f32 v12, v14;
	_ =	sdelay $0x1  }
0x7f: {  	[tilespmem:s28+$0x5170] =	vst v12  }
0x80: {  	v12 =	vld [tilespmem:s30+$0x2D00];
	_ =	sdelay $0x2  }
0x81: {  	v14 =	vperm.xlane v13, v8;
	_ =	sdelay $0x1  }
0x82: {  	v12 =	vmul.f32 v12, v14;
	_ =	sdelay $0x1  }
0x83: {  	[tilespmem:s28+$0x5500] =	vst v12  }
0x84: {  	v12 =	vld [tilespmem:s30+$0x2D10];
	_ =	sdelay $0x4  }
0x85: {  	v12 =	vmul.f32 v12, v14;
	_ =	sdelay $0x1  }
0x86: {  	[tilespmem:s28+$0x5510] =	vst v12  }
0x87: {  	v12 =	vld [tilespmem:s30+$0x2D20];
	_ =	sdelay $0x2  }
0x88: {  	v14 =	vperm.xlane v13, v9;
	_ =	sdelay $0x1  }
0x89: {  	v12 =	vmul.f32 v12, v14;
	_ =	sdelay $0x1  }
0x8a: {  	[tilespmem:s28+$0x5520] =	vst v12  }
0x8b: {  	v12 =	vld [tilespmem:s30+$0x2D30];
	_ =	sdelay $0x4  }
0x8c: {  	v12 =	vmul.f32 v12, v14;
	_ =	sdelay $0x1  }
0x8d: {  	[tilespmem:s28+$0x5530] =	vst v12  }
0x8e: {  	v12 =	vld [tilespmem:s30+$0x2D40];
	_ =	sdelay $0x2  }
0x8f: {  	v14 =	vperm.xlane v13, v10;
	_ =	sdelay $0x1  }
0x90: {  	v12 =	vmul.f32 v12, v14;
	_ =	sdelay $0x1  }
0x91: {  	[tilespmem:s28+$0x5540] =	vst v12  }
0x92: {  	v12 =	vld [tilespmem:s30+$0x2D50];
	_ =	sdelay $0x4  }
0x93: {  	v12 =	vmul.f32 v12, v14;
	_ =	sdelay $0x1  }
0x94: {  	[tilespmem:s28+$0x5550] =	vst v12  }
0x95: {  	v12 =	vld [tilespmem:s30+$0x2D60];
	_ =	sdelay $0x2  }
0x96: {  	v14 =	vperm.xlane v13, v11;
	_ =	sdelay $0x1  }
0x97: {  	v12 =	vmul.f32 v12, v14;
	_ =	sdelay $0x1  }
0x98: {  	[tilespmem:s28+$0x5560] =	vst v12  }
0x99: {  	p0 =	por $0x1, $0x1;
	v12 =	vld [tilespmem:s30+$0x2D70]  }
.Ltmp1:
0x9a: {  	_ = 	snop;
	(pc) =	sbr.rel @!p0 .LBB2_6-.Ltmp1, $2  }
0x9b: {  	_ =	sdelay $0x2  }
0x9c: {  	s29 =	simm.s32 $0x1;
	[tilespmem:s28+$0x5900] =	vst v13;
	s30 =	simm.s32 $0x0;
	v12 =	vmul.f32 v12, v14  }
.LBB2_5:
0x9d: {  	_ = 	snop  }
0x9e: {  	s30 =	sadd.s32 $0x80, s30;
	s25 =	sadd.s32 $0x80, s25;
	s26 =	sadd.s32 $0x80, s26;
	[tilespmem:s28+$0x5570] =	vst v12  }
0x9f: {  	p0 =	sne.s32 s29, $0x27;
	s28 =	smov.u32 s29;
	s29 =	sadd.s32 $0x1, s29;
	v12 =	vld [tilespmem:s25+$0x0]  }
0xa0: {  	v13 =	vld [tilespmem:s26+$0x0];
	_ =	sdelay $0x4  }
0xa1: {  	v12 =	vadd.f32 v13, v12;
	_ =	sdelay $0x1  }
0xa2: {  	v13 =	vmul.f32 $2.000000030e-01, v12  }
0xa3: {  	vm1 =	vge.f32 v12, $0.0e+00  }
0xa4: {  	v12 =	vsel vm1, v12, v13  }
0xa5: {  	v12 =	vmul.f32 $1.442695020e+00, v12;
	_ =	sdelay $0x1  }
0xa6: {  	(erf) = vpow2.f32 v12;
	_ =	sdelay $0x3  }
0xa7: {  	s31 =	sshll.u32 s28, $0x8  }
0xa8: {  	s0 =	sand.u32 $0x380, s30;
	s31 =	sand.u32 $0x3FFFF800, s31  }
0xa9: {  	s31 =	sor.u32 s0, s31  }
0xaa: {  	v13 =	vld [tilespmem:s31+$0x2900];
	_ =	sdelay $0x1  }
0xab: {  	s28 =	sshrl.u32 s28, $0x3;
	v12 =	vpop (erf)  }
0xac: {  	s28 =	smul.u32 $0x3000, s28;
	v14 =	vperm.xlane v12, v4;
	_ =	sdelay $0x1  }
0xad: {  	s28 =	sshra.s32 s28, $0x2;
	v13 =	vmul.f32 v13, v14  }
0xae: {  	s28 =	sor.u32 s0, s28  }
0xaf: {  	[tilespmem:s28+$0x5100] =	vst v13  }
0xb0: {  	v13 =	vld [tilespmem:s31+$0x2910];
	_ =	sdelay $0x4  }
0xb1: {  	v13 =	vmul.f32 v13, v14;
	_ =	sdelay $0x1  }
0xb2: {  	[tilespmem:s28+$0x5110] =	vst v13  }
0xb3: {  	v13 =	vld [tilespmem:s31+$0x2920];
	_ =	sdelay $0x2  }
0xb4: {  	v14 =	vperm.xlane v12, v5;
	_ =	sdelay $0x1  }
0xb5: {  	v13 =	vmul.f32 v13, v14;
	_ =	sdelay $0x1  }
0xb6: {  	[tilespmem:s28+$0x5120] =	vst v13  }
0xb7: {  	v13 =	vld [tilespmem:s31+$0x2930];
	_ =	sdelay $0x4  }
0xb8: {  	v13 =	vmul.f32 v13, v14;
	_ =	sdelay $0x1  }
0xb9: {  	[tilespmem:s28+$0x5130] =	vst v13  }
0xba: {  	v13 =	vld [tilespmem:s31+$0x2940];
	_ =	sdelay $0x2  }
0xbb: {  	v14 =	vperm.xlane v12, v6;
	_ =	sdelay $0x1  }
0xbc: {  	v13 =	vmul.f32 v13, v14;
	_ =	sdelay $0x1  }
0xbd: {  	[tilespmem:s28+$0x5140] =	vst v13  }
0xbe: {  	v13 =	vld [tilespmem:s31+$0x2950];
	_ =	sdelay $0x4  }
0xbf: {  	v13 =	vmul.f32 v13, v14;
	_ =	sdelay $0x1  }
0xc0: {  	[tilespmem:s28+$0x5150] =	vst v13  }
0xc1: {  	v13 =	vld [tilespmem:s31+$0x2960];
	_ =	sdelay $0x2  }
0xc2: {  	v14 =	vperm.xlane v12, v7;
	_ =	sdelay $0x1  }
0xc3: {  	v13 =	vmul.f32 v13, v14;
	_ =	sdelay $0x1  }
0xc4: {  	[tilespmem:s28+$0x5160] =	vst v13  }
0xc5: {  	v13 =	vld [tilespmem:s31+$0x2970];
	_ =	sdelay $0x4  }
0xc6: {  	v13 =	vmul.f32 v13, v14;
	_ =	sdelay $0x1  }
0xc7: {  	[tilespmem:s28+$0x5170] =	vst v13  }
0xc8: {  	v13 =	vld [tilespmem:s31+$0x2D00];
	_ =	sdelay $0x2  }
0xc9: {  	v14 =	vperm.xlane v12, v8;
	_ =	sdelay $0x1  }
0xca: {  	v13 =	vmul.f32 v13, v14;
	_ =	sdelay $0x1  }
0xcb: {  	[tilespmem:s28+$0x5500] =	vst v13  }
0xcc: {  	v13 =	vld [tilespmem:s31+$0x2D10];
	_ =	sdelay $0x4  }
0xcd: {  	v13 =	vmul.f32 v13, v14;
	_ =	sdelay $0x1  }
0xce: {  	[tilespmem:s28+$0x5510] =	vst v13  }
0xcf: {  	v13 =	vld [tilespmem:s31+$0x2D20];
	_ =	sdelay $0x2  }
0xd0: {  	v14 =	vperm.xlane v12, v9;
	_ =	sdelay $0x1  }
0xd1: {  	v13 =	vmul.f32 v13, v14;
	_ =	sdelay $0x1  }
0xd2: {  	[tilespmem:s28+$0x5520] =	vst v13  }
0xd3: {  	v13 =	vld [tilespmem:s31+$0x2D30];
	_ =	sdelay $0x4  }
0xd4: {  	v13 =	vmul.f32 v13, v14;
	_ =	sdelay $0x1  }
0xd5: {  	[tilespmem:s28+$0x5530] =	vst v13  }
0xd6: {  	v13 =	vld [tilespmem:s31+$0x2D40];
	_ =	sdelay $0x2  }
0xd7: {  	v14 =	vperm.xlane v12, v10;
	_ =	sdelay $0x1  }
0xd8: {  	v13 =	vmul.f32 v13, v14;
	_ =	sdelay $0x1  }
0xd9: {  	[tilespmem:s28+$0x5540] =	vst v13  }
0xda: {  	v13 =	vld [tilespmem:s31+$0x2D50];
	_ =	sdelay $0x4  }
0xdb: {  	v13 =	vmul.f32 v13, v14;
	_ =	sdelay $0x1  }
0xdc: {  	[tilespmem:s28+$0x5550] =	vst v13  }
0xdd: {  	v13 =	vld [tilespmem:s31+$0x2D60];
	_ =	sdelay $0x2  }
0xde: {  	v14 =	vperm.xlane v12, v11;
	_ =	sdelay $0x1  }
0xdf: {  	v13 =	vmul.f32 v13, v14;
	_ =	sdelay $0x1  }
0xe0: {  	[tilespmem:s28+$0x5560] =	vst v13  }
0xe1: {  	v13 =	vld [tilespmem:s31+$0x2D70]  }
.Ltmp2:
0xe2: {  	[tilespmem:s28+$0x5900] =	vst v12;
	(pc) =	sbr.rel @p0 .LBB2_5-.Ltmp2, $2  }
0xe3: {  	_ =	sdelay $0x2  }
0xe4: {  	v12 =	vmul.f32 v13, v14  }
.LBB2_6:
0xe5: {  	s0 =	smul.u32 $0x180, s24;
	s23 =	sadd.s32 $0x1, s23  }
0xe6: {  	p0 =	sne.s32 s23, $0xFA  }
.Ltmp3:
0xe7: {  	[tilespmem:s28+$0x5570] =	vst v12;
	s0 =	sadd.s32 s8, s0;
	(pc) =	sbr.rel @p0 .LBB2_4-.Ltmp3, $4  }
0xe8: {  	[hbm4b:s0+s1] =	stream.linear.scatter [tilespmem:s20], [sflag:$0x2], $0x3C00, $0x38;
	[tilespmem:$0x8D00] =	vst v63  }
0xe9: {  	_ =	swait.ge [sflag:s11], $0x3C00  }
0xea: {  	[sflag:s11] =	ssyncset.done $0x0  }
0xeb: {  	[sflag:s11] =	ssyncadd.s32 $0xFFFFC400  }
0xec: {  	s21 =	sadd.s32 $0x1, s21  }
0xed: {  	p0 =	sne.s32 s21, s10  }
.Ltmp4:
0xee: {  	_ = 	snop;
	(pc) =	sbr.rel @p0 .LBB2_1-.Ltmp4, $1  }
0xef: {  	_ =	sdelay $0x3  }
0xf0: {  	_ =	sfence.sel $0x180000  }
0xf1: {  	[bflag:$0x0] =	sbarrier.arrive $0xFFFF  }
0xf2: {  	_ =	strace $0x9000004A  }
0xf3: {  	[bflag:$0x2] =	sbarrier.arrive $0xFFFF  }
0xf4: {  	p0 =	sne.s32 s4, $0x0;
	s0 =	rddreg [dreg:$0x1]  }
0xf5: {  	s0 =	sadd.s32 @!p0 $0x100000, s0  }
0xf6: {  	[sflag:s0] =	ssyncadd.tile.s32 @!p0 $0x1;
	_ =	shalt  }
.Lfunc_end2:
_tile_overlayer_lowered:
.L_overlay_start_2:
0xf7: {  	(tag) =	ssettag $0x2  }
0xf8: {  	s0 =	rddreg [dreg:$0x0];
	s2 =	stileid.u32  }
0xf9: {  	s1 =	rddreg [dreg:$0x1];
	p0 =	sne.s32 s2, $0x0  }
0xfa: {  	s3 =	rddreg [dreg:$0x2];
	[bflag:$0x3] =	sbarrier.arrive $0xFFFF;
	s2 =	simm.s32 @!p0 $0x1C02  }
0xfb: {  	[timem:s3], [sflag:s2] =	dma.local @!p0 [hbm:s0], s1  }
0xfc: {  	s0 =	simm.s32 @!p0 $0x2  }
0xfd: {  	_ =	swait.ge @!p0 [sflag:s0], s1  }
0xfe: {  	s1 =	ssub.s32 @!p0 $0x0, s1;
	[sflag:s0] =	ssyncset.done @!p0 $0x0  }
0xff: {  	[sflag:s0] =	ssyncadd.s32 @!p0 s1  }
0x100: {  	[bflag:$0x3] =	sbarrier.arrive $0xFFFF  }
0x101: {  	_ =	shalt  }

// kernel: kernel.20.cloned.1.call-start
scs
__scs_entry_jumppad:
0x0: {  	(pc) =	sbr.rel $0x88, $3  }
0x1: {  	(tag) =	ssettag $0x0;
	lr =	simm.s32 $0x1  }
0x2: {  	[smem:$0x3F7B] =	sst lr;
	_ =	strace $0xD0000000  }
0x3: {  	_ = 	snop  }
0x4: {  	_ = 	snop  }
0x5: {  	_ = 	snop  }
0x6: {  	_ = 	snop  }
0x7: {  	_ = 	snop  }
__scs_overlays_trampoline_lowered:
0x8: {  	[smem:$0x3F8A] =	sst s0  }
0x9: {  	[smem:$0x3F8B] =	sst s1  }
0xa: {  	[smem:$0x3F8C] =	sst s2  }
0xb: {  	[smem:$0x3F8D] =	sst s3  }
0xc: {  	[smem:$0x3F8E] =	sst s4  }
0xd: {  	[smem:$0x3F8F] =	sst s5  }
0xe: {  	[smem:$0x3F90] =	sst s6  }
0xf: {  	[smem:$0x3F91] =	sst s7  }
0x10: {  	[smem:$0x3F92] =	sst s8  }
0x11: {  	[smem:$0x3F93] =	sst s9;
	s0 =	simm.s32 @!p0 $0x0  }
0x12: {  	s1 =	sld [smem:$0x3F79];
	s0 =	simm.s32 @p0 $0x1  }
0x13: {  	[smem:$0x3F94] =	sst s0;
	s0 =	simm.s32 @!p1 $0x0  }
0x14: {  	s2 =	sld [smem:$0x3F78];
	s0 =	simm.s32 @p1 $0x1  }
0x15: {  	[smem:$0x3F95] =	sst s0;
	s0 =	simm.s32 @!p2 $0x0  }
0x16: {  	s3 =	sld [smem:$0x3FDB];
	s0 =	simm.s32 @p2 $0x1  }
0x17: {  	s4 =	simm.s32 $0x1BF5;
	[smem:$0x3F97] =	sst s0  }
0x18: {  	s0 =	sld [smem:$0x3F7A];
	_ =	swait.ge [sflag:s4], $0x0  }
0x19: {  	s7 =	sld [smem:$0x3F7B]  }
0x1a: {  	s8 =	sadd.s32 $0xFFFFE003, lr  }
0x1b: {  	s9 =	sadd.s32 $0xFFFFFEF7, lr;
	s5 =	simm.s32 $0xFFFFFFFF;
	p2 =	slt.u32 s8, $0xFFFFF086  }
0x1c: {  	p1 =	slt.u32 s9, $0xF7A;
	s5 =	simm.s32 @!p2 $0x0  }
0x1d: {  	s5 =	simm.s32 @p1 $0x1;
	p0 =	seq.s32 s7, s2  }
0x1e: {  	s7 =	smul.u32 @!p0 $0xF7A, s2;
	p2 =	seq.s32 @!p0 s5, $0x0  }
0x1f: {  	s9 =	smul.u32 $0xF7A, s1;
	s8 =	simm.s32 @!p0 $0x1BF5;
	p2 =	por !p2, p0  }
0x20: {  	[sflag:s8] =	ssyncset.s32 @!p0 $0xFFFFF086;
	s6 =	sadd.s32 @!p0 s3, s7;
	s7 =	simm.s32 @!p0 $0x108  }
0x21: {  	s3 =	sadd.s32 s3, s9;
	s6 =	sadd.s32 @!p0 $0x88, s6;
	s7 =	simm.s32 @p2 $0x1082  }
0x22: {  	[simem:s7], [sflag:s8] =	dma.local @!p0 [hbm:s6], $0xF7A  }
0x23: {  	s9 =	sor.u32 $0xD0000000, s2;
	s6 =	simm.s32 $0x108;
	_ =	swait.ge @!p0 [sflag:s8], $0x0  }
0x24: {  	s3 =	sadd.s32 $0x88, s3;
	s6 =	simm.s32 @!p1 $0x1082;
	[sflag:s4] =	ssyncset.s32 $0xFFFFF086  }
0x25: {  	[simem:s6], [sflag:s4] =	dma.local [hbm:s3], $0xF7A  }
0x26: {  	[smem:$0x3F7B] =	sst s1;
	(tag) =	ssettag s2;
	_ =	strace s9  }
0x27: {  	s1 =	sld [smem:$0x3F8B]  }
0x28: {  	s2 =	sld [smem:$0x3F8C]  }
0x29: {  	s4 =	sld [smem:$0x3F8E]  }
0x2a: {  	p0 =	seq.s32 s5, $0x0;
	s5 =	sld [smem:$0x3F8F]  }
0x2b: {  	s6 =	sld [smem:$0x3F90]  }
0x2c: {  	s7 =	sld [smem:$0x3F91]  }
0x2d: {  	s3 =	simm.s32 $0x108;
	s8 =	sld [smem:$0x3F92]  }
0x2e: {  	s3 =	simm.s32 @!p0 $0x1082;
	s9 =	sld [smem:$0x3F93]  }
0x2f: {  	lr =	sadd.s32 s0, s3;
	s0 =	sld [smem:$0x3F8A]  }
0x30: {  	s3 =	sld [smem:$0x3F8D]  }
0x31: {  	[smem:$0x3F96] =	sst s10  }
0x32: {  	s10 =	sld [smem:$0x3F94];
	_ =	sdelay $0x3  }
0x33: {  	p0 =	seq.s32 s10, $0x1;
	s10 =	sld [smem:$0x3F96];
	_ =	sdelay $0x3  }
0x34: {  	[smem:$0x3F96] =	sst s10  }
0x35: {  	s10 =	sld [smem:$0x3F95];
	_ =	sdelay $0x3  }
0x36: {  	p1 =	seq.s32 s10, $0x1;
	s10 =	sld [smem:$0x3F96];
	_ =	sdelay $0x3  }
0x37: {  	[smem:$0x3F96] =	sst s10  }
0x38: {  	s10 =	sld [smem:$0x3F97]  }
0x39: {  	_ = 	snop;
	(pc) =	sbr.ind lr, $3  }
0x3a: {  	_ = 	snop  }
0x3b: {  	_ = 	snop  }
0x3c: {  	p2 =	seq.s32 s10, $0x1;
	s10 =	sld [smem:$0x3F96]  }
0x3d: {  	_ =	shalt  }
0x3e: {  	_ =	shalt  }
0x3f: {  	_ =	shalt  }
0x40: {  	_ =	shalt  }
0x41: {  	_ =	shalt  }
0x42: {  	_ =	shalt  }
0x43: {  	_ =	shalt  }
0x44: {  	_ =	shalt  }
0x45: {  	_ =	shalt  }
0x46: {  	_ =	shalt  }
0x47: {  	_ =	shalt  }
0x48: {  	_ =	shalt  }
0x49: {  	_ =	shalt  }
0x4a: {  	_ =	shalt  }
0x4b: {  	_ =	shalt  }
0x4c: {  	_ =	shalt  }
0x4d: {  	_ =	shalt  }
0x4e: {  	_ =	shalt  }
0x4f: {  	_ =	shalt  }
0x50: {  	_ =	shalt  }
0x51: {  	_ =	shalt  }
0x52: {  	_ =	shalt  }
0x53: {  	_ =	shalt  }
0x54: {  	_ =	shalt  }
0x55: {  	_ =	shalt  }
0x56: {  	_ =	shalt  }
0x57: {  	_ =	shalt  }
0x58: {  	_ =	shalt  }
0x59: {  	_ =	shalt  }
0x5a: {  	_ =	shalt  }
0x5b: {  	_ =	shalt  }
0x5c: {  	_ =	shalt  }
0x5d: {  	_ =	shalt  }
0x5e: {  	_ =	shalt  }
0x5f: {  	_ =	shalt  }
0x60: {  	_ =	shalt  }
0x61: {  	_ =	shalt  }
0x62: {  	_ =	shalt  }
0x63: {  	_ =	shalt  }
0x64: {  	_ =	shalt  }
0x65: {  	_ =	shalt  }
0x66: {  	_ =	shalt  }
0x67: {  	_ =	shalt  }
0x68: {  	_ =	shalt  }
0x69: {  	_ =	shalt  }
0x6a: {  	_ =	shalt  }
0x6b: {  	_ =	shalt  }
0x6c: {  	_ =	shalt  }
0x6d: {  	_ =	shalt  }
0x6e: {  	_ =	shalt  }
0x6f: {  	_ =	shalt  }
0x70: {  	_ =	shalt  }
0x71: {  	_ =	shalt  }
0x72: {  	_ =	shalt  }
0x73: {  	_ =	shalt  }
0x74: {  	_ =	shalt  }
0x75: {  	_ =	shalt  }
0x76: {  	_ =	shalt  }
0x77: {  	_ =	shalt  }
0x78: {  	_ =	shalt  }
0x79: {  	_ =	shalt  }
0x7a: {  	_ =	shalt  }
0x7b: {  	_ =	shalt  }
0x7c: {  	_ =	shalt  }
0x7d: {  	_ =	shalt  }
0x7e: {  	_ =	shalt  }
0x7f: {  	_ =	shalt  }
0x80: {  	_ =	shalt  }
0x81: {  	_ =	shalt  }
0x82: {  	_ =	shalt  }
0x83: {  	_ =	shalt  }
0x84: {  	_ =	shalt  }
0x85: {  	_ =	shalt  }
0x86: {  	_ =	shalt  }
0x87: {  	_ =	shalt  }
.Lfunc_end0:
.L_simem_size_0:
called_computation.2_lowered:
.L_overlay_start_0:
0x88: {  	s2 =	sld [smem:$0x3FD9]  }
0x89: {  	s3 =	sld [smem:$0x3FFE];
	_ =	sdelay $0x1  }
0x8a: {  	s1 =	srdreg.scid  }
0x8b: {  	s0 =	sand.u32 $0x1, s1  }
0x8c: {  	s16 =	sshll.u32 s0, $0xA;
	s2 =	sadd.s32 s3, s2  }
0x8d: {  	s2 =	sadd.s32 s2, s16  }
0x8e: {  	[smem:$0x3FA2] =	sst s2  }
0x8f: {  	_ = 	snop  }
0x90: {  	(tm) =	ssettm $0x1  }
0x91: {  	s17 =	sld [smem:$0x3FFB];
	_ =	sdelay $0x3  }
0x92: {  	_ =	strace s17  }
0x93: {  	s2 =	sld [smem:$0x3FFC];
	_ =	sdelay $0x3  }
0x94: {  	_ =	strace s2  }
0x95: {  	s2 =	sld [smem:$0x3FFD];
	_ =	sdelay $0x3  }
0x96: {  	_ =	strace s2  }
0x97: {  	_ =	strace $0x8FFFFFFF  }
0x98: {  	s18 =	sld [smem:$0x3FDB];
	_ =	sdelay $0x1  }
0x99: {  	s19 =	simm.s32 $_scs_section_size  }
0x9a: {  	s4 =	simm.s32 $_size__tile_overlayer_lowered;
	s5 =	simm.s32 $_tile_overlayer_lowered  }
0x9b: {  	s22 =	simm.s32 $0x1BFF;
	s21 =	sshll.u32 s5, $0x1;
	s2 =	sadd.s32 s19, s18  }
0x9c: {  	s6 =	simm.s32 $0x0;
	s20 =	sshll.u32 s4, $0x1;
	s4 =	sadd.s32 s21, s2  }
0x9d: {  	[timem:s6], [sflag:s22] =	dma.local [hbm:s4], s20  }
0x9e: {  	_ =	swait.ge [sflag:s22], s20  }
0x9f: {  	s3 =	ssub.s32 $0x0, s20;
	[sflag:s22] =	ssyncset.done $0x0  }
0xa0: {  	[sflag:s22] =	ssyncadd.s32 s3;
	_ =	sdelay $0x1  }
0xa1: {  	s23 =	simm.s32 $0x1B8B  }
0xa2: {  	_ =	swait.ge [sflag:s23], $0x1  }
0xa3: {  	[sflag:s23] =	ssyncset.done $0x0  }
0xa4: {  	s25 =	simm.s32 $0x1B8E;
	s24 =	sld [smem:$0x3FFE];
	[sflag:s23] =	ssyncadd.s32 $0xFFFFFFFF  }
0xa5: {  	s26 =	simm.s32 $execute0_lowered;
	[smem:$0x3FD2] =	sst s25  }
0xa6: {  	s4 =	sshll.u32 s26, $0x1;
	_ =	strace $0x8000004C;
	[dreg:$0x1] =	wrdreg $0xFFFFFFFF  }
0xa7: {  	s28 =	simm.s32 $_size_execute0_lowered;
	s2 =	sadd.s32 s2, s4;
	[dreg:$0x0] =	wrdreg $0x0  }
0xa8: {  	s4 =	sshll.u32 s28, $0x1;
	[dreg:$0x2] =	wrdreg s2  }
0xa9: {  	[dreg:$0x3] =	wrdreg s4  }
0xaa: {  	[dreg:$0x4] =	wrdreg $0xC0  }
0xab: {  	_ =	task [dreg:s6], $0x5FFFF  }
0xac: {  	[dreg:$0x1] =	wrdreg $0xFFFFFFFF  }
0xad: {  	[dreg:$0x0] =	wrdreg $0x60  }
0xae: {  	[dreg:$0x2] =	wrdreg s24  }
0xaf: {  	[dreg:$0x3] =	wrdreg $0x9  }
0xb0: {  	_ =	task.clear_ibuf [dreg:s6], $0x4FFFF;
	_ =	strace $0x9000004C  }
0xb1: {  	s29 =	simm.s32 $0x9;
	_ =	strace $0x8000004E  }
0xb2: {  	_ =	swait.ge [sflag:s29], $0x1  }
0xb3: {  	[sflag:s29] =	ssyncadd.s32 $0xFFFFFFFF  }
0xb4: {  	_ =	strace $0x9000004E  }
0xb5: {  	_ =	sfence  }
0xb6: {  	s30 =	sld [smem:$0x0];
	_ =	sdelay $0x2  }
0xb7: {  	s31 =	sshll.u32 s1, $0xD;
	s1 =	sshrl.u32 s1, $0x2  }
0xb8: {  	s3 =	sand.u32 $0x4000, s31;
	s1 =	sadd.s32 s1, s30  }
0xb9: {  	s0 =	sor.u32 s3, s0;
	s1 =	sshll.u32 s1, $0x11  }
0xba: {  	s0 =	sor.u32 s1, s0  }
0xbb: {  	s0 =	sadd.s32 $0x8F2B, s0  }
0xbc: {  	[sflag:s0] =	ssyncadd.remote.s32 $0x1  }
0xbd: {  	_ =	sfence.sel $0xFFFF  }
0xbe: {  	[dreg:$0x0] =	wrdreg $0xFFFFFFFF;
	(pc) =	sbr.abs _section_cstart, $3  }
0xbf: {  	[dreg:$0x1] =	wrdreg $0xFFFFFFFF  }
0xc0: {  	_ =	task.clear_ibuf [dreg:s6], $0x2FFFF;
	_ =	strace $0x9FFFFFFF  }
0xc1: {  	(tm) =	ssettm $0x7FFFFFFF  }
tec
execute0_lowered:
.L_overlay_start_1:
0x0: {  	(tag) =	ssettag $0x1  }
0x1: {  	s8 =	rddreg [dreg:$0x0]  }
0x2: {  	s1 =	simm.s32 $0x0;
	s4 =	srdreg.scid;
	s12 =	simm.s32 $0x80  }
0x3: {  	s13 =	simm.s32 $0x28;
	s14 =	simm.s32 $0x1;
	s15 =	simm.s32 $0x2900  }
0x4: {  	s16 =	simm.s32 $0x3100;
	s17 =	simm.s32 $0x3900;
	s18 =	simm.s32 $0x4100  }
0x5: {  	s19 =	simm.s32 $0x4900;
	s20 =	simm.s32 $0x5100;
	s21 =	simm.s32 $0x0  }
0x6: {  	[smem:$0x7FF] =	sst s1;
	s2 =	sadd.s32 $0x14400, s8;
	s3 =	sadd.s32 $0xA600, s8  }
0x7: {  	v3 =	vlaneseq.u32;
	v0 =	vimm.f32 $0.0e+00;
	vm0 =	vmmov $0xffff;
	s5 =	sadd.s32 $0x76200, s8;
	s6 =	sadd.s32 $0x9E200, s8;
	s7 =	sand.u32 $0x1, s4  }
0x8: {  	v4 =	vimm.s32 $0x0;
	v5 =	vimm.s32 $0x1;
	v6 =	vimm.s32 $0x2;
	s4 =	stileid.u32;
	_ =	strace $0x8000004D;
	s9 =	ssub.s32 $0x2, s7  }
0x9: {  	v7 =	vimm.s32 $0x3;
	v8 =	vimm.s32 $0x4;
	v9 =	vimm.s32 $0x5;
	s10 =	sshll.u32 s7, $0x4;
	s7 =	sadd.s32 $0x28000, s8;
	s11 =	sshrl.u32 s9, $0x1  }
0xa: {  	v10 =	vimm.s32 $0x6;
	v11 =	vimm.s32 $0x7;
	v2 =	vshrl.u32 v3, $0x3;
	s8 =	sadd.s32 $0xF1E200, s8;
	s10 =	sor.u32 s4, s10;
	s11 =	ssub.s32 s9, s11  }
0xb: {  	v1 =	vand.u32 $0x7, v3;
	v3 =	vor.u32 $0x8, v3;
	v2 =	vmul.u32 $0x8, v2;
	s9 =	smul.u32 $0x2710, s10;
	s10 =	smax.u32 s11, $0x1;
	s11 =	simm.s32 $0x2  }
.LBB2_1:
0xc: {  	s22 =	simm.s32 $0x0  }
0xd: {  	s22 =	smul.u32 $0x3000, s22;
	_ =	sdelay $0x1  }
0xe: {  	s23 =	sand.u32 $0x380, s1;
	s22 =	sshra.s32 s22, $0x2  }
0xf: {  	s22 =	sor.u32 s23, s22  }
0x10: {  	[tilespmem:s22+$0x5970] =	vst v0  }
0x11: {  	[tilespmem:s22+$0x5910] =	vst v0  }
0x12: {  	s25 =	simm.s32 $0x0;
	s24 =	simm.s32 $0x2;
	s23 =	simm.s32 $0x0;
	[tilespmem:s22+$0x5920] =	vst v0  }
.LBB2_2:
0x13: {  	p0 =	sne.s32 s24, $0x27;
	s25 =	smul.u32 $0x3000, s25;
	[tilespmem:s22+$0x5930] =	vst v0  }
0x14: {  	s23 =	sadd.s32 $0x80, s23;
	[tilespmem:s22+$0x5940] =	vst v0  }
.Ltmp0:
0x15: {  	s26 =	sand.u32 $0x380, s23;
	s25 =	sshra.s32 s25, $0x2;
	[tilespmem:s22+$0x5950] =	vst v0;
	(pc) =	sbr.rel @p0 .LBB2_2-.Ltmp0, $4  }
0x16: {  	[tilespmem:s22+$0x5960] =	vst v0;
	s22 =	sor.u32 s26, s25  }
0x17: {  	[tilespmem:s22+$0x5970] =	vst v0  }
0x18: {  	[tilespmem:s22+$0x5910] =	vst v0  }
0x19: {  	s25 =	sshrl.u32 s24, $0x3;
	s24 =	sadd.s32 $0x1, s24;
	[tilespmem:s22+$0x5920] =	vst v0  }
0x1a: {  	s24 =	smul.u32 $0x3000, s25;
	[tilespmem:s22+$0x5930] =	vst v0  }
0x1b: {  	[tilespmem:s22+$0x5940] =	vst v0;
	s23 =	sadd.s32 $0x80, s23  }
0x1c: {  	[tilespmem:s22+$0x5950] =	vst v0;
	s23 =	sand.u32 $0x380, s23;
	s24 =	sshra.s32 s24, $0x2  }
0x1d: {  	[tilespmem:s22+$0x5960] =	vst v0;
	s23 =	sor.u32 s23, s24  }
0x1e: {  	[tilespmem:s23+$0x5970] =	vst v0  }
0x1f: {  	[tilespmem:s23+$0x5910] =	vst v0  }
0x20: {  	[tilespmem:s23+$0x5920] =	vst v0  }
0x21: {  	[tilespmem:s23+$0x5930] =	vst v0  }
0x22: {  	[tilespmem:s23+$0x5940] =	vst v0  }
0x23: {  	[tilespmem:s23+$0x5950] =	vst v0  }
0x24: {  	s22 =	simm.s32 $0x0;
	[tilespmem:s23+$0x5960] =	vst v0;
	s23 =	simm.s32 $0x0  }
.LBB2_4:
0x25: {  	s24 =	smul.u32 $0x28, s23;
	_ =	sdelay $0x1  }
0x26: {  	s24 =	sadd.s32 s9, s24  }
0x27: {  	s24 =	sshrl.u32 s24, $0x3  }
0x28: {  	s25 =	sadd.s32 s2, s24  }
0x29: {  	[tilespmem:s22], [sflag:$0x2] =	stream.linear.gather [hbm4b:s25+s22], $0x28, $0x38;
	[tilespmem:$0x8D00] =	vst v63  }
0x2a: {  	_ =	swait.ge [sflag:s11], $0x28  }
0x2b: {  	[sflag:s11] =	ssyncset.done $0x0  }
0x2c: {  	s31 =	sadd.s32 s3, s24;
	[sflag:s11] =	ssyncadd.s32 $0xFFFFFFD8  }
0x2d: {  	[tilespmem:s12], [sflag:$0x2] =	stream.linear.gather [hbm4b:s31+s22], $0x28, $0x38;
	[tilespmem:$0x8D00] =	vst v63  }
0x2e: {  	_ =	swait.ge [sflag:s11], $0x28  }
0x2f: {  	[sflag:s11] =	ssyncset.done $0x0  }
0x30: {  	s25 =	simm.s32 $0x100;
	[sflag:s11] =	ssyncadd.s32 $0xFFFFFFD8  }
0x31: {  	[tilespmem:s25], [sflag:$0x1] =	stream.indirect.gather [hbm4b:s5+s13], $0x80, s22, s13, $0xb8;
	[tilespmem:$0x8D00] =	vst v63  }
0x32: {  	_ =	swait.ge [sflag:s14], $0x1400  }
0x33: {  	[sflag:s14] =	ssyncset.done $0x0  }
0x34: {  	s26 =	simm.s32 $0x1500;
	[sflag:s14] =	ssyncadd.s32 $0xFFFFEC00  }
0x35: {  	[tilespmem:s26], [sflag:$0x1] =	stream.indirect.gather [hbm4b:s6+s13], $0x80, s12, s13, $0xb8;
	[tilespmem:$0x8D00] =	vst v63  }
0x36: {  	_ =	swait.ge [sflag:s14], $0x1400  }
0x37: {  	[sflag:s14] =	ssyncset.done $0x0  }
0x38: {  	[sflag:s14] =	ssyncadd.s32 $0xFFFFEC00  }
0x39: {  	v12 =	vld [tilespmem:$0x0];
	_ =	sdelay $0x4  }
0x3a: {  	v13 =	vshll.u32 v12, $0x1  }
0x3b: {  	v12 =	vand.u32 $0x7, v12;
	v13 =	vand.u32 $0xFFFFFFF0, v13  }
0x3c: {  	v12 =	vor.u32 v12, v13  }
0x3d: {  	v13 =	vperm.xlane v12, v1;
	_ =	sdelay $0x1  }
0x3e: {  	v12 =	vperm.xlane v12, v3;
	v13 =	vadd.s32 v2, v13;
	_ =	sdelay $0x1  }
0x3f: {  	v12 =	vadd.s32 v2, v12;
	_ =	sdelay $0x2  }
0x40: {  	[tilespmem:s15], [sflag:$0x1] =	stream.indirect_vreg.gather [hbm4b:s7+s22], $0x80, v13, vm0, $0xb8;
	[tilespmem:$0x8D00] =	vst v63  }
0x41: {  	_ = 	snop  }
0x42: {  	[tilespmem:s16], [sflag:$0x1] =	stream.indirect_vreg.gather [hbm4b:s7+s22], $0x80, v12, vm0, $0xb8;
	[tilespmem:$0x8D00] =	vst v63  }
0x43: {  	v12 =	vld [tilespmem:$0x10];
	_ =	sdelay $0x4  }
0x44: {  	v13 =	vshll.u32 v12, $0x1  }
0x45: {  	v12 =	vand.u32 $0x7, v12;
	v13 =	vand.u32 $0xFFFFFFF0, v13  }
0x46: {  	v12 =	vor.u32 v12, v13  }
0x47: {  	v13 =	vperm.xlane v12, v1;
	_ =	sdelay $0x1  }
0x48: {  	v12 =	vperm.xlane v12, v3;
	v13 =	vadd.s32 v2, v13;
	_ =	sdelay $0x1  }
0x49: {  	v12 =	vadd.s32 v2, v12;
	_ =	sdelay $0x2  }
0x4a: {  	[tilespmem:s17], [sflag:$0x1] =	stream.indirect_vreg.gather [hbm4b:s7+s22], $0x80, v13, vm0, $0xb8;
	[tilespmem:$0x8D00] =	vst v63  }
0x4b: {  	_ = 	snop  }
0x4c: {  	[tilespmem:s18], [sflag:$0x1] =	stream.indirect_vreg.gather [hbm4b:s7+s22], $0x80, v12, vm0, $0xb8;
	[tilespmem:$0x8D00] =	vst v63  }
0x4d: {  	v12 =	vld.msk [tilespmem:$0x20], $0xff;
	_ =	sdelay $0x4  }
0x4e: {  	v13 =	vshll.u32 v12, $0x1  }
0x4f: {  	v12 =	vand.u32 $0x7, v12;
	v13 =	vand.u32 $0xFFFFFFF0, v13  }
0x50: {  	v12 =	vor.u32 v12, v13  }
0x51: {  	v12 =	vperm.xlane v12, v1;
	_ =	sdelay $0x1  }
0x52: {  	v12 =	vadd.s32 v2, v12;
	_ =	sdelay $0x4  }
0x53: {  	[tilespmem:s19], [sflag:$0x1] =	stream.indirect_vreg.gather [hbm4b:s7+s22], $0x80, v12, vm0, $0xb8;
	[tilespmem:$0x8D00] =	vst v63  }
0x54: {  	_ =	swait.ge [sflag:s14], $0x2800  }
0x55: {  	[sflag:s14] =	ssyncset.done $0x0  }
0x56: {  	[sflag:s14] =	ssyncadd.s32 $0xFFFFD800  }
0x57: {  	v12 =	vld [tilespmem:s25+$0x0]  }
0x58: {  	v13 =	vld [tilespmem:s26+$0x0];
	_ =	sdelay $0x4  }
0x59: {  	v12 =	vadd.f32 v13, v12;
	_ =	sdelay $0x1  }
0x5a: {  	v13 =	vmul.f32 $2.000000030e-01, v12  }
0x5b: {  	vm1 =	vge.f32 v12, $0.0e+00  }
0x5c: {  	v12 =	vsel vm1, v12, v13  }
0x5d: {  	v12 =	vmul.f32 $1.442695020e+00, v12;
	_ =	sdelay $0x1  }
0x5e: {  	(erf) = vpow2.f32 v12;
	_ =	sdelay $0x3  }
0x5f: {  	s28 =	simm.s32 $0x0  }
0x60: {  	s29 =	sand.u32 $0x380, s22;
	s28 =	sand.u32 $0x3FFFF800, s28  }
0x61: {  	s30 =	sor.u32 s29, s28  }
0x62: {  	v12 =	vld [tilespmem:s30+$0x2900];
	_ =	sdelay $0x1  }
0x63: {  	s28 =	simm.s32 $0x0;
	v13 =	vpop (erf)  }
0x64: {  	s28 =	smul.u32 $0x3000, s28;
	v14 =	vperm.xlane v13, v4;
	_ =	sdelay $0x1  }
0x65: {  	s28 =	sshra.s32 s28, $0x2;
	v12 =	vmul.f32 v12, v14  }
0x66: {  	s28 =	sor.u32 s29, s28  }
0x67: {  	[tilespmem:s28+$0x5100] =	vst v12  }
0x68: {  	v12 =	vld [tilespmem:s30+$0x2910];
	_ =	sdelay $0x4  }
0x69: {  	v12 =	vmul.f32 v12, v14;
	_ =	sdelay $0x1  }
0x6a: {  	[tilespmem:s28+$0x5110] =	vst v12  }
0x6b: {  	v12 =	vld [tilespmem:s30+$0x2920];
	_ =	sdelay $0x2  }
0x6c: {  	v14 =	vperm.xlane v13, v5;
	_ =	sdelay $0x1  }
0x6d: {  	v12 =	vmul.f32 v12, v14;
	_ =	sdelay $0x1  }
0x6e: {  	[tilespmem:s28+$0x5120] =	vst v12  }
0x6f: {  	v12 =	vld [tilespmem:s30+$0x2930];
	_ =	sdelay $0x4  }
0x70: {  	v12 =	vmul.f32 v12, v14;
	_ =	sdelay $0x1  }
0x71: {  	[tilespmem:s28+$0x5130] =	vst v12  }
0x72: {  	v12 =	vld [tilespmem:s30+$0x2940];
	_ =	sdelay $0x2  }
0x73: {  	v14 =	vperm.xlane v13, v6;
	_ =	sdelay $0x1  }
0x74: {  	v12 =	vmul.f32 v12, v14;
	_ =	sdelay $0x1  }
0x75: {  	[tilespmem:s28+$0x5140] =	vst v12  }
0x76: {  	v12 =	vld [tilespmem:s30+$0x2950];
	_ =	sdelay $0x4  }
0x77: {  	v12 =	vmul.f32 v12, v14;
	_ =	sdelay $0x1  }
0x78: {  	[tilespmem:s28+$0x5150] =	vst v12  }
0x79: {  	v12 =	vld [tilespmem:s30+$0x2960];
	_ =	sdelay $0x2  }
0x7a: {  	v14 =	vperm.xlane v13, v7;
	_ =	sdelay $0x1  }
0x7b: {  	v12 =	vmul.f32 v12, v14;
	_ =	sdelay $0x1  }
0x7c: {  	[tilespmem:s28+$0x5160] =	vst v12  }
0x7d: {  	v12 =	vld [tilespmem:s30+$0x2970];
	_ =	sdelay $0x4  }
0x7e: {  	v12 =	vmul.f32 v12, v14;
	_ =	sdelay $0x1  }
0x7f: {  	[tilespmem:s28+$0x5170] =	vst v12  }
0x80: {  	v12 =	vld [tilespmem:s30+$0x2D00];
	_ =	sdelay $0x2  }
0x81: {  	v14 =	vperm.xlane v13, v8;
	_ =	sdelay $0x1  }
0x82: {  	v12 =	vmul.f32 v12, v14;
	_ =	sdelay $0x1  }
0x83: {  	[tilespmem:s28+$0x5500] =	vst v12  }
0x84: {  	v12 =	vld [tilespmem:s30+$0x2D10];
	_ =	sdelay $0x4  }
0x85: {  	v12 =	vmul.f32 v12, v14;
	_ =	sdelay $0x1  }
0x86: {  	[tilespmem:s28+$0x5510] =	vst v12  }
0x87: {  	v12 =	vld [tilespmem:s30+$0x2D20];
	_ =	sdelay $0x2  }
0x88: {  	v14 =	vperm.xlane v13, v9;
	_ =	sdelay $0x1  }
0x89: {  	v12 =	vmul.f32 v12, v14;
	_ =	sdelay $0x1  }
0x8a: {  	[tilespmem:s28+$0x5520] =	vst v12  }
0x8b: {  	v12 =	vld [tilespmem:s30+$0x2D30];
	_ =	sdelay $0x4  }
0x8c: {  	v12 =	vmul.f32 v12, v14;
	_ =	sdelay $0x1  }
0x8d: {  	[tilespmem:s28+$0x5530] =	vst v12  }
0x8e: {  	v12 =	vld [tilespmem:s30+$0x2D40];
	_ =	sdelay $0x2  }
0x8f: {  	v14 =	vperm.xlane v13, v10;
	_ =	sdelay $0x1  }
0x90: {  	v12 =	vmul.f32 v12, v14;
	_ =	sdelay $0x1  }
0x91: {  	[tilespmem:s28+$0x5540] =	vst v12  }
0x92: {  	v12 =	vld [tilespmem:s30+$0x2D50];
	_ =	sdelay $0x4  }
0x93: {  	v12 =	vmul.f32 v12, v14;
	_ =	sdelay $0x1  }
0x94: {  	[tilespmem:s28+$0x5550] =	vst v12  }
0x95: {  	v12 =	vld [tilespmem:s30+$0x2D60];
	_ =	sdelay $0x2  }
0x96: {  	v14 =	vperm.xlane v13, v11;
	_ =	sdelay $0x1  }
0x97: {  	v12 =	vmul.f32 v12, v14;
	_ =	sdelay $0x1  }
0x98: {  	[tilespmem:s28+$0x5560] =	vst v12  }
0x99: {  	p0 =	por $0x1, $0x1;
	v12 =	vld [tilespmem:s30+$0x2D70]  }
.Ltmp1:
0x9a: {  	_ = 	snop;
	(pc) =	sbr.rel @!p0 .LBB2_6-.Ltmp1, $2  }
0x9b: {  	_ =	sdelay $0x2  }
0x9c: {  	s29 =	simm.s32 $0x1;
	[tilespmem:s28+$0x5900] =	vst v13;
	s30 =	simm.s32 $0x0;
	v12 =	vmul.f32 v12, v14  }
.LBB2_5:
0x9d: {  	_ = 	snop  }
0x9e: {  	s30 =	sadd.s32 $0x80, s30;
	s25 =	sadd.s32 $0x80, s25;
	s26 =	sadd.s32 $0x80, s26;
	[tilespmem:s28+$0x5570] =	vst v12  }
0x9f: {  	p0 =	sne.s32 s29, $0x27;
	s28 =	smov.u32 s29;
	s29 =	sadd.s32 $0x1, s29;
	v12 =	vld [tilespmem:s25+$0x0]  }
0xa0: {  	v13 =	vld [tilespmem:s26+$0x0];
	_ =	sdelay $0x4  }
0xa1: {  	v12 =	vadd.f32 v13, v12;
	_ =	sdelay $0x1  }
0xa2: {  	v13 =	vmul.f32 $2.000000030e-01, v12  }
0xa3: {  	vm1 =	vge.f32 v12, $0.0e+00  }
0xa4: {  	v12 =	vsel vm1, v12, v13  }
0xa5: {  	v12 =	vmul.f32 $1.442695020e+00, v12;
	_ =	sdelay $0x1  }
0xa6: {  	(erf) = vpow2.f32 v12;
	_ =	sdelay $0x3  }
0xa7: {  	s31 =	sshll.u32 s28, $0x8  }
0xa8: {  	s0 =	sand.u32 $0x380, s30;
	s31 =	sand.u32 $0x3FFFF800, s31  }
0xa9: {  	s31 =	sor.u32 s0, s31  }
0xaa: {  	v13 =	vld [tilespmem:s31+$0x2900];
	_ =	sdelay $0x1  }
0xab: {  	s28 =	sshrl.u32 s28, $0x3;
	v12 =	vpop (erf)  }
0xac: {  	s28 =	smul.u32 $0x3000, s28;
	v14 =	vperm.xlane v12, v4;
	_ =	sdelay $0x1  }
0xad: {  	s28 =	sshra.s32 s28, $0x2;
	v13 =	vmul.f32 v13, v14  }
0xae: {  	s28 =	sor.u32 s0, s28  }
0xaf: {  	[tilespmem:s28+$0x5100] =	vst v13  }
0xb0: {  	v13 =	vld [tilespmem:s31+$0x2910];
	_ =	sdelay $0x4  }
0xb1: {  	v13 =	vmul.f32 v13, v14;
	_ =	sdelay $0x1  }
0xb2: {  	[tilespmem:s28+$0x5110] =	vst v13  }
0xb3: {  	v13 =	vld [tilespmem:s31+$0x2920];
	_ =	sdelay $0x2  }
0xb4: {  	v14 =	vperm.xlane v12, v5;
	_ =	sdelay $0x1  }
0xb5: {  	v13 =	vmul.f32 v13, v14;
	_ =	sdelay $0x1  }
0xb6: {  	[tilespmem:s28+$0x5120] =	vst v13  }
0xb7: {  	v13 =	vld [tilespmem:s31+$0x2930];
	_ =	sdelay $0x4  }
0xb8: {  	v13 =	vmul.f32 v13, v14;
	_ =	sdelay $0x1  }
0xb9: {  	[tilespmem:s28+$0x5130] =	vst v13  }
0xba: {  	v13 =	vld [tilespmem:s31+$0x2940];
	_ =	sdelay $0x2  }
0xbb: {  	v14 =	vperm.xlane v12, v6;
	_ =	sdelay $0x1  }
0xbc: {  	v13 =	vmul.f32 v13, v14;
	_ =	sdelay $0x1  }
0xbd: {  	[tilespmem:s28+$0x5140] =	vst v13  }
0xbe: {  	v13 =	vld [tilespmem:s31+$0x2950];
	_ =	sdelay $0x4  }
0xbf: {  	v13 =	vmul.f32 v13, v14;
	_ =	sdelay $0x1  }
0xc0: {  	[tilespmem:s28+$0x5150] =	vst v13  }
0xc1: {  	v13 =	vld [tilespmem:s31+$0x2960];
	_ =	sdelay $0x2  }
0xc2: {  	v14 =	vperm.xlane v12, v7;
	_ =	sdelay $0x1  }
0xc3: {  	v13 =	vmul.f32 v13, v14;
	_ =	sdelay $0x1  }
0xc4: {  	[tilespmem:s28+$0x5160] =	vst v13  }
0xc5: {  	v13 =	vld [tilespmem:s31+$0x2970];
	_ =	sdelay $0x4  }
0xc6: {  	v13 =	vmul.f32 v13, v14;
	_ =	sdelay $0x1  }
0xc7: {  	[tilespmem:s28+$0x5170] =	vst v13  }
0xc8: {  	v13 =	vld [tilespmem:s31+$0x2D00];
	_ =	sdelay $0x2  }
0xc9: {  	v14 =	vperm.xlane v12, v8;
	_ =	sdelay $0x1  }
0xca: {  	v13 =	vmul.f32 v13, v14;
	_ =	sdelay $0x1  }
0xcb: {  	[tilespmem:s28+$0x5500] =	vst v13  }
0xcc: {  	v13 =	vld [tilespmem:s31+$0x2D10];
	_ =	sdelay $0x4  }
0xcd: {  	v13 =	vmul.f32 v13, v14;
	_ =	sdelay $0x1  }
0xce: {  	[tilespmem:s28+$0x5510] =	vst v13  }
0xcf: {  	v13 =	vld [tilespmem:s31+$0x2D20];
	_ =	sdelay $0x2  }
0xd0: {  	v14 =	vperm.xlane v12, v9;
	_ =	sdelay $0x1  }
0xd1: {  	v13 =	vmul.f32 v13, v14;
	_ =	sdelay $0x1  }
0xd2: {  	[tilespmem:s28+$0x5520] =	vst v13  }
0xd3: {  	v13 =	vld [tilespmem:s31+$0x2D30];
	_ =	sdelay $0x4  }
0xd4: {  	v13 =	vmul.f32 v13, v14;
	_ =	sdelay $0x1  }
0xd5: {  	[tilespmem:s28+$0x5530] =	vst v13  }
0xd6: {  	v13 =	vld [tilespmem:s31+$0x2D40];
	_ =	sdelay $0x2  }
0xd7: {  	v14 =	vperm.xlane v12, v10;
	_ =	sdelay $0x1  }
0xd8: {  	v13 =	vmul.f32 v13, v14;
	_ =	sdelay $0x1  }
0xd9: {  	[tilespmem:s28+$0x5540] =	vst v13  }
0xda: {  	v13 =	vld [tilespmem:s31+$0x2D50];
	_ =	sdelay $0x4  }
0xdb: {  	v13 =	vmul.f32 v13, v14;
	_ =	sdelay $0x1  }
0xdc: {  	[tilespmem:s28+$0x5550] =	vst v13  }
0xdd: {  	v13 =	vld [tilespmem:s31+$0x2D60];
	_ =	sdelay $0x2  }
0xde: {  	v14 =	vperm.xlane v12, v11;
	_ =	sdelay $0x1  }
0xdf: {  	v13 =	vmul.f32 v13, v14;
	_ =	sdelay $0x1  }
0xe0: {  	[tilespmem:s28+$0x5560] =	vst v13  }
0xe1: {  	v13 =	vld [tilespmem:s31+$0x2D70]  }
.Ltmp2:
0xe2: {  	[tilespmem:s28+$0x5900] =	vst v12;
	(pc) =	sbr.rel @p0 .LBB2_5-.Ltmp2, $2  }
0xe3: {  	_ =	sdelay $0x2  }
0xe4: {  	v12 =	vmul.f32 v13, v14  }
.LBB2_6:
0xe5: {  	s0 =	smul.u32 $0x180, s24;
	s23 =	sadd.s32 $0x1, s23  }
0xe6: {  	p0 =	sne.s32 s23, $0xFA  }
.Ltmp3:
0xe7: {  	[tilespmem:s28+$0x5570] =	vst v12;
	s0 =	sadd.s32 s8, s0;
	(pc) =	sbr.rel @p0 .LBB2_4-.Ltmp3, $4  }
0xe8: {  	[hbm4b:s0+s1] =	stream.linear.scatter [tilespmem:s20], [sflag:$0x2], $0x3C00, $0x38;
	[tilespmem:$0x8D00] =	vst v63  }
0xe9: {  	_ =	swait.ge [sflag:s11], $0x3C00  }
0xea: {  	[sflag:s11] =	ssyncset.done $0x0  }
0xeb: {  	[sflag:s11] =	ssyncadd.s32 $0xFFFFC400  }
0xec: {  	s21 =	sadd.s32 $0x1, s21  }
0xed: {  	p0 =	sne.s32 s21, s10  }
.Ltmp4:
0xee: {  	_ = 	snop;
	(pc) =	sbr.rel @p0 .LBB2_1-.Ltmp4, $1  }
0xef: {  	_ =	sdelay $0x3  }
0xf0: {  	_ =	sfence.sel $0x180000  }
0xf1: {  	[bflag:$0x0] =	sbarrier.arrive $0xFFFF  }
0xf2: {  	_ =	strace $0x9000004D  }
0xf3: {  	[bflag:$0x2] =	sbarrier.arrive $0xFFFF  }
0xf4: {  	p0 =	sne.s32 s4, $0x0;
	s0 =	rddreg [dreg:$0x1]  }
0xf5: {  	s0 =	sadd.s32 @!p0 $0x100000, s0  }
0xf6: {  	[sflag:s0] =	ssyncadd.tile.s32 @!p0 $0x1;
	_ =	shalt  }
.Lfunc_end2:
_tile_overlayer_lowered:
.L_overlay_start_2:
0xf7: {  	(tag) =	ssettag $0x2  }
0xf8: {  	s0 =	rddreg [dreg:$0x0];
	s2 =	stileid.u32  }
0xf9: {  	s1 =	rddreg [dreg:$0x1];
	p0 =	sne.s32 s2, $0x0  }
0xfa: {  	s3 =	rddreg [dreg:$0x2];
	[bflag:$0x3] =	sbarrier.arrive $0xFFFF;
	s2 =	simm.s32 @!p0 $0x1C02  }
0xfb: {  	[timem:s3], [sflag:s2] =	dma.local @!p0 [hbm:s0], s1  }
0xfc: {  	s0 =	simm.s32 @!p0 $0x2  }
0xfd: {  	_ =	swait.ge @!p0 [sflag:s0], s1  }
0xfe: {  	s1 =	ssub.s32 @!p0 $0x0, s1;
	[sflag:s0] =	ssyncset.done @!p0 $0x0  }
0xff: {  	[sflag:s0] =	ssyncadd.s32 @!p0 s1  }
0x100: {  	[bflag:$0x3] =	sbarrier.arrive $0xFFFF  }
0x101: {  	_ =	shalt  }

</sc_bundles>
